<compile_context>
chip_gen: v7x
topology: tpu7x:2x2x1
jax: 0.10.2.dev20260603
libtpu: 0.0.44.dev20260713+nightly
codegen_flags: <defaults>
</compile_context>

<pallas_src>
import functools

import jax
import jax.numpy as jnp
from jax import lax
from jax.experimental import pallas as pl
from jax.experimental.pallas import tpu as pltpu
from jax.experimental.pallas import tpu_sc as plsc

NC = 2
NS = 16
NW = NC * NS

N = 10000
E = 320000
D = 128

NPAD = 10240
RPT = NPAD // NS
EPW = E // NW
CHUNK = 80
NCHUNK = EPW // CHUNK

ROWS = 1000
GRID = N // ROWS

_MESH = plsc.VectorSubcoreMesh(
    core_axis_name="c", subcore_axis_name="s", num_cores=NC, num_subcores=NS
)


@functools.partial(
    pl.kernel,
    out_type=jax.ShapeDtypeStruct((NC, NPAD), jnp.float32),
    mesh=_MESH,
    scratch_types=[
        pltpu.VMEM_SHARED((NPAD,), jnp.float32),
        pltpu.VMEM((NCHUNK, CHUNK), jnp.int32),
        pltpu.VMEM((CHUNK,), jnp.float32),
        pltpu.VMEM((RPT,), jnp.float32),
        pltpu.SemaphoreType.DMA,
    ],
)
def _deg_kernel(dst3_hbm, out_hbm, acc, didx, ones, zbuf, semz):
    c = lax.axis_index("c")
    s = lax.axis_index("s")
    wid = s * NC + c

    pltpu.async_copy(dst3_hbm.at[wid], didx, semz)
    for i in range(CHUNK // 16):
        ones[pl.ds(i * 16, 16)] = jnp.ones((16,), jnp.float32)

    def zb(i, carry):
        zbuf[pl.ds(i * 16, 16)] = jnp.zeros((16,), jnp.float32)
        return carry

    lax.fori_loop(0, RPT // 16, zb, 0)
    pltpu.sync_copy(zbuf, acc.at[pl.ds(s * RPT, RPT)])
    pltpu.make_async_copy(dst3_hbm.at[wid], didx, semz).wait()
    plsc.subcore_barrier()

    G = 25

    def fire(g):
        for t in range(G):
            pltpu.async_copy(ones, acc.at[didx.at[g * G + t]], semz, add=True)

    def drain(g):
        for t in range(G):
            pltpu.make_async_copy(ones, acc.at[didx.at[g * G + t]], semz).wait()

    fire(0)

    def body(i, carry):
        fire(i + 1)
        drain(i)
        return carry

    lax.fori_loop(0, NCHUNK // G - 1, body, 0)
    drain(NCHUNK // G - 1)
    plsc.subcore_barrier()
    pltpu.sync_copy(acc.at[pl.ds(s * RPT, RPT)], out_hbm.at[c, pl.ds(s * RPT, RPT)])


@functools.partial(
    pl.kernel,
    out_type=jax.ShapeDtypeStruct((NC, NPAD, D), jnp.float32),
    mesh=_MESH,
    scratch_types=[
        pltpu.VMEM_SHARED((NPAD, D), jnp.float32),
        pltpu.VMEM((EPW,), jnp.int32),
        pltpu.VMEM((NCHUNK, CHUNK), jnp.int32),
        pltpu.VMEM((CHUNK, D), jnp.float32),
        pltpu.VMEM((CHUNK, D), jnp.float32),
        pltpu.SemaphoreType.DMA,
        pltpu.SemaphoreType.DMA,
    ],
)
def _seg_kernel(xs_hbm, src2_hbm, dst3_hbm, out_hbm, acc, sidx, didx,
                rows0, rows1, sem0, sem1):
    c = lax.axis_index("c")
    s = lax.axis_index("s")
    wid = s * NC + c

    pltpu.async_copy(src2_hbm.at[wid], sidx, sem0)
    pltpu.async_copy(dst3_hbm.at[wid], didx, sem1)

    def zb(i, carry):
        for b in range(D // 16):
            rows0[i, pl.ds(b * 16, 16)] = jnp.zeros((16,), jnp.float32)
        return carry

    lax.fori_loop(0, CHUNK, zb, 0)
    for k in range(RPT // CHUNK):
        pltpu.sync_copy(rows0, acc.at[pl.ds(s * RPT + k * CHUNK, CHUNK)])
    pltpu.make_async_copy(src2_hbm.at[wid], sidx, sem0).wait()
    pltpu.make_async_copy(dst3_hbm.at[wid], didx, sem1).wait()
    plsc.subcore_barrier()

    def gather(j, rows, sem):
        pltpu.async_copy(xs_hbm.at[sidx.at[pl.ds(j * CHUNK, CHUNK)]], rows, sem)

    def gwait(j, rows, sem):
        pltpu.make_async_copy(
            xs_hbm.at[sidx.at[pl.ds(j * CHUNK, CHUNK)]], rows, sem
        ).wait()

    gather(0, rows0, sem0)

    def body(i, carry):
        j0 = 2 * i
        gather(j0 + 1, rows1, sem1)
        gwait(j0, rows0, sem0)
        pltpu.sync_copy(rows0, acc.at[didx.at[j0]], add=True)
        gather(j0 + 2, rows0, sem0)
        gwait(j0 + 1, rows1, sem1)
        pltpu.sync_copy(rows1, acc.at[didx.at[j0 + 1]], add=True)
        return carry

    lax.fori_loop(0, (NCHUNK - 1) // 2, body, 0)
    gwait(NCHUNK - 1, rows0, sem0)
    pltpu.sync_copy(rows0, acc.at[didx.at[NCHUNK - 1]], add=True)
    plsc.subcore_barrier()
    pltpu.sync_copy(acc.at[pl.ds(s * RPT, RPT)], out_hbm.at[c, pl.ds(s * RPT, RPT)])


def _xs_body(x_ref, d0_ref, d1_ref, xs_ref, dv_ref):
    dinv = lax.rsqrt(d0_ref[...] + d1_ref[...] + 1.0)
    xs_ref[...] = x_ref[...] * dinv
    dv_ref[...] = dinv


_xs_call = pl.pallas_call(
    _xs_body,
    grid=(GRID,),
    in_specs=[
        pl.BlockSpec((ROWS, D), lambda i: (i, 0)),
        pl.BlockSpec((ROWS, 1), lambda i: (i, 0)),
        pl.BlockSpec((ROWS, 1), lambda i: (i, 0)),
    ],
    out_specs=[
        pl.BlockSpec((ROWS, D), lambda i: (i, 0)),
        pl.BlockSpec((ROWS, 1), lambda i: (i, 0)),
    ],
    out_shape=[
        jax.ShapeDtypeStruct((N, D), jnp.float32),
        jax.ShapeDtypeStruct((N, 1), jnp.float32),
    ],
)


def _out_body(s_ref, xs_ref, dv_ref, wmu_ref, bmu_ref, wls_ref, bls_ref,
              mu_ref, ls_ref):
    t = s_ref[0] + s_ref[1] + xs_ref[...]
    dinv = dv_ref[...]
    mu = jnp.dot(t, wmu_ref[...], preferred_element_type=jnp.float32)
    ls = jnp.dot(t, wls_ref[...], preferred_element_type=jnp.float32)
    mu_ref[...] = dinv * mu + bmu_ref[...]
    ls_ref[...] = dinv * ls + bls_ref[...]


_out_call = pl.pallas_call(
    _out_body,
    grid=(GRID,),
    in_specs=[
        pl.BlockSpec((NC, ROWS, D), lambda i: (0, i, 0)),
        pl.BlockSpec((ROWS, D), lambda i: (i, 0)),
        pl.BlockSpec((ROWS, 1), lambda i: (i, 0)),
        pl.BlockSpec((D, D), lambda i: (0, 0)),
        pl.BlockSpec((1, D), lambda i: (0, 0)),
        pl.BlockSpec((D, D), lambda i: (0, 0)),
        pl.BlockSpec((1, D), lambda i: (0, 0)),
    ],
    out_specs=[
        pl.BlockSpec((ROWS, D), lambda i: (i, 0)),
        pl.BlockSpec((ROWS, D), lambda i: (i, 0)),
    ],
    out_shape=[
        jax.ShapeDtypeStruct((N, D), jnp.float32),
        jax.ShapeDtypeStruct((N, D), jnp.float32),
    ],
)


def kernel(x, edge_index, W_mu, b_mu, W_logstd, b_logstd):
    src2 = edge_index[0].reshape(NW, EPW)
    dst3 = edge_index[1].reshape(NW, NCHUNK, CHUNK)
    degp = _deg_kernel(dst3)
    d0 = degp[0].reshape(NPAD, 1)
    d1 = degp[1].reshape(NPAD, 1)

    xs, dv = _xs_call(x, d0, d1)
    s = _seg_kernel(xs, src2, dst3)
    mu, ls = _out_call(s, xs, dv,
                       W_mu, b_mu.reshape(1, D), W_logstd, b_logstd.reshape(1, D))
    return mu, ls

# --- scband reference (transcript-rebuilt; emitter-appended) ---
"""Pipeline reference for scband-variational-linear-encoder-6760278524377 (READ-ONLY COPY).

The authoritative reference and input builder live on the scoring server;
editing this copy changes nothing except your own understanding.
"""

import jax, jax.numpy as jnp
import numpy as np


def gcn_conv(x, edge_index, W, b):
    # Faithful GCNConv: add self-loops, symmetric normalization D^-1/2 (A+I) D^-1/2,
    # linear transform, message = x_j * norm, scatter-add to dst, add bias.
    N = x.shape[0]
    src = edge_index[0]
    dst = edge_index[1]
    loop = jnp.arange(N, dtype=src.dtype)
    src = jnp.concatenate([src, loop])
    dst = jnp.concatenate([dst, loop])
    deg = jnp.zeros((N,), dtype=x.dtype).at[dst].add(jnp.ones_like(dst, dtype=x.dtype))
    dinv = jnp.where(deg > 0, jax.lax.rsqrt(jnp.maximum(deg, 1e-12)), 0.0)
    norm = dinv[src] * dinv[dst]
    h = x @ W
    msgs = h[src] * norm[:, None]
    out = jax.ops.segment_sum(msgs, dst, num_segments=N)
    return out + b


def setup_inputs(seed: int = 0) -> dict:
    key = jax.random.key(seed)
    k1, k2, k3, k4 = jax.random.split(key, 4)
    N = 10000
    E = 320000
    d_in = 128
    d_out = 128
    x = jax.random.normal(k1, (N, d_in), dtype=jnp.float32)
    edge_index = jax.random.randint(k2, (2, E), 0, N)
    scale = 1.0 / np.sqrt(d_in)
    W_mu = jax.random.normal(k3, (d_in, d_out), dtype=jnp.float32) * scale
    b_mu = jnp.zeros((d_out,), dtype=jnp.float32)
    W_logstd = jax.random.normal(k4, (d_in, d_out), dtype=jnp.float32) * scale
    b_logstd = jnp.zeros((d_out,), dtype=jnp.float32)
    return {
        "x": x,
        "edge_index": edge_index,
        "W_mu": W_mu,
        "b_mu": b_mu,
        "W_logstd": W_logstd,
        "b_logstd": b_logstd,
    }


def reference(x, edge_index, W_mu, b_mu, W_logstd, b_logstd):
    mu = gcn_conv(x, edge_index, W_mu, b_mu)
    logstd = gcn_conv(x, edge_index, W_logstd, b_logstd)
    return (mu, logstd)

if __name__ == "__main__":
    import jax
    _d = setup_inputs()
    print(jax.jit(kernel)(*tuple(_d.values())))

</pallas_src>

<mosaic_0001>
#map = affine_map<(d0, d1) -> (0, 0)>
#map1 = affine_map<(d0, d1) -> (0, 0, 0)>
module attributes {stable_mosaic.version = 14 : i64} {
  func.func @_seg_kernel(%arg0: i32, %arg1: i32, %arg2: memref<10000x128xf32, #tpu.memory_space<hbm>>, %arg3: memref<32x10000xi32, #tpu.memory_space<hbm>>, %arg4: memref<32x125x80xi32, #tpu.memory_space<hbm>>, %arg5: memref<2x10240x128xf32, #tpu.memory_space<hbm>>, %arg6: memref<10240x128xf32, #tpu.memory_space<vmem_shared>>, %arg7: memref<10000xi32, #tpu.memory_space<vmem>>, %arg8: memref<125x80xi32, #tpu.memory_space<vmem>>, %arg9: memref<80x128xf32, #tpu.memory_space<vmem>>, %arg10: memref<80x128xf32, #tpu.memory_space<vmem>>, %arg11: memref<!tpu.dma_semaphore, #tpu.memory_space<semaphore_mem>>, %arg12: memref<!tpu.dma_semaphore, #tpu.memory_space<semaphore_mem>>) attributes {dimension_semantics = [#tpu.dimension_semantics<core_parallel>, #tpu.dimension_semantics<subcore_parallel>], iteration_bounds = array<i64: 2, 16>, scalar_prefetch = 0 : i64, scratch_operands = 7 : i64, tpu.core_type = #tpu.core_type<sc_vector_subcore>, window_params = [{transform_indices = #map}, {transform_indices = #map}, {transform_indices = #map1}, {transform_indices = #map1}]} {
    %mul3A = arith.constant 2 : i32
    %mul3A_0 = arith.muli %arg1, %mul3A : i32
    %add3A = arith.addi %mul3A_0, %arg0 : i32
    %dma_start3A = arith.constant 0 : i32
    %dma_start3A_1 = tpu.memref_slice %arg3[%add3A, %dma_start3A] : memref<32x10000xi32, #tpu.memory_space<hbm>> -> memref<1x10000xi32, #tpu.memory_space<hbm>>
    %dma_start3A_2 = tpu.memref_squeeze %dma_start3A_1 : memref<1x10000xi32, #tpu.memory_space<hbm>> -> memref<10000xi32, #tpu.memory_space<hbm>>
    %dma_start3A_3 = arith.constant 0 : i32
    %dma_start3A_4 = tpu.memref_slice %arg3[%add3A, %dma_start3A_3] : memref<32x10000xi32, #tpu.memory_space<hbm>> -> memref<1x10000xi32, #tpu.memory_space<hbm>>
    %dma_start3A_5 = tpu.memref_squeeze %dma_start3A_4 : memref<1x10000xi32, #tpu.memory_space<hbm>> -> memref<10000xi32, #tpu.memory_space<hbm>>
    tpu.enqueue_dma source(%dma_start3A_5 : memref<10000xi32, #tpu.memory_space<hbm>>) target(%arg7 : memref<10000xi32, #tpu.memory_space<vmem>>) target_semaphore(%arg11 : memref<!tpu.dma_semaphore, #tpu.memory_space<semaphore_mem>>)
    %dma_start3A_6 = arith.constant 0 : i32
    %dma_start3A_7 = arith.constant 0 : i32
    %dma_start3A_8 = tpu.memref_slice %arg4[%add3A, %dma_start3A_6, %dma_start3A_7] : memref<32x125x80xi32, #tpu.memory_space<hbm>> -> memref<1x125x80xi32, #tpu.memory_space<hbm>>
    %dma_start3A_9 = tpu.memref_squeeze %dma_start3A_8 : memref<1x125x80xi32, #tpu.memory_space<hbm>> -> memref<125x80xi32, #tpu.memory_space<hbm>>
    %dma_start3A_10 = arith.constant 0 : i32
    %dma_start3A_11 = arith.constant 0 : i32
    %dma_start3A_12 = tpu.memref_slice %arg4[%add3A, %dma_start3A_10, %dma_start3A_11] : memref<32x125x80xi32, #tpu.memory_space<hbm>> -> memref<1x125x80xi32, #tpu.memory_space<hbm>>
    %dma_start3A_13 = tpu.memref_squeeze %dma_start3A_12 : memref<1x125x80xi32, #tpu.memory_space<hbm>> -> memref<125x80xi32, #tpu.memory_space<hbm>>
    tpu.enqueue_dma source(%dma_start3A_13 : memref<125x80xi32, #tpu.memory_space<hbm>>) target(%arg8 : memref<125x80xi32, #tpu.memory_space<vmem>>) target_semaphore(%arg12 : memref<!tpu.dma_semaphore, #tpu.memory_space<semaphore_mem>>)
    %scan3A = arith.constant 0 : i32
    %scan3A_14 = arith.constant 0 : i32
    %scan3A_15 = arith.constant 80 : i32
    %scan3A_16 = arith.addi %scan3A_14, %scan3A_15 : i32
    %scan3A_17 = arith.constant 1 : i32
    scf.for %scan3A_85 = %scan3A_14 to %scan3A_16 step %scan3A_17  : i32 {
      %broadcast_in_dim3A = arith.constant 0.000000e+00 : f32
      %broadcast_in_dim3A_86 = vector.broadcast %broadcast_in_dim3A : f32 to vector<16xf32>
      %swap3A = arith.index_cast %scan3A_85 : i32 to index
      %swap3A_87 = arith.constant 0 : index
      %swap3A_88 = tpu.vector_load %arg9[%swap3A, %swap3A_87] {strides = array<i32>} : memref<80x128xf32, #tpu.memory_space<vmem>>, vector<1x16xf32>,
      %swap3A_89 = vector.shape_cast %swap3A_88 : vector<1x16xf32> to vector<16xf32>
      %swap3A_90 = vector.shape_cast %broadcast_in_dim3A_86 : vector<16xf32> to vector<1x16xf32>
      tpu.vector_store %arg9[%swap3A, %swap3A_87], %swap3A_90 {strides = array<i32>} : memref<80x128xf32, #tpu.memory_space<vmem>>, vector<1x16xf32>,
      %broadcast_in_dim3A_91 = arith.constant 0.000000e+00 : f32
      %broadcast_in_dim3A_92 = vector.broadcast %broadcast_in_dim3A_91 : f32 to vector<16xf32>
      %swap3A_93 = arith.index_cast %scan3A_85 : i32 to index
      %swap3A_94 = arith.constant 16 : index
      %swap3A_95 = tpu.vector_load %arg9[%swap3A_93, %swap3A_94] {strides = array<i32>} : memref<80x128xf32, #tpu.memory_space<vmem>>, vector<1x16xf32>,
      %swap3A_96 = vector.shape_cast %swap3A_95 : vector<1x16xf32> to vector<16xf32>
      %swap3A_97 = vector.shape_cast %broadcast_in_dim3A_92 : vector<16xf32> to vector<1x16xf32>
      tpu.vector_store %arg9[%swap3A_93, %swap3A_94], %swap3A_97 {strides = array<i32>} : memref<80x128xf32, #tpu.memory_space<vmem>>, vector<1x16xf32>,
      %broadcast_in_dim3A_98 = arith.constant 0.000000e+00 : f32
      %broadcast_in_dim3A_99 = vector.broadcast %broadcast_in_dim3A_98 : f32 to vector<16xf32>
      %swap3A_100 = arith.index_cast %scan3A_85 : i32 to index
      %swap3A_101 = arith.constant 32 : index
      %swap3A_102 = tpu.vector_load %arg9[%swap3A_100, %swap3A_101] {strides = array<i32>} : memref<80x128xf32, #tpu.memory_space<vmem>>, vector<1x16xf32>,
      %swap3A_103 = vector.shape_cast %swap3A_102 : vector<1x16xf32> to vector<16xf32>
      %swap3A_104 = vector.shape_cast %broadcast_in_dim3A_99 : vector<16xf32> to vector<1x16xf32>
      tpu.vector_store %arg9[%swap3A_100, %swap3A_101], %swap3A_104 {strides = array<i32>} : memref<80x128xf32, #tpu.memory_space<vmem>>, vector<1x16xf32>,
      %broadcast_in_dim3A_105 = arith.constant 0.000000e+00 : f32
      %broadcast_in_dim3A_106 = vector.broadcast %broadcast_in_dim3A_105 : f32 to vector<16xf32>
      %swap3A_107 = arith.index_cast %scan3A_85 : i32 to index
      %swap3A_108 = arith.constant 48 : index
      %swap3A_109 = tpu.vector_load %arg9[%swap3A_107, %swap3A_108] {strides = array<i32>} : memref<80x128xf32, #tpu.memory_space<vmem>>, vector<1x16xf32>,
      %swap3A_110 = vector.shape_cast %swap3A_109 : vector<1x16xf32> to vector<16xf32>
      %swap3A_111 = vector.shape_cast %broadcast_in_dim3A_106 : vector<16xf32> to vector<1x16xf32>
      tpu.vector_store %arg9[%swap3A_107, %swap3A_108], %swap3A_111 {strides = array<i32>} : memref<80x128xf32, #tpu.memory_space<vmem>>, vector<1x16xf32>,
      %broadcast_in_dim3A_112 = arith.constant 0.000000e+00 : f32
      %broadcast_in_dim3A_113 = vector.broadcast %broadcast_in_dim3A_112 : f32 to vector<16xf32>
      %swap3A_114 = arith.index_cast %scan3A_85 : i32 to index
      %swap3A_115 = arith.constant 64 : index
      %swap3A_116 = tpu.vector_load %arg9[%swap3A_114, %swap3A_115] {strides = array<i32>} : memref<80x128xf32, #tpu.memory_space<vmem>>, vector<1x16xf32>,
      %swap3A_117 = vector.shape_cast %swap3A_116 : vector<1x16xf32> to vector<16xf32>
      %swap3A_118 = vector.shape_cast %broadcast_in_dim3A_113 : vector<16xf32> to vector<1x16xf32>
      tpu.vector_store %arg9[%swap3A_114, %swap3A_115], %swap3A_118 {strides = array<i32>} : memref<80x128xf32, #tpu.memory_space<vmem>>, vector<1x16xf32>,
      %broadcast_in_dim3A_119 = arith.constant 0.000000e+00 : f32
      %broadcast_in_dim3A_120 = vector.broadcast %broadcast_in_dim3A_119 : f32 to vector<16xf32>
      %swap3A_121 = arith.index_cast %scan3A_85 : i32 to index
      %swap3A_122 = arith.constant 80 : index
      %swap3A_123 = tpu.vector_load %arg9[%swap3A_121, %swap3A_122] {strides = array<i32>} : memref<80x128xf32, #tpu.memory_space<vmem>>, vector<1x16xf32>,
      %swap3A_124 = vector.shape_cast %swap3A_123 : vector<1x16xf32> to vector<16xf32>
      %swap3A_125 = vector.shape_cast %broadcast_in_dim3A_120 : vector<16xf32> to vector<1x16xf32>
      tpu.vector_store %arg9[%swap3A_121, %swap3A_122], %swap3A_125 {strides = array<i32>} : memref<80x128xf32, #tpu.memory_space<vmem>>, vector<1x16xf32>,
      %broadcast_in_dim3A_126 = arith.constant 0.000000e+00 : f32
      %broadcast_in_dim3A_127 = vector.broadcast %broadcast_in_dim3A_126 : f32 to vector<16xf32>
      %swap3A_128 = arith.index_cast %scan3A_85 : i32 to index
      %swap3A_129 = arith.constant 96 : index
      %swap3A_130 = tpu.vector_load %arg9[%swap3A_128, %swap3A_129] {strides = array<i32>} : memref<80x128xf32, #tpu.memory_space<vmem>>, vector<1x16xf32>,
      %swap3A_131 = vector.shape_cast %swap3A_130 : vector<1x16xf32> to vector<16xf32>
      %swap3A_132 = vector.shape_cast %broadcast_in_dim3A_127 : vector<16xf32> to vector<1x16xf32>
      tpu.vector_store %arg9[%swap3A_128, %swap3A_129], %swap3A_132 {strides = array<i32>} : memref<80x128xf32, #tpu.memory_space<vmem>>, vector<1x16xf32>,
      %broadcast_in_dim3A_133 = arith.constant 0.000000e+00 : f32
      %broadcast_in_dim3A_134 = vector.broadcast %broadcast_in_dim3A_133 : f32 to vector<16xf32>
      %swap3A_135 = arith.index_cast %scan3A_85 : i32 to index
      %swap3A_136 = arith.constant 112 : index
      %swap3A_137 = tpu.vector_load %arg9[%swap3A_135, %swap3A_136] {strides = array<i32>} : memref<80x128xf32, #tpu.memory_space<vmem>>, vector<1x16xf32>,
      %swap3A_138 = vector.shape_cast %swap3A_137 : vector<1x16xf32> to vector<16xf32>
      %swap3A_139 = vector.shape_cast %broadcast_in_dim3A_134 : vector<16xf32> to vector<1x16xf32>
      tpu.vector_store %arg9[%swap3A_135, %swap3A_136], %swap3A_139 {strides = array<i32>} : memref<80x128xf32, #tpu.memory_space<vmem>>, vector<1x16xf32>,
    }
    %scan3A_18 = arith.constant 80 : i32
    %mul3A_19 = arith.constant 640 : i32
    %mul3A_20 = arith.muli %arg1, %mul3A_19 : i32
    %add3A_21 = arith.constant 0 : i32
    %add3A_22 = arith.addi %mul3A_20, %add3A_21 : i32
    "tpu.region"() ({
      %run_scoped3A_85 = tpu.sem_alloc : memref<!tpu.dma_semaphore, #tpu.memory_space<semaphore_mem>>
      %dma_start3A_86 = arith.constant 0 : i32
      %dma_start3A_87 = tpu.memref_slice %arg6[%add3A_22, %dma_start3A_86] : memref<10240x128xf32, #tpu.memory_space<vmem_shared>> -> memref<80x128xf32, #tpu.memory_space<vmem_shared>>
      %dma_start3A_88 = arith.constant 0 : i32
      %dma_start3A_89 = tpu.memref_slice %arg6[%add3A_22, %dma_start3A_88] : memref<10240x128xf32, #tpu.memory_space<vmem_shared>> -> memref<80x128xf32, #tpu.memory_space<vmem_shared>>
      tpu.enqueue_dma source(%arg9 : memref<80x128xf32, #tpu.memory_space<vmem>>) target(%dma_start3A_89 : memref<80x128xf32, #tpu.memory_space<vmem_shared>>) target_semaphore(%run_scoped3A_85 : memref<!tpu.dma_semaphore, #tpu.memory_space<semaphore_mem>>)
      %dma_wait3A_90 = arith.constant 0 : i32
      %dma_wait3A_91 = tpu.memref_slice %arg6[%add3A_22, %dma_wait3A_90] : memref<10240x128xf32, #tpu.memory_space<vmem_shared>> -> memref<80x128xf32, #tpu.memory_space<vmem_shared>>
      %dma_wait3A_92 = arith.constant 0 : i32
      %dma_wait3A_93 = tpu.memref_slice %arg6[%add3A_22, %dma_wait3A_92] : memref<10240x128xf32, #tpu.memory_space<vmem_shared>> -> memref<80x128xf32, #tpu.memory_space<vmem_shared>>
      tpu.wait_dma2 semaphore(%run_scoped3A_85 : memref<!tpu.dma_semaphore, #tpu.memory_space<semaphore_mem>>) src(%arg9 : memref<80x128xf32, #tpu.memory_space<vmem>>) dst(%dma_wait3A_93 : memref<80x128xf32, #tpu.memory_space<vmem_shared>>)
      tpu.yield
    }) : () -> ()
    %mul3A_23 = arith.constant 640 : i32
    %mul3A_24 = arith.muli %arg1, %mul3A_23 : i32
    %add3A_25 = arith.constant 80 : i32
    %add3A_26 = arith.addi %mul3A_24, %add3A_25 : i32
    "tpu.region"() ({
      %run_scoped3A_85 = tpu.sem_alloc : memref<!tpu.dma_semaphore, #tpu.memory_space<semaphore_mem>>
      %dma_start3A_86 = arith.constant 0 : i32
      %dma_start3A_87 = tpu.memref_slice %arg6[%add3A_26, %dma_start3A_86] : memref<10240x128xf32, #tpu.memory_space<vmem_shared>> -> memref<80x128xf32, #tpu.memory_space<vmem_shared>>
      %dma_start3A_88 = arith.constant 0 : i32
      %dma_start3A_89 = tpu.memref_slice %arg6[%add3A_26, %dma_start3A_88] : memref<10240x128xf32, #tpu.memory_space<vmem_shared>> -> memref<80x128xf32, #tpu.memory_space<vmem_shared>>
      tpu.enqueue_dma source(%arg9 : memref<80x128xf32, #tpu.memory_space<vmem>>) target(%dma_start3A_89 : memref<80x128xf32, #tpu.memory_space<vmem_shared>>) target_semaphore(%run_scoped3A_85 : memref<!tpu.dma_semaphore, #tpu.memory_space<semaphore_mem>>)
      %dma_wait3A_90 = arith.constant 0 : i32
      %dma_wait3A_91 = tpu.memref_slice %arg6[%add3A_26, %dma_wait3A_90] : memref<10240x128xf32, #tpu.memory_space<vmem_shared>> -> memref<80x128xf32, #tpu.memory_space<vmem_shared>>
      %dma_wait3A_92 = arith.constant 0 : i32
      %dma_wait3A_93 = tpu.memref_slice %arg6[%add3A_26, %dma_wait3A_92] : memref<10240x128xf32, #tpu.memory_space<vmem_shared>> -> memref<80x128xf32, #tpu.memory_space<vmem_shared>>
      tpu.wait_dma2 semaphore(%run_scoped3A_85 : memref<!tpu.dma_semaphore, #tpu.memory_space<semaphore_mem>>) src(%arg9 : memref<80x128xf32, #tpu.memory_space<vmem>>) dst(%dma_wait3A_93 : memref<80x128xf32, #tpu.memory_space<vmem_shared>>)
      tpu.yield
    }) : () -> ()
    %mul3A_27 = arith.constant 640 : i32
    %mul3A_28 = arith.muli %arg1, %mul3A_27 : i32
    %add3A_29 = arith.constant 160 : i32
    %add3A_30 = arith.addi %mul3A_28, %add3A_29 : i32
    "tpu.region"() ({
      %run_scoped3A_85 = tpu.sem_alloc : memref<!tpu.dma_semaphore, #tpu.memory_space<semaphore_mem>>
      %dma_start3A_86 = arith.constant 0 : i32
      %dma_start3A_87 = tpu.memref_slice %arg6[%add3A_30, %dma_start3A_86] : memref<10240x128xf32, #tpu.memory_space<vmem_shared>> -> memref<80x128xf32, #tpu.memory_space<vmem_shared>>
      %dma_start3A_88 = arith.constant 0 : i32
      %dma_start3A_89 = tpu.memref_slice %arg6[%add3A_30, %dma_start3A_88] : memref<10240x128xf32, #tpu.memory_space<vmem_shared>> -> memref<80x128xf32, #tpu.memory_space<vmem_shared>>
      tpu.enqueue_dma source(%arg9 : memref<80x128xf32, #tpu.memory_space<vmem>>) target(%dma_start3A_89 : memref<80x128xf32, #tpu.memory_space<vmem_shared>>) target_semaphore(%run_scoped3A_85 : memref<!tpu.dma_semaphore, #tpu.memory_space<semaphore_mem>>)
      %dma_wait3A_90 = arith.constant 0 : i32
      %dma_wait3A_91 = tpu.memref_slice %arg6[%add3A_30, %dma_wait3A_90] : memref<10240x128xf32, #tpu.memory_space<vmem_shared>> -> memref<80x128xf32, #tpu.memory_space<vmem_shared>>
      %dma_wait3A_92 = arith.constant 0 : i32
      %dma_wait3A_93 = tpu.memref_slice %arg6[%add3A_30, %dma_wait3A_92] : memref<10240x128xf32, #tpu.memory_space<vmem_shared>> -> memref<80x128xf32, #tpu.memory_space<vmem_shared>>
      tpu.wait_dma2 semaphore(%run_scoped3A_85 : memref<!tpu.dma_semaphore, #tpu.memory_space<semaphore_mem>>) src(%arg9 : memref<80x128xf32, #tpu.memory_space<vmem>>) dst(%dma_wait3A_93 : memref<80x128xf32, #tpu.memory_space<vmem_shared>>)
      tpu.yield
    }) : () -> ()
    %mul3A_31 = arith.constant 640 : i32
    %mul3A_32 = arith.muli %arg1, %mul3A_31 : i32
    %add3A_33 = arith.constant 240 : i32
    %add3A_34 = arith.addi %mul3A_32, %add3A_33 : i32
    "tpu.region"() ({
      %run_scoped3A_85 = tpu.sem_alloc : memref<!tpu.dma_semaphore, #tpu.memory_space<semaphore_mem>>
      %dma_start3A_86 = arith.constant 0 : i32
      %dma_start3A_87 = tpu.memref_slice %arg6[%add3A_34, %dma_start3A_86] : memref<10240x128xf32, #tpu.memory_space<vmem_shared>> -> memref<80x128xf32, #tpu.memory_space<vmem_shared>>
      %dma_start3A_88 = arith.constant 0 : i32
      %dma_start3A_89 = tpu.memref_slice %arg6[%add3A_34, %dma_start3A_88] : memref<10240x128xf32, #tpu.memory_space<vmem_shared>> -> memref<80x128xf32, #tpu.memory_space<vmem_shared>>
      tpu.enqueue_dma source(%arg9 : memref<80x128xf32, #tpu.memory_space<vmem>>) target(%dma_start3A_89 : memref<80x128xf32, #tpu.memory_space<vmem_shared>>) target_semaphore(%run_scoped3A_85 : memref<!tpu.dma_semaphore, #tpu.memory_space<semaphore_mem>>)
      %dma_wait3A_90 = arith.constant 0 : i32
      %dma_wait3A_91 = tpu.memref_slice %arg6[%add3A_34, %dma_wait3A_90] : memref<10240x128xf32, #tpu.memory_space<vmem_shared>> -> memref<80x128xf32, #tpu.memory_space<vmem_shared>>
      %dma_wait3A_92 = arith.constant 0 : i32
      %dma_wait3A_93 = tpu.memref_slice %arg6[%add3A_34, %dma_wait3A_92] : memref<10240x128xf32, #tpu.memory_space<vmem_shared>> -> memref<80x128xf32, #tpu.memory_space<vmem_shared>>
      tpu.wait_dma2 semaphore(%run_scoped3A_85 : memref<!tpu.dma_semaphore, #tpu.memory_space<semaphore_mem>>) src(%arg9 : memref<80x128xf32, #tpu.memory_space<vmem>>) dst(%dma_wait3A_93 : memref<80x128xf32, #tpu.memory_space<vmem_shared>>)
      tpu.yield
    }) : () -> ()
    %mul3A_35 = arith.constant 640 : i32
    %mul3A_36 = arith.muli %arg1, %mul3A_35 : i32
    %add3A_37 = arith.constant 320 : i32
    %add3A_38 = arith.addi %mul3A_36, %add3A_37 : i32
    "tpu.region"() ({
      %run_scoped3A_85 = tpu.sem_alloc : memref<!tpu.dma_semaphore, #tpu.memory_space<semaphore_mem>>
      %dma_start3A_86 = arith.constant 0 : i32
      %dma_start3A_87 = tpu.memref_slice %arg6[%add3A_38, %dma_start3A_86] : memref<10240x128xf32, #tpu.memory_space<vmem_shared>> -> memref<80x128xf32, #tpu.memory_space<vmem_shared>>
      %dma_start3A_88 = arith.constant 0 : i32
      %dma_start3A_89 = tpu.memref_slice %arg6[%add3A_38, %dma_start3A_88] : memref<10240x128xf32, #tpu.memory_space<vmem_shared>> -> memref<80x128xf32, #tpu.memory_space<vmem_shared>>
      tpu.enqueue_dma source(%arg9 : memref<80x128xf32, #tpu.memory_space<vmem>>) target(%dma_start3A_89 : memref<80x128xf32, #tpu.memory_space<vmem_shared>>) target_semaphore(%run_scoped3A_85 : memref<!tpu.dma_semaphore, #tpu.memory_space<semaphore_mem>>)
      %dma_wait3A_90 = arith.constant 0 : i32
      %dma_wait3A_91 = tpu.memref_slice %arg6[%add3A_38, %dma_wait3A_90] : memref<10240x128xf32, #tpu.memory_space<vmem_shared>> -> memref<80x128xf32, #tpu.memory_space<vmem_shared>>
      %dma_wait3A_92 = arith.constant 0 : i32
      %dma_wait3A_93 = tpu.memref_slice %arg6[%add3A_38, %dma_wait3A_92] : memref<10240x128xf32, #tpu.memory_space<vmem_shared>> -> memref<80x128xf32, #tpu.memory_space<vmem_shared>>
      tpu.wait_dma2 semaphore(%run_scoped3A_85 : memref<!tpu.dma_semaphore, #tpu.memory_space<semaphore_mem>>) src(%arg9 : memref<80x128xf32, #tpu.memory_space<vmem>>) dst(%dma_wait3A_93 : memref<80x128xf32, #tpu.memory_space<vmem_shared>>)
      tpu.yield
    }) : () -> ()
    %mul3A_39 = arith.constant 640 : i32
    %mul3A_40 = arith.muli %arg1, %mul3A_39 : i32
    %add3A_41 = arith.constant 400 : i32
    %add3A_42 = arith.addi %mul3A_40, %add3A_41 : i32
    "tpu.region"() ({
      %run_scoped3A_85 = tpu.sem_alloc : memref<!tpu.dma_semaphore, #tpu.memory_space<semaphore_mem>>
      %dma_start3A_86 = arith.constant 0 : i32
      %dma_start3A_87 = tpu.memref_slice %arg6[%add3A_42, %dma_start3A_86] : memref<10240x128xf32, #tpu.memory_space<vmem_shared>> -> memref<80x128xf32, #tpu.memory_space<vmem_shared>>
      %dma_start3A_88 = arith.constant 0 : i32
      %dma_start3A_89 = tpu.memref_slice %arg6[%add3A_42, %dma_start3A_88] : memref<10240x128xf32, #tpu.memory_space<vmem_shared>> -> memref<80x128xf32, #tpu.memory_space<vmem_shared>>
      tpu.enqueue_dma source(%arg9 : memref<80x128xf32, #tpu.memory_space<vmem>>) target(%dma_start3A_89 : memref<80x128xf32, #tpu.memory_space<vmem_shared>>) target_semaphore(%run_scoped3A_85 : memref<!tpu.dma_semaphore, #tpu.memory_space<semaphore_mem>>)
      %dma_wait3A_90 = arith.constant 0 : i32
      %dma_wait3A_91 = tpu.memref_slice %arg6[%add3A_42, %dma_wait3A_90] : memref<10240x128xf32, #tpu.memory_space<vmem_shared>> -> memref<80x128xf32, #tpu.memory_space<vmem_shared>>
      %dma_wait3A_92 = arith.constant 0 : i32
      %dma_wait3A_93 = tpu.memref_slice %arg6[%add3A_42, %dma_wait3A_92] : memref<10240x128xf32, #tpu.memory_space<vmem_shared>> -> memref<80x128xf32, #tpu.memory_space<vmem_shared>>
      tpu.wait_dma2 semaphore(%run_scoped3A_85 : memref<!tpu.dma_semaphore, #tpu.memory_space<semaphore_mem>>) src(%arg9 : memref<80x128xf32, #tpu.memory_space<vmem>>) dst(%dma_wait3A_93 : memref<80x128xf32, #tpu.memory_space<vmem_shared>>)
      tpu.yield
    }) : () -> ()
    %mul3A_43 = arith.constant 640 : i32
    %mul3A_44 = arith.muli %arg1, %mul3A_43 : i32
    %add3A_45 = arith.constant 480 : i32
    %add3A_46 = arith.addi %mul3A_44, %add3A_45 : i32
    "tpu.region"() ({
      %run_scoped3A_85 = tpu.sem_alloc : memref<!tpu.dma_semaphore, #tpu.memory_space<semaphore_mem>>
      %dma_start3A_86 = arith.constant 0 : i32
      %dma_start3A_87 = tpu.memref_slice %arg6[%add3A_46, %dma_start3A_86] : memref<10240x128xf32, #tpu.memory_space<vmem_shared>> -> memref<80x128xf32, #tpu.memory_space<vmem_shared>>
      %dma_start3A_88 = arith.constant 0 : i32
      %dma_start3A_89 = tpu.memref_slice %arg6[%add3A_46, %dma_start3A_88] : memref<10240x128xf32, #tpu.memory_space<vmem_shared>> -> memref<80x128xf32, #tpu.memory_space<vmem_shared>>
      tpu.enqueue_dma source(%arg9 : memref<80x128xf32, #tpu.memory_space<vmem>>) target(%dma_start3A_89 : memref<80x128xf32, #tpu.memory_space<vmem_shared>>) target_semaphore(%run_scoped3A_85 : memref<!tpu.dma_semaphore, #tpu.memory_space<semaphore_mem>>)
      %dma_wait3A_90 = arith.constant 0 : i32
      %dma_wait3A_91 = tpu.memref_slice %arg6[%add3A_46, %dma_wait3A_90] : memref<10240x128xf32, #tpu.memory_space<vmem_shared>> -> memref<80x128xf32, #tpu.memory_space<vmem_shared>>
      %dma_wait3A_92 = arith.constant 0 : i32
      %dma_wait3A_93 = tpu.memref_slice %arg6[%add3A_46, %dma_wait3A_92] : memref<10240x128xf32, #tpu.memory_space<vmem_shared>> -> memref<80x128xf32, #tpu.memory_space<vmem_shared>>
      tpu.wait_dma2 semaphore(%run_scoped3A_85 : memref<!tpu.dma_semaphore, #tpu.memory_space<semaphore_mem>>) src(%arg9 : memref<80x128xf32, #tpu.memory_space<vmem>>) dst(%dma_wait3A_93 : memref<80x128xf32, #tpu.memory_space<vmem_shared>>)
      tpu.yield
    }) : () -> ()
    %mul3A_47 = arith.constant 640 : i32
    %mul3A_48 = arith.muli %arg1, %mul3A_47 : i32
    %add3A_49 = arith.constant 560 : i32
    %add3A_50 = arith.addi %mul3A_48, %add3A_49 : i32
    "tpu.region"() ({
      %run_scoped3A_85 = tpu.sem_alloc : memref<!tpu.dma_semaphore, #tpu.memory_space<semaphore_mem>>
      %dma_start3A_86 = arith.constant 0 : i32
      %dma_start3A_87 = tpu.memref_slice %arg6[%add3A_50, %dma_start3A_86] : memref<10240x128xf32, #tpu.memory_space<vmem_shared>> -> memref<80x128xf32, #tpu.memory_space<vmem_shared>>
      %dma_start3A_88 = arith.constant 0 : i32
      %dma_start3A_89 = tpu.memref_slice %arg6[%add3A_50, %dma_start3A_88] : memref<10240x128xf32, #tpu.memory_space<vmem_shared>> -> memref<80x128xf32, #tpu.memory_space<vmem_shared>>
      tpu.enqueue_dma source(%arg9 : memref<80x128xf32, #tpu.memory_space<vmem>>) target(%dma_start3A_89 : memref<80x128xf32, #tpu.memory_space<vmem_shared>>) target_semaphore(%run_scoped3A_85 : memref<!tpu.dma_semaphore, #tpu.memory_space<semaphore_mem>>)
      %dma_wait3A_90 = arith.constant 0 : i32
      %dma_wait3A_91 = tpu.memref_slice %arg6[%add3A_50, %dma_wait3A_90] : memref<10240x128xf32, #tpu.memory_space<vmem_shared>> -> memref<80x128xf32, #tpu.memory_space<vmem_shared>>
      %dma_wait3A_92 = arith.constant 0 : i32
      %dma_wait3A_93 = tpu.memref_slice %arg6[%add3A_50, %dma_wait3A_92] : memref<10240x128xf32, #tpu.memory_space<vmem_shared>> -> memref<80x128xf32, #tpu.memory_space<vmem_shared>>
      tpu.wait_dma2 semaphore(%run_scoped3A_85 : memref<!tpu.dma_semaphore, #tpu.memory_space<semaphore_mem>>) src(%arg9 : memref<80x128xf32, #tpu.memory_space<vmem>>) dst(%dma_wait3A_93 : memref<80x128xf32, #tpu.memory_space<vmem_shared>>)
      tpu.yield
    }) : () -> ()
    %dma_wait3A = arith.constant 0 : i32
    %dma_wait3A_51 = tpu.memref_slice %arg3[%add3A, %dma_wait3A] : memref<32x10000xi32, #tpu.memory_space<hbm>> -> memref<1x10000xi32, #tpu.memory_space<hbm>>
    %dma_wait3A_52 = tpu.memref_squeeze %dma_wait3A_51 : memref<1x10000xi32, #tpu.memory_space<hbm>> -> memref<10000xi32, #tpu.memory_space<hbm>>
    %dma_wait3A_53 = arith.constant 0 : i32
    %dma_wait3A_54 = tpu.memref_slice %arg3[%add3A, %dma_wait3A_53] : memref<32x10000xi32, #tpu.memory_space<hbm>> -> memref<1x10000xi32, #tpu.memory_space<hbm>>
    %dma_wait3A_55 = tpu.memref_squeeze %dma_wait3A_54 : memref<1x10000xi32, #tpu.memory_space<hbm>> -> memref<10000xi32, #tpu.memory_space<hbm>>
    tpu.wait_dma2 semaphore(%arg11 : memref<!tpu.dma_semaphore, #tpu.memory_space<semaphore_mem>>) src(%dma_wait3A_55 : memref<10000xi32, #tpu.memory_space<hbm>>) dst(%arg7 : memref<10000xi32, #tpu.memory_space<vmem>>)
    %dma_wait3A_56 = arith.constant 0 : i32
    %dma_wait3A_57 = arith.constant 0 : i32
    %dma_wait3A_58 = tpu.memref_slice %arg4[%add3A, %dma_wait3A_56, %dma_wait3A_57] : memref<32x125x80xi32, #tpu.memory_space<hbm>> -> memref<1x125x80xi32, #tpu.memory_space<hbm>>
    %dma_wait3A_59 = tpu.memref_squeeze %dma_wait3A_58 : memref<1x125x80xi32, #tpu.memory_space<hbm>> -> memref<125x80xi32, #tpu.memory_space<hbm>>
    %dma_wait3A_60 = arith.constant 0 : i32
    %dma_wait3A_61 = arith.constant 0 : i32
    %dma_wait3A_62 = tpu.memref_slice %arg4[%add3A, %dma_wait3A_60, %dma_wait3A_61] : memref<32x125x80xi32, #tpu.memory_space<hbm>> -> memref<1x125x80xi32, #tpu.memory_space<hbm>>
    %dma_wait3A_63 = tpu.memref_squeeze %dma_wait3A_62 : memref<1x125x80xi32, #tpu.memory_space<hbm>> -> memref<125x80xi32, #tpu.memory_space<hbm>>
    tpu.wait_dma2 semaphore(%arg12 : memref<!tpu.dma_semaphore, #tpu.memory_space<semaphore_mem>>) src(%dma_wait3A_63 : memref<125x80xi32, #tpu.memory_space<hbm>>) dst(%arg8 : memref<125x80xi32, #tpu.memory_space<vmem>>)
    %barrier3A = arith.constant 0 : index
    tpu.barrier barrier_id(%barrier3A)
    %dma_start3A_64 = arith.constant 0 : i32
    %dma_start3A_65 = tpu.memref_slice %arg7[%dma_start3A_64] : memref<10000xi32, #tpu.memory_space<vmem>> -> memref<80xi32, #tpu.memory_space<vmem>>
    %dma_start3A_66 = arith.constant 0 : i32
    %dma_start3A_67 = arith.constant 0 : i32
    %dma_start3A_68 = tpu.memref_slice %arg2[%dma_start3A_66, %dma_start3A_67] : memref<10000x128xf32, #tpu.memory_space<hbm>> -> memref<10000x128xf32, #tpu.memory_space<hbm>>
    tpu.enqueue_indirect_dma source(%dma_start3A_68 : memref<10000x128xf32, #tpu.memory_space<hbm>>) target(%arg9 : memref<80x128xf32, #tpu.memory_space<vmem>>) offsets(%dma_start3A_65 : memref<80xi32, #tpu.memory_space<vmem>>) semaphore(%arg11 : memref<!tpu.dma_semaphore, #tpu.memory_space<semaphore_mem>>)
    %scan3A_69 = arith.constant 0 : i32
    %scan3A_70 = arith.constant 0 : i32
    %scan3A_71 = arith.constant 62 : i32
    %scan3A_72 = arith.addi %scan3A_70, %scan3A_71 : i32
    %scan3A_73 = arith.constant 1 : i32
    scf.for %scan3A_85 = %scan3A_70 to %scan3A_72 step %scan3A_73  : i32 {
      %mul3A_86 = arith.constant 2 : i32
      %mul3A_87 = arith.muli %mul3A_86, %scan3A_85 : i32
      %add3A_88 = arith.constant 1 : i32
      %add3A_89 = arith.addi %mul3A_87, %add3A_88 : i32
      %mul3A_90 = arith.constant 80 : i32
      %mul3A_91 = arith.muli %add3A_89, %mul3A_90 : i32
      %dma_start3A_92 = tpu.memref_slice %arg7[%mul3A_91] : memref<10000xi32, #tpu.memory_space<vmem>> -> memref<80xi32, #tpu.memory_space<vmem>>
      %dma_start3A_93 = arith.constant 0 : i32
      %dma_start3A_94 = arith.constant 0 : i32
      %dma_start3A_95 = tpu.memref_slice %arg2[%dma_start3A_93, %dma_start3A_94] : memref<10000x128xf32, #tpu.memory_space<hbm>> -> memref<10000x128xf32, #tpu.memory_space<hbm>>
      tpu.enqueue_indirect_dma source(%dma_start3A_95 : memref<10000x128xf32, #tpu.memory_space<hbm>>) target(%arg10 : memref<80x128xf32, #tpu.memory_space<vmem>>) offsets(%dma_start3A_92 : memref<80xi32, #tpu.memory_space<vmem>>) semaphore(%arg12 : memref<!tpu.dma_semaphore, #tpu.memory_space<semaphore_mem>>)
      %mul3A_96 = arith.constant 80 : i32
      %mul3A_97 = arith.muli %mul3A_87, %mul3A_96 : i32
      %dma_wait3A_98 = tpu.memref_slice %arg7[%mul3A_97] : memref<10000xi32, #tpu.memory_space<vmem>> -> memref<80xi32, #tpu.memory_space<vmem>>
      %dma_wait3A_99 = arith.constant 0 : i32
      %dma_wait3A_100 = arith.constant 0 : i32
      %dma_wait3A_101 = tpu.memref_slice %arg2[%dma_wait3A_99, %dma_wait3A_100] : memref<10000x128xf32, #tpu.memory_space<hbm>> -> memref<10000x128xf32, #tpu.memory_space<hbm>>
      tpu.wait_indirect_dma semaphore(%arg11 : memref<!tpu.dma_semaphore, #tpu.memory_space<semaphore_mem>>) src(%dma_wait3A_101 : memref<10000x128xf32, #tpu.memory_space<hbm>>) dst(%arg9 : memref<80x128xf32, #tpu.memory_space<vmem>>)
      "tpu.region"() ({
        %run_scoped3A_120 = tpu.sem_alloc : memref<!tpu.dma_semaphore, #tpu.memory_space<semaphore_mem>>
        %dma_start3A_121 = arith.constant 0 : i32
        %dma_start3A_122 = tpu.memref_slice %arg8[%mul3A_87, %dma_start3A_121] : memref<125x80xi32, #tpu.memory_space<vmem>> -> memref<1x80xi32, #tpu.memory_space<vmem>>
        %dma_start3A_123 = tpu.memref_squeeze %dma_start3A_122 : memref<1x80xi32, #tpu.memory_space<vmem>> -> memref<80xi32, #tpu.memory_space<vmem>>
        %dma_start3A_124 = arith.constant 0 : i32
        %dma_start3A_125 = arith.constant 0 : i32
        %dma_start3A_126 = tpu.memref_slice %arg6[%dma_start3A_124, %dma_start3A_125] : memref<10240x128xf32, #tpu.memory_space<vmem_shared>> -> memref<10240x128xf32, #tpu.memory_space<vmem_shared>>
        tpu.enqueue_indirect_dma source(%arg9 : memref<80x128xf32, #tpu.memory_space<vmem>>) target(%dma_start3A_126 : memref<10240x128xf32, #tpu.memory_space<vmem_shared>>) offsets(%dma_start3A_123 : memref<80xi32, #tpu.memory_space<vmem>>) semaphore(%run_scoped3A_120 : memref<!tpu.dma_semaphore, #tpu.memory_space<semaphore_mem>>) {add = true}
        %dma_wait3A_127 = arith.constant 0 : i32
        %dma_wait3A_128 = tpu.memref_slice %arg8[%mul3A_87, %dma_wait3A_127] : memref<125x80xi32, #tpu.memory_space<vmem>> -> memref<1x80xi32, #tpu.memory_space<vmem>>
        %dma_wait3A_129 = tpu.memref_squeeze %dma_wait3A_128 : memref<1x80xi32, #tpu.memory_space<vmem>> -> memref<80xi32, #tpu.memory_space<vmem>>
        %dma_wait3A_130 = arith.constant 0 : i32
        %dma_wait3A_131 = arith.constant 0 : i32
        %dma_wait3A_132 = tpu.memref_slice %arg6[%dma_wait3A_130, %dma_wait3A_131] : memref<10240x128xf32, #tpu.memory_space<vmem_shared>> -> memref<10240x128xf32, #tpu.memory_space<vmem_shared>>
        tpu.wait_indirect_dma semaphore(%run_scoped3A_120 : memref<!tpu.dma_semaphore, #tpu.memory_space<semaphore_mem>>) src(%arg9 : memref<80x128xf32, #tpu.memory_space<vmem>>) dst(%dma_wait3A_132 : memref<10240x128xf32, #tpu.memory_space<vmem_shared>>)
        tpu.yield
      }) : () -> ()
      %add3A_102 = arith.constant 2 : i32
      %add3A_103 = arith.addi %mul3A_87, %add3A_102 : i32
      %mul3A_104 = arith.constant 80 : i32
      %mul3A_105 = arith.muli %add3A_103, %mul3A_104 : i32
      %dma_start3A_106 = tpu.memref_slice %arg7[%mul3A_105] : memref<10000xi32, #tpu.memory_space<vmem>> -> memref<80xi32, #tpu.memory_space<vmem>>
      %dma_start3A_107 = arith.constant 0 : i32
      %dma_start3A_108 = arith.constant 0 : i32
      %dma_start3A_109 = tpu.memref_slice %arg2[%dma_start3A_107, %dma_start3A_108] : memref<10000x128xf32, #tpu.memory_space<hbm>> -> memref<10000x128xf32, #tpu.memory_space<hbm>>
      tpu.enqueue_indirect_dma source(%dma_start3A_109 : memref<10000x128xf32, #tpu.memory_space<hbm>>) target(%arg9 : memref<80x128xf32, #tpu.memory_space<vmem>>) offsets(%dma_start3A_106 : memref<80xi32, #tpu.memory_space<vmem>>) semaphore(%arg11 : memref<!tpu.dma_semaphore, #tpu.memory_space<semaphore_mem>>)
      %add3A_110 = arith.constant 1 : i32
      %add3A_111 = arith.addi %mul3A_87, %add3A_110 : i32
      %mul3A_112 = arith.constant 80 : i32
      %mul3A_113 = arith.muli %add3A_111, %mul3A_112 : i32
      %dma_wait3A_114 = tpu.memref_slice %arg7[%mul3A_113] : memref<10000xi32, #tpu.memory_space<vmem>> -> memref<80xi32, #tpu.memory_space<vmem>>
      %dma_wait3A_115 = arith.constant 0 : i32
      %dma_wait3A_116 = arith.constant 0 : i32
      %dma_wait3A_117 = tpu.memref_slice %arg2[%dma_wait3A_115, %dma_wait3A_116] : memref<10000x128xf32, #tpu.memory_space<hbm>> -> memref<10000x128xf32, #tpu.memory_space<hbm>>
      tpu.wait_indirect_dma semaphore(%arg12 : memref<!tpu.dma_semaphore, #tpu.memory_space<semaphore_mem>>) src(%dma_wait3A_117 : memref<10000x128xf32, #tpu.memory_space<hbm>>) dst(%arg10 : memref<80x128xf32, #tpu.memory_space<vmem>>)
      %add3A_118 = arith.constant 1 : i32
      %add3A_119 = arith.addi %mul3A_87, %add3A_118 : i32
      "tpu.region"() ({
        %run_scoped3A_120 = tpu.sem_alloc : memref<!tpu.dma_semaphore, #tpu.memory_space<semaphore_mem>>
        %dma_start3A_121 = arith.constant 0 : i32
        %dma_start3A_122 = tpu.memref_slice %arg8[%add3A_119, %dma_start3A_121] : memref<125x80xi32, #tpu.memory_space<vmem>> -> memref<1x80xi32, #tpu.memory_space<vmem>>
        %dma_start3A_123 = tpu.memref_squeeze %dma_start3A_122 : memref<1x80xi32, #tpu.memory_space<vmem>> -> memref<80xi32, #tpu.memory_space<vmem>>
        %dma_start3A_124 = arith.constant 0 : i32
        %dma_start3A_125 = arith.constant 0 : i32
        %dma_start3A_126 = tpu.memref_slice %arg6[%dma_start3A_124, %dma_start3A_125] : memref<10240x128xf32, #tpu.memory_space<vmem_shared>> -> memref<10240x128xf32, #tpu.memory_space<vmem_shared>>
        tpu.enqueue_indirect_dma source(%arg10 : memref<80x128xf32, #tpu.memory_space<vmem>>) target(%dma_start3A_126 : memref<10240x128xf32, #tpu.memory_space<vmem_shared>>) offsets(%dma_start3A_123 : memref<80xi32, #tpu.memory_space<vmem>>) semaphore(%run_scoped3A_120 : memref<!tpu.dma_semaphore, #tpu.memory_space<semaphore_mem>>) {add = true}
        %dma_wait3A_127 = arith.constant 0 : i32
        %dma_wait3A_128 = tpu.memref_slice %arg8[%add3A_119, %dma_wait3A_127] : memref<125x80xi32, #tpu.memory_space<vmem>> -> memref<1x80xi32, #tpu.memory_space<vmem>>
        %dma_wait3A_129 = tpu.memref_squeeze %dma_wait3A_128 : memref<1x80xi32, #tpu.memory_space<vmem>> -> memref<80xi32, #tpu.memory_space<vmem>>
        %dma_wait3A_130 = arith.constant 0 : i32
        %dma_wait3A_131 = arith.constant 0 : i32
        %dma_wait3A_132 = tpu.memref_slice %arg6[%dma_wait3A_130, %dma_wait3A_131] : memref<10240x128xf32, #tpu.memory_space<vmem_shared>> -> memref<10240x128xf32, #tpu.memory_space<vmem_shared>>
        tpu.wait_indirect_dma semaphore(%run_scoped3A_120 : memref<!tpu.dma_semaphore, #tpu.memory_space<semaphore_mem>>) src(%arg10 : memref<80x128xf32, #tpu.memory_space<vmem>>) dst(%dma_wait3A_132 : memref<10240x128xf32, #tpu.memory_space<vmem_shared>>)
        tpu.yield
      }) : () -> ()
    }
    %scan3A_74 = arith.constant 62 : i32
    %dma_wait3A_75 = arith.constant 9920 : i32
    %dma_wait3A_76 = tpu.memref_slice %arg7[%dma_wait3A_75] : memref<10000xi32, #tpu.memory_space<vmem>> -> memref<80xi32, #tpu.memory_space<vmem>>
    %dma_wait3A_77 = arith.constant 0 : i32
    %dma_wait3A_78 = arith.constant 0 : i32
    %dma_wait3A_79 = tpu.memref_slice %arg2[%dma_wait3A_77, %dma_wait3A_78] : memref<10000x128xf32, #tpu.memory_space<hbm>> -> memref<10000x128xf32, #tpu.memory_space<hbm>>
    tpu.wait_indirect_dma semaphore(%arg11 : memref<!tpu.dma_semaphore, #tpu.memory_space<semaphore_mem>>) src(%dma_wait3A_79 : memref<10000x128xf32, #tpu.memory_space<hbm>>) dst(%arg9 : memref<80x128xf32, #tpu.memory_space<vmem>>)
    %run_scoped3A = arith.constant 124 : i32
    "tpu.region"() ({
      %run_scoped3A_85 = tpu.sem_alloc : memref<!tpu.dma_semaphore, #tpu.memory_space<semaphore_mem>>
      %dma_start3A_86 = arith.constant 0 : i32
      %dma_start3A_87 = tpu.memref_slice %arg8[%run_scoped3A, %dma_start3A_86] : memref<125x80xi32, #tpu.memory_space<vmem>> -> memref<1x80xi32, #tpu.memory_space<vmem>>
      %dma_start3A_88 = tpu.memref_squeeze %dma_start3A_87 : memref<1x80xi32, #tpu.memory_space<vmem>> -> memref<80xi32, #tpu.memory_space<vmem>>
      %dma_start3A_89 = arith.constant 0 : i32
      %dma_start3A_90 = arith.constant 0 : i32
      %dma_start3A_91 = tpu.memref_slice %arg6[%dma_start3A_89, %dma_start3A_90] : memref<10240x128xf32, #tpu.memory_space<vmem_shared>> -> memref<10240x128xf32, #tpu.memory_space<vmem_shared>>
      tpu.enqueue_indirect_dma source(%arg9 : memref<80x128xf32, #tpu.memory_space<vmem>>) target(%dma_start3A_91 : memref<10240x128xf32, #tpu.memory_space<vmem_shared>>) offsets(%dma_start3A_88 : memref<80xi32, #tpu.memory_space<vmem>>) semaphore(%run_scoped3A_85 : memref<!tpu.dma_semaphore, #tpu.memory_space<semaphore_mem>>) {add = true}
      %dma_wait3A_92 = arith.constant 0 : i32
      %dma_wait3A_93 = tpu.memref_slice %arg8[%run_scoped3A, %dma_wait3A_92] : memref<125x80xi32, #tpu.memory_space<vmem>> -> memref<1x80xi32, #tpu.memory_space<vmem>>
      %dma_wait3A_94 = tpu.memref_squeeze %dma_wait3A_93 : memref<1x80xi32, #tpu.memory_space<vmem>> -> memref<80xi32, #tpu.memory_space<vmem>>
      %dma_wait3A_95 = arith.constant 0 : i32
      %dma_wait3A_96 = arith.constant 0 : i32
      %dma_wait3A_97 = tpu.memref_slice %arg6[%dma_wait3A_95, %dma_wait3A_96] : memref<10240x128xf32, #tpu.memory_space<vmem_shared>> -> memref<10240x128xf32, #tpu.memory_space<vmem_shared>>
      tpu.wait_indirect_dma semaphore(%run_scoped3A_85 : memref<!tpu.dma_semaphore, #tpu.memory_space<semaphore_mem>>) src(%arg9 : memref<80x128xf32, #tpu.memory_space<vmem>>) dst(%dma_wait3A_97 : memref<10240x128xf32, #tpu.memory_space<vmem_shared>>)
      tpu.yield
    }) : () -> ()
    %barrier3A_80 = arith.constant 0 : index
    tpu.barrier barrier_id(%barrier3A_80)
    %mul3A_81 = arith.constant 640 : i32
    %mul3A_82 = arith.muli %arg1, %mul3A_81 : i32
    %mul3A_83 = arith.constant 640 : i32
    %mul3A_84 = arith.muli %arg1, %mul3A_83 : i32
    "tpu.region"() ({
      %run_scoped3A_85 = tpu.sem_alloc : memref<!tpu.dma_semaphore, #tpu.memory_space<semaphore_mem>>
      %dma_start3A_86 = arith.constant 0 : i32
      %dma_start3A_87 = tpu.memref_slice %arg5[%arg0, %mul3A_84, %dma_start3A_86] : memref<2x10240x128xf32, #tpu.memory_space<hbm>> -> memref<1x640x128xf32, #tpu.memory_space<hbm>>
      %dma_start3A_88 = tpu.memref_squeeze %dma_start3A_87 : memref<1x640x128xf32, #tpu.memory_space<hbm>> -> memref<640x128xf32, #tpu.memory_space<hbm>>
      %dma_start3A_89 = arith.constant 0 : i32
      %dma_start3A_90 = tpu.memref_slice %arg6[%mul3A_82, %dma_start3A_89] : memref<10240x128xf32, #tpu.memory_space<vmem_shared>> -> memref<640x128xf32, #tpu.memory_space<vmem_shared>>
      tpu.enqueue_dma source(%dma_start3A_90 : memref<640x128xf32, #tpu.memory_space<vmem_shared>>) target(%dma_start3A_88 : memref<640x128xf32, #tpu.memory_space<hbm>>) target_semaphore(%run_scoped3A_85 : memref<!tpu.dma_semaphore, #tpu.memory_space<semaphore_mem>>)
      %dma_wait3A_91 = arith.constant 0 : i32
      %dma_wait3A_92 = tpu.memref_slice %arg5[%arg0, %mul3A_84, %dma_wait3A_91] : memref<2x10240x128xf32, #tpu.memory_space<hbm>> -> memref<1x640x128xf32, #tpu.memory_space<hbm>>
      %dma_wait3A_93 = tpu.memref_squeeze %dma_wait3A_92 : memref<1x640x128xf32, #tpu.memory_space<hbm>> -> memref<640x128xf32, #tpu.memory_space<hbm>>
      %dma_wait3A_94 = arith.constant 0 : i32
      %dma_wait3A_95 = tpu.memref_slice %arg6[%mul3A_82, %dma_wait3A_94] : memref<10240x128xf32, #tpu.memory_space<vmem_shared>> -> memref<640x128xf32, #tpu.memory_space<vmem_shared>>
      tpu.wait_dma2 semaphore(%run_scoped3A_85 : memref<!tpu.dma_semaphore, #tpu.memory_space<semaphore_mem>>) src(%dma_wait3A_95 : memref<640x128xf32, #tpu.memory_space<vmem_shared>>) dst(%dma_wait3A_93 : memref<640x128xf32, #tpu.memory_space<hbm>>)
      tpu.yield
    }) : () -> ()
    return
  }
}

#map = affine_map<(d0, d1) -> (0, 0, 0)>
#map1 = affine_map<(d0, d1) -> (0, 0)>
module attributes {stable_mosaic.version = 14 : i64} {
  func.func @_deg_kernel(%arg0: i32, %arg1: i32, %arg2: memref<32x125x80xi32, #tpu.memory_space<hbm>>, %arg3: memref<2x10240xf32, #tpu.memory_space<hbm>>, %arg4: memref<10240xf32, #tpu.memory_space<vmem_shared>>, %arg5: memref<125x80xi32, #tpu.memory_space<vmem>>, %arg6: memref<80xf32, #tpu.memory_space<vmem>>, %arg7: memref<640xf32, #tpu.memory_space<vmem>>, %arg8: memref<!tpu.dma_semaphore, #tpu.memory_space<semaphore_mem>>) attributes {dimension_semantics = [#tpu.dimension_semantics<core_parallel>, #tpu.dimension_semantics<subcore_parallel>], iteration_bounds = array<i64: 2, 16>, scalar_prefetch = 0 : i64, scratch_operands = 5 : i64, tpu.core_type = #tpu.core_type<sc_vector_subcore>, window_params = [{transform_indices = #map}, {transform_indices = #map1}]} {
    %mul3A = arith.constant 2 : i32
    %mul3A_0 = arith.muli %arg1, %mul3A : i32
    %add3A = arith.addi %mul3A_0, %arg0 : i32
    %dma_start3A = arith.constant 0 : i32
    %dma_start3A_1 = arith.constant 0 : i32
    %dma_start3A_2 = tpu.memref_slice %arg2[%add3A, %dma_start3A, %dma_start3A_1] : memref<32x125x80xi32, #tpu.memory_space<hbm>> -> memref<1x125x80xi32, #tpu.memory_space<hbm>>
    %dma_start3A_3 = tpu.memref_squeeze %dma_start3A_2 : memref<1x125x80xi32, #tpu.memory_space<hbm>> -> memref<125x80xi32, #tpu.memory_space<hbm>>
    %dma_start3A_4 = arith.constant 0 : i32
    %dma_start3A_5 = arith.constant 0 : i32
    %dma_start3A_6 = tpu.memref_slice %arg2[%add3A, %dma_start3A_4, %dma_start3A_5] : memref<32x125x80xi32, #tpu.memory_space<hbm>> -> memref<1x125x80xi32, #tpu.memory_space<hbm>>
    %dma_start3A_7 = tpu.memref_squeeze %dma_start3A_6 : memref<1x125x80xi32, #tpu.memory_space<hbm>> -> memref<125x80xi32, #tpu.memory_space<hbm>>
    tpu.enqueue_dma source(%dma_start3A_7 : memref<125x80xi32, #tpu.memory_space<hbm>>) target(%arg5 : memref<125x80xi32, #tpu.memory_space<vmem>>) target_semaphore(%arg8 : memref<!tpu.dma_semaphore, #tpu.memory_space<semaphore_mem>>)
    %broadcast_in_dim3A = arith.constant 1.000000e+00 : f32
    %broadcast_in_dim3A_8 = vector.broadcast %broadcast_in_dim3A : f32 to vector<16xf32>
    %swap3A = arith.constant 0 : index
    %swap3A_9 = tpu.vector_load %arg6[%swap3A] {strides = array<i32>} : memref<80xf32, #tpu.memory_space<vmem>>, vector<16xf32>,
    %swap3A_10 = vector.shape_cast %swap3A_9 : vector<16xf32> to vector<16xf32>
    %swap3A_11 = vector.shape_cast %broadcast_in_dim3A_8 : vector<16xf32> to vector<16xf32>
    tpu.vector_store %arg6[%swap3A], %swap3A_11 {strides = array<i32>} : memref<80xf32, #tpu.memory_space<vmem>>, vector<16xf32>,
    %broadcast_in_dim3A_12 = arith.constant 1.000000e+00 : f32
    %broadcast_in_dim3A_13 = vector.broadcast %broadcast_in_dim3A_12 : f32 to vector<16xf32>
    %swap3A_14 = arith.constant 16 : index
    %swap3A_15 = tpu.vector_load %arg6[%swap3A_14] {strides = array<i32>} : memref<80xf32, #tpu.memory_space<vmem>>, vector<16xf32>,
    %swap3A_16 = vector.shape_cast %swap3A_15 : vector<16xf32> to vector<16xf32>
    %swap3A_17 = vector.shape_cast %broadcast_in_dim3A_13 : vector<16xf32> to vector<16xf32>
    tpu.vector_store %arg6[%swap3A_14], %swap3A_17 {strides = array<i32>} : memref<80xf32, #tpu.memory_space<vmem>>, vector<16xf32>,
    %broadcast_in_dim3A_18 = arith.constant 1.000000e+00 : f32
    %broadcast_in_dim3A_19 = vector.broadcast %broadcast_in_dim3A_18 : f32 to vector<16xf32>
    %swap3A_20 = arith.constant 32 : index
    %swap3A_21 = tpu.vector_load %arg6[%swap3A_20] {strides = array<i32>} : memref<80xf32, #tpu.memory_space<vmem>>, vector<16xf32>,
    %swap3A_22 = vector.shape_cast %swap3A_21 : vector<16xf32> to vector<16xf32>
    %swap3A_23 = vector.shape_cast %broadcast_in_dim3A_19 : vector<16xf32> to vector<16xf32>
    tpu.vector_store %arg6[%swap3A_20], %swap3A_23 {strides = array<i32>} : memref<80xf32, #tpu.memory_space<vmem>>, vector<16xf32>,
    %broadcast_in_dim3A_24 = arith.constant 1.000000e+00 : f32
    %broadcast_in_dim3A_25 = vector.broadcast %broadcast_in_dim3A_24 : f32 to vector<16xf32>
    %swap3A_26 = arith.constant 48 : index
    %swap3A_27 = tpu.vector_load %arg6[%swap3A_26] {strides = array<i32>} : memref<80xf32, #tpu.memory_space<vmem>>, vector<16xf32>,
    %swap3A_28 = vector.shape_cast %swap3A_27 : vector<16xf32> to vector<16xf32>
    %swap3A_29 = vector.shape_cast %broadcast_in_dim3A_25 : vector<16xf32> to vector<16xf32>
    tpu.vector_store %arg6[%swap3A_26], %swap3A_29 {strides = array<i32>} : memref<80xf32, #tpu.memory_space<vmem>>, vector<16xf32>,
    %broadcast_in_dim3A_30 = arith.constant 1.000000e+00 : f32
    %broadcast_in_dim3A_31 = vector.broadcast %broadcast_in_dim3A_30 : f32 to vector<16xf32>
    %swap3A_32 = arith.constant 64 : index
    %swap3A_33 = tpu.vector_load %arg6[%swap3A_32] {strides = array<i32>} : memref<80xf32, #tpu.memory_space<vmem>>, vector<16xf32>,
    %swap3A_34 = vector.shape_cast %swap3A_33 : vector<16xf32> to vector<16xf32>
    %swap3A_35 = vector.shape_cast %broadcast_in_dim3A_31 : vector<16xf32> to vector<16xf32>
    tpu.vector_store %arg6[%swap3A_32], %swap3A_35 {strides = array<i32>} : memref<80xf32, #tpu.memory_space<vmem>>, vector<16xf32>,
    %scan3A = arith.constant 0 : i32
    %scan3A_36 = arith.constant 0 : i32
    %scan3A_37 = arith.constant 40 : i32
    %scan3A_38 = arith.addi %scan3A_36, %scan3A_37 : i32
    %scan3A_39 = arith.constant 1 : i32
    scf.for %scan3A_361 = %scan3A_36 to %scan3A_38 step %scan3A_39  : i32 {
      %broadcast_in_dim3A_362 = arith.constant 0.000000e+00 : f32
      %broadcast_in_dim3A_363 = vector.broadcast %broadcast_in_dim3A_362 : f32 to vector<16xf32>
      %mul3A_364 = arith.constant 16 : i32
      %mul3A_365 = arith.muli %scan3A_361, %mul3A_364 : i32
      %swap3A_366 = arith.index_cast %mul3A_365 : i32 to index
      %swap3A_367 = tpu.vector_load %arg7[%swap3A_366] {strides = array<i32>} : memref<640xf32, #tpu.memory_space<vmem>>, vector<16xf32>,
      %swap3A_368 = vector.shape_cast %swap3A_367 : vector<16xf32> to vector<16xf32>
      %swap3A_369 = vector.shape_cast %broadcast_in_dim3A_363 : vector<16xf32> to vector<16xf32>
      tpu.vector_store %arg7[%swap3A_366], %swap3A_369 {strides = array<i32>} : memref<640xf32, #tpu.memory_space<vmem>>, vector<16xf32>,
    }
    %scan3A_40 = arith.constant 40 : i32
    %mul3A_41 = arith.constant 640 : i32
    %mul3A_42 = arith.muli %arg1, %mul3A_41 : i32
    "tpu.region"() ({
      %run_scoped3A = tpu.sem_alloc : memref<!tpu.dma_semaphore, #tpu.memory_space<semaphore_mem>>
      %dma_start3A_361 = tpu.memref_slice %arg4[%mul3A_42] : memref<10240xf32, #tpu.memory_space<vmem_shared>> -> memref<640xf32, #tpu.memory_space<vmem_shared>>
      %dma_start3A_362 = tpu.memref_slice %arg4[%mul3A_42] : memref<10240xf32, #tpu.memory_space<vmem_shared>> -> memref<640xf32, #tpu.memory_space<vmem_shared>>
      tpu.enqueue_dma source(%arg7 : memref<640xf32, #tpu.memory_space<vmem>>) target(%dma_start3A_362 : memref<640xf32, #tpu.memory_space<vmem_shared>>) target_semaphore(%run_scoped3A : memref<!tpu.dma_semaphore, #tpu.memory_space<semaphore_mem>>)
      %dma_wait3A_363 = tpu.memref_slice %arg4[%mul3A_42] : memref<10240xf32, #tpu.memory_space<vmem_shared>> -> memref<640xf32, #tpu.memory_space<vmem_shared>>
      %dma_wait3A_364 = tpu.memref_slice %arg4[%mul3A_42] : memref<10240xf32, #tpu.memory_space<vmem_shared>> -> memref<640xf32, #tpu.memory_space<vmem_shared>>
      tpu.wait_dma2 semaphore(%run_scoped3A : memref<!tpu.dma_semaphore, #tpu.memory_space<semaphore_mem>>) src(%arg7 : memref<640xf32, #tpu.memory_space<vmem>>) dst(%dma_wait3A_364 : memref<640xf32, #tpu.memory_space<vmem_shared>>)
      tpu.yield
    }) : () -> ()
    %dma_wait3A = arith.constant 0 : i32
    %dma_wait3A_43 = arith.constant 0 : i32
    %dma_wait3A_44 = tpu.memref_slice %arg2[%add3A, %dma_wait3A, %dma_wait3A_43] : memref<32x125x80xi32, #tpu.memory_space<hbm>> -> memref<1x125x80xi32, #tpu.memory_space<hbm>>
    %dma_wait3A_45 = tpu.memref_squeeze %dma_wait3A_44 : memref<1x125x80xi32, #tpu.memory_space<hbm>> -> memref<125x80xi32, #tpu.memory_space<hbm>>
    %dma_wait3A_46 = arith.constant 0 : i32
    %dma_wait3A_47 = arith.constant 0 : i32
    %dma_wait3A_48 = tpu.memref_slice %arg2[%add3A, %dma_wait3A_46, %dma_wait3A_47] : memref<32x125x80xi32, #tpu.memory_space<hbm>> -> memref<1x125x80xi32, #tpu.memory_space<hbm>>
    %dma_wait3A_49 = tpu.memref_squeeze %dma_wait3A_48 : memref<1x125x80xi32, #tpu.memory_space<hbm>> -> memref<125x80xi32, #tpu.memory_space<hbm>>
    tpu.wait_dma2 semaphore(%arg8 : memref<!tpu.dma_semaphore, #tpu.memory_space<semaphore_mem>>) src(%dma_wait3A_49 : memref<125x80xi32, #tpu.memory_space<hbm>>) dst(%arg5 : memref<125x80xi32, #tpu.memory_space<vmem>>)
    %barrier3A = arith.constant 0 : index
    tpu.barrier barrier_id(%barrier3A)
    %dma_start3A_50 = arith.constant 0 : i32
    %dma_start3A_51 = arith.constant 0 : i32
    %dma_start3A_52 = tpu.memref_slice %arg5[%dma_start3A_50, %dma_start3A_51] : memref<125x80xi32, #tpu.memory_space<vmem>> -> memref<1x80xi32, #tpu.memory_space<vmem>>
    %dma_start3A_53 = tpu.memref_squeeze %dma_start3A_52 : memref<1x80xi32, #tpu.memory_space<vmem>> -> memref<80xi32, #tpu.memory_space<vmem>>
    %dma_start3A_54 = arith.constant 0 : i32
    %dma_start3A_55 = tpu.memref_slice %arg4[%dma_start3A_54] : memref<10240xf32, #tpu.memory_space<vmem_shared>> -> memref<10240xf32, #tpu.memory_space<vmem_shared>>
    tpu.enqueue_indirect_dma source(%arg6 : memref<80xf32, #tpu.memory_space<vmem>>) target(%dma_start3A_55 : memref<10240xf32, #tpu.memory_space<vmem_shared>>) offsets(%dma_start3A_53 : memref<80xi32, #tpu.memory_space<vmem>>) semaphore(%arg8 : memref<!tpu.dma_semaphore, #tpu.memory_space<semaphore_mem>>) {add = true}
    %dma_start3A_56 = arith.constant 1 : i32
    %dma_start3A_57 = arith.constant 0 : i32
    %dma_start3A_58 = tpu.memref_slice %arg5[%dma_start3A_56, %dma_start3A_57] : memref<125x80xi32, #tpu.memory_space<vmem>> -> memref<1x80xi32, #tpu.memory_space<vmem>>
    %dma_start3A_59 = tpu.memref_squeeze %dma_start3A_58 : memref<1x80xi32, #tpu.memory_space<vmem>> -> memref<80xi32, #tpu.memory_space<vmem>>
    %dma_start3A_60 = arith.constant 0 : i32
    %dma_start3A_61 = tpu.memref_slice %arg4[%dma_start3A_60] : memref<10240xf32, #tpu.memory_space<vmem_shared>> -> memref<10240xf32, #tpu.memory_space<vmem_shared>>
    tpu.enqueue_indirect_dma source(%arg6 : memref<80xf32, #tpu.memory_space<vmem>>) target(%dma_start3A_61 : memref<10240xf32, #tpu.memory_space<vmem_shared>>) offsets(%dma_start3A_59 : memref<80xi32, #tpu.memory_space<vmem>>) semaphore(%arg8 : memref<!tpu.dma_semaphore, #tpu.memory_space<semaphore_mem>>) {add = true}
    %dma_start3A_62 = arith.constant 2 : i32
    %dma_start3A_63 = arith.constant 0 : i32
    %dma_start3A_64 = tpu.memref_slice %arg5[%dma_start3A_62, %dma_start3A_63] : memref<125x80xi32, #tpu.memory_space<vmem>> -> memref<1x80xi32, #tpu.memory_space<vmem>>
    %dma_start3A_65 = tpu.memref_squeeze %dma_start3A_64 : memref<1x80xi32, #tpu.memory_space<vmem>> -> memref<80xi32, #tpu.memory_space<vmem>>
    %dma_start3A_66 = arith.constant 0 : i32
    %dma_start3A_67 = tpu.memref_slice %arg4[%dma_start3A_66] : memref<10240xf32, #tpu.memory_space<vmem_shared>> -> memref<10240xf32, #tpu.memory_space<vmem_shared>>
    tpu.enqueue_indirect_dma source(%arg6 : memref<80xf32, #tpu.memory_space<vmem>>) target(%dma_start3A_67 : memref<10240xf32, #tpu.memory_space<vmem_shared>>) offsets(%dma_start3A_65 : memref<80xi32, #tpu.memory_space<vmem>>) semaphore(%arg8 : memref<!tpu.dma_semaphore, #tpu.memory_space<semaphore_mem>>) {add = true}
    %dma_start3A_68 = arith.constant 3 : i32
    %dma_start3A_69 = arith.constant 0 : i32
    %dma_start3A_70 = tpu.memref_slice %arg5[%dma_start3A_68, %dma_start3A_69] : memref<125x80xi32, #tpu.memory_space<vmem>> -> memref<1x80xi32, #tpu.memory_space<vmem>>
    %dma_start3A_71 = tpu.memref_squeeze %dma_start3A_70 : memref<1x80xi32, #tpu.memory_space<vmem>> -> memref<80xi32, #tpu.memory_space<vmem>>
    %dma_start3A_72 = arith.constant 0 : i32
    %dma_start3A_73 = tpu.memref_slice %arg4[%dma_start3A_72] : memref<10240xf32, #tpu.memory_space<vmem_shared>> -> memref<10240xf32, #tpu.memory_space<vmem_shared>>
    tpu.enqueue_indirect_dma source(%arg6 : memref<80xf32, #tpu.memory_space<vmem>>) target(%dma_start3A_73 : memref<10240xf32, #tpu.memory_space<vmem_shared>>) offsets(%dma_start3A_71 : memref<80xi32, #tpu.memory_space<vmem>>) semaphore(%arg8 : memref<!tpu.dma_semaphore, #tpu.memory_space<semaphore_mem>>) {add = true}
    %dma_start3A_74 = arith.constant 4 : i32
    %dma_start3A_75 = arith.constant 0 : i32
    %dma_start3A_76 = tpu.memref_slice %arg5[%dma_start3A_74, %dma_start3A_75] : memref<125x80xi32, #tpu.memory_space<vmem>> -> memref<1x80xi32, #tpu.memory_space<vmem>>
    %dma_start3A_77 = tpu.memref_squeeze %dma_start3A_76 : memref<1x80xi32, #tpu.memory_space<vmem>> -> memref<80xi32, #tpu.memory_space<vmem>>
    %dma_start3A_78 = arith.constant 0 : i32
    %dma_start3A_79 = tpu.memref_slice %arg4[%dma_start3A_78] : memref<10240xf32, #tpu.memory_space<vmem_shared>> -> memref<10240xf32, #tpu.memory_space<vmem_shared>>
    tpu.enqueue_indirect_dma source(%arg6 : memref<80xf32, #tpu.memory_space<vmem>>) target(%dma_start3A_79 : memref<10240xf32, #tpu.memory_space<vmem_shared>>) offsets(%dma_start3A_77 : memref<80xi32, #tpu.memory_space<vmem>>) semaphore(%arg8 : memref<!tpu.dma_semaphore, #tpu.memory_space<semaphore_mem>>) {add = true}
    %dma_start3A_80 = arith.constant 5 : i32
    %dma_start3A_81 = arith.constant 0 : i32
    %dma_start3A_82 = tpu.memref_slice %arg5[%dma_start3A_80, %dma_start3A_81] : memref<125x80xi32, #tpu.memory_space<vmem>> -> memref<1x80xi32, #tpu.memory_space<vmem>>
    %dma_start3A_83 = tpu.memref_squeeze %dma_start3A_82 : memref<1x80xi32, #tpu.memory_space<vmem>> -> memref<80xi32, #tpu.memory_space<vmem>>
    %dma_start3A_84 = arith.constant 0 : i32
    %dma_start3A_85 = tpu.memref_slice %arg4[%dma_start3A_84] : memref<10240xf32, #tpu.memory_space<vmem_shared>> -> memref<10240xf32, #tpu.memory_space<vmem_shared>>
    tpu.enqueue_indirect_dma source(%arg6 : memref<80xf32, #tpu.memory_space<vmem>>) target(%dma_start3A_85 : memref<10240xf32, #tpu.memory_space<vmem_shared>>) offsets(%dma_start3A_83 : memref<80xi32, #tpu.memory_space<vmem>>) semaphore(%arg8 : memref<!tpu.dma_semaphore, #tpu.memory_space<semaphore_mem>>) {add = true}
    %dma_start3A_86 = arith.constant 6 : i32
    %dma_start3A_87 = arith.constant 0 : i32
    %dma_start3A_88 = tpu.memref_slice %arg5[%dma_start3A_86, %dma_start3A_87] : memref<125x80xi32, #tpu.memory_space<vmem>> -> memref<1x80xi32, #tpu.memory_space<vmem>>
    %dma_start3A_89 = tpu.memref_squeeze %dma_start3A_88 : memref<1x80xi32, #tpu.memory_space<vmem>> -> memref<80xi32, #tpu.memory_space<vmem>>
    %dma_start3A_90 = arith.constant 0 : i32
    %dma_start3A_91 = tpu.memref_slice %arg4[%dma_start3A_90] : memref<10240xf32, #tpu.memory_space<vmem_shared>> -> memref<10240xf32, #tpu.memory_space<vmem_shared>>
    tpu.enqueue_indirect_dma source(%arg6 : memref<80xf32, #tpu.memory_space<vmem>>) target(%dma_start3A_91 : memref<10240xf32, #tpu.memory_space<vmem_shared>>) offsets(%dma_start3A_89 : memref<80xi32, #tpu.memory_space<vmem>>) semaphore(%arg8 : memref<!tpu.dma_semaphore, #tpu.memory_space<semaphore_mem>>) {add = true}
    %dma_start3A_92 = arith.constant 7 : i32
    %dma_start3A_93 = arith.constant 0 : i32
    %dma_start3A_94 = tpu.memref_slice %arg5[%dma_start3A_92, %dma_start3A_93] : memref<125x80xi32, #tpu.memory_space<vmem>> -> memref<1x80xi32, #tpu.memory_space<vmem>>
    %dma_start3A_95 = tpu.memref_squeeze %dma_start3A_94 : memref<1x80xi32, #tpu.memory_space<vmem>> -> memref<80xi32, #tpu.memory_space<vmem>>
    %dma_start3A_96 = arith.constant 0 : i32
    %dma_start3A_97 = tpu.memref_slice %arg4[%dma_start3A_96] : memref<10240xf32, #tpu.memory_space<vmem_shared>> -> memref<10240xf32, #tpu.memory_space<vmem_shared>>
    tpu.enqueue_indirect_dma source(%arg6 : memref<80xf32, #tpu.memory_space<vmem>>) target(%dma_start3A_97 : memref<10240xf32, #tpu.memory_space<vmem_shared>>) offsets(%dma_start3A_95 : memref<80xi32, #tpu.memory_space<vmem>>) semaphore(%arg8 : memref<!tpu.dma_semaphore, #tpu.memory_space<semaphore_mem>>) {add = true}
    %dma_start3A_98 = arith.constant 8 : i32
    %dma_start3A_99 = arith.constant 0 : i32
    %dma_start3A_100 = tpu.memref_slice %arg5[%dma_start3A_98, %dma_start3A_99] : memref<125x80xi32, #tpu.memory_space<vmem>> -> memref<1x80xi32, #tpu.memory_space<vmem>>
    %dma_start3A_101 = tpu.memref_squeeze %dma_start3A_100 : memref<1x80xi32, #tpu.memory_space<vmem>> -> memref<80xi32, #tpu.memory_space<vmem>>
    %dma_start3A_102 = arith.constant 0 : i32
    %dma_start3A_103 = tpu.memref_slice %arg4[%dma_start3A_102] : memref<10240xf32, #tpu.memory_space<vmem_shared>> -> memref<10240xf32, #tpu.memory_space<vmem_shared>>
    tpu.enqueue_indirect_dma source(%arg6 : memref<80xf32, #tpu.memory_space<vmem>>) target(%dma_start3A_103 : memref<10240xf32, #tpu.memory_space<vmem_shared>>) offsets(%dma_start3A_101 : memref<80xi32, #tpu.memory_space<vmem>>) semaphore(%arg8 : memref<!tpu.dma_semaphore, #tpu.memory_space<semaphore_mem>>) {add = true}
    %dma_start3A_104 = arith.constant 9 : i32
    %dma_start3A_105 = arith.constant 0 : i32
    %dma_start3A_106 = tpu.memref_slice %arg5[%dma_start3A_104, %dma_start3A_105] : memref<125x80xi32, #tpu.memory_space<vmem>> -> memref<1x80xi32, #tpu.memory_space<vmem>>
    %dma_start3A_107 = tpu.memref_squeeze %dma_start3A_106 : memref<1x80xi32, #tpu.memory_space<vmem>> -> memref<80xi32, #tpu.memory_space<vmem>>
    %dma_start3A_108 = arith.constant 0 : i32
    %dma_start3A_109 = tpu.memref_slice %arg4[%dma_start3A_108] : memref<10240xf32, #tpu.memory_space<vmem_shared>> -> memref<10240xf32, #tpu.memory_space<vmem_shared>>
    tpu.enqueue_indirect_dma source(%arg6 : memref<80xf32, #tpu.memory_space<vmem>>) target(%dma_start3A_109 : memref<10240xf32, #tpu.memory_space<vmem_shared>>) offsets(%dma_start3A_107 : memref<80xi32, #tpu.memory_space<vmem>>) semaphore(%arg8 : memref<!tpu.dma_semaphore, #tpu.memory_space<semaphore_mem>>) {add = true}
    %dma_start3A_110 = arith.constant 10 : i32
    %dma_start3A_111 = arith.constant 0 : i32
    %dma_start3A_112 = tpu.memref_slice %arg5[%dma_start3A_110, %dma_start3A_111] : memref<125x80xi32, #tpu.memory_space<vmem>> -> memref<1x80xi32, #tpu.memory_space<vmem>>
    %dma_start3A_113 = tpu.memref_squeeze %dma_start3A_112 : memref<1x80xi32, #tpu.memory_space<vmem>> -> memref<80xi32, #tpu.memory_space<vmem>>
    %dma_start3A_114 = arith.constant 0 : i32
    %dma_start3A_115 = tpu.memref_slice %arg4[%dma_start3A_114] : memref<10240xf32, #tpu.memory_space<vmem_shared>> -> memref<10240xf32, #tpu.memory_space<vmem_shared>>
    tpu.enqueue_indirect_dma source(%arg6 : memref<80xf32, #tpu.memory_space<vmem>>) target(%dma_start3A_115 : memref<10240xf32, #tpu.memory_space<vmem_shared>>) offsets(%dma_start3A_113 : memref<80xi32, #tpu.memory_space<vmem>>) semaphore(%arg8 : memref<!tpu.dma_semaphore, #tpu.memory_space<semaphore_mem>>) {add = true}
    %dma_start3A_116 = arith.constant 11 : i32
    %dma_start3A_117 = arith.constant 0 : i32
    %dma_start3A_118 = tpu.memref_slice %arg5[%dma_start3A_116, %dma_start3A_117] : memref<125x80xi32, #tpu.memory_space<vmem>> -> memref<1x80xi32, #tpu.memory_space<vmem>>
    %dma_start3A_119 = tpu.memref_squeeze %dma_start3A_118 : memref<1x80xi32, #tpu.memory_space<vmem>> -> memref<80xi32, #tpu.memory_space<vmem>>
    %dma_start3A_120 = arith.constant 0 : i32
    %dma_start3A_121 = tpu.memref_slice %arg4[%dma_start3A_120] : memref<10240xf32, #tpu.memory_space<vmem_shared>> -> memref<10240xf32, #tpu.memory_space<vmem_shared>>
    tpu.enqueue_indirect_dma source(%arg6 : memref<80xf32, #tpu.memory_space<vmem>>) target(%dma_start3A_121 : memref<10240xf32, #tpu.memory_space<vmem_shared>>) offsets(%dma_start3A_119 : memref<80xi32, #tpu.memory_space<vmem>>) semaphore(%arg8 : memref<!tpu.dma_semaphore, #tpu.memory_space<semaphore_mem>>) {add = true}
    %dma_start3A_122 = arith.constant 12 : i32
    %dma_start3A_123 = arith.constant 0 : i32
    %dma_start3A_124 = tpu.memref_slice %arg5[%dma_start3A_122, %dma_start3A_123] : memref<125x80xi32, #tpu.memory_space<vmem>> -> memref<1x80xi32, #tpu.memory_space<vmem>>
    %dma_start3A_125 = tpu.memref_squeeze %dma_start3A_124 : memref<1x80xi32, #tpu.memory_space<vmem>> -> memref<80xi32, #tpu.memory_space<vmem>>
    %dma_start3A_126 = arith.constant 0 : i32
    %dma_start3A_127 = tpu.memref_slice %arg4[%dma_start3A_126] : memref<10240xf32, #tpu.memory_space<vmem_shared>> -> memref<10240xf32, #tpu.memory_space<vmem_shared>>
    tpu.enqueue_indirect_dma source(%arg6 : memref<80xf32, #tpu.memory_space<vmem>>) target(%dma_start3A_127 : memref<10240xf32, #tpu.memory_space<vmem_shared>>) offsets(%dma_start3A_125 : memref<80xi32, #tpu.memory_space<vmem>>) semaphore(%arg8 : memref<!tpu.dma_semaphore, #tpu.memory_space<semaphore_mem>>) {add = true}
    %dma_start3A_128 = arith.constant 13 : i32
    %dma_start3A_129 = arith.constant 0 : i32
    %dma_start3A_130 = tpu.memref_slice %arg5[%dma_start3A_128, %dma_start3A_129] : memref<125x80xi32, #tpu.memory_space<vmem>> -> memref<1x80xi32, #tpu.memory_space<vmem>>
    %dma_start3A_131 = tpu.memref_squeeze %dma_start3A_130 : memref<1x80xi32, #tpu.memory_space<vmem>> -> memref<80xi32, #tpu.memory_space<vmem>>
    %dma_start3A_132 = arith.constant 0 : i32
    %dma_start3A_133 = tpu.memref_slice %arg4[%dma_start3A_132] : memref<10240xf32, #tpu.memory_space<vmem_shared>> -> memref<10240xf32, #tpu.memory_space<vmem_shared>>
    tpu.enqueue_indirect_dma source(%arg6 : memref<80xf32, #tpu.memory_space<vmem>>) target(%dma_start3A_133 : memref<10240xf32, #tpu.memory_space<vmem_shared>>) offsets(%dma_start3A_131 : memref<80xi32, #tpu.memory_space<vmem>>) semaphore(%arg8 : memref<!tpu.dma_semaphore, #tpu.memory_space<semaphore_mem>>) {add = true}
    %dma_start3A_134 = arith.constant 14 : i32
    %dma_start3A_135 = arith.constant 0 : i32
    %dma_start3A_136 = tpu.memref_slice %arg5[%dma_start3A_134, %dma_start3A_135] : memref<125x80xi32, #tpu.memory_space<vmem>> -> memref<1x80xi32, #tpu.memory_space<vmem>>
    %dma_start3A_137 = tpu.memref_squeeze %dma_start3A_136 : memref<1x80xi32, #tpu.memory_space<vmem>> -> memref<80xi32, #tpu.memory_space<vmem>>
    %dma_start3A_138 = arith.constant 0 : i32
    %dma_start3A_139 = tpu.memref_slice %arg4[%dma_start3A_138] : memref<10240xf32, #tpu.memory_space<vmem_shared>> -> memref<10240xf32, #tpu.memory_space<vmem_shared>>
    tpu.enqueue_indirect_dma source(%arg6 : memref<80xf32, #tpu.memory_space<vmem>>) target(%dma_start3A_139 : memref<10240xf32, #tpu.memory_space<vmem_shared>>) offsets(%dma_start3A_137 : memref<80xi32, #tpu.memory_space<vmem>>) semaphore(%arg8 : memref<!tpu.dma_semaphore, #tpu.memory_space<semaphore_mem>>) {add = true}
    %dma_start3A_140 = arith.constant 15 : i32
    %dma_start3A_141 = arith.constant 0 : i32
    %dma_start3A_142 = tpu.memref_slice %arg5[%dma_start3A_140, %dma_start3A_141] : memref<125x80xi32, #tpu.memory_space<vmem>> -> memref<1x80xi32, #tpu.memory_space<vmem>>
    %dma_start3A_143 = tpu.memref_squeeze %dma_start3A_142 : memref<1x80xi32, #tpu.memory_space<vmem>> -> memref<80xi32, #tpu.memory_space<vmem>>
    %dma_start3A_144 = arith.constant 0 : i32
    %dma_start3A_145 = tpu.memref_slice %arg4[%dma_start3A_144] : memref<10240xf32, #tpu.memory_space<vmem_shared>> -> memref<10240xf32, #tpu.memory_space<vmem_shared>>
    tpu.enqueue_indirect_dma source(%arg6 : memref<80xf32, #tpu.memory_space<vmem>>) target(%dma_start3A_145 : memref<10240xf32, #tpu.memory_space<vmem_shared>>) offsets(%dma_start3A_143 : memref<80xi32, #tpu.memory_space<vmem>>) semaphore(%arg8 : memref<!tpu.dma_semaphore, #tpu.memory_space<semaphore_mem>>) {add = true}
    %dma_start3A_146 = arith.constant 16 : i32
    %dma_start3A_147 = arith.constant 0 : i32
    %dma_start3A_148 = tpu.memref_slice %arg5[%dma_start3A_146, %dma_start3A_147] : memref<125x80xi32, #tpu.memory_space<vmem>> -> memref<1x80xi32, #tpu.memory_space<vmem>>
    %dma_start3A_149 = tpu.memref_squeeze %dma_start3A_148 : memref<1x80xi32, #tpu.memory_space<vmem>> -> memref<80xi32, #tpu.memory_space<vmem>>
    %dma_start3A_150 = arith.constant 0 : i32
    %dma_start3A_151 = tpu.memref_slice %arg4[%dma_start3A_150] : memref<10240xf32, #tpu.memory_space<vmem_shared>> -> memref<10240xf32, #tpu.memory_space<vmem_shared>>
    tpu.enqueue_indirect_dma source(%arg6 : memref<80xf32, #tpu.memory_space<vmem>>) target(%dma_start3A_151 : memref<10240xf32, #tpu.memory_space<vmem_shared>>) offsets(%dma_start3A_149 : memref<80xi32, #tpu.memory_space<vmem>>) semaphore(%arg8 : memref<!tpu.dma_semaphore, #tpu.memory_space<semaphore_mem>>) {add = true}
    %dma_start3A_152 = arith.constant 17 : i32
    %dma_start3A_153 = arith.constant 0 : i32
    %dma_start3A_154 = tpu.memref_slice %arg5[%dma_start3A_152, %dma_start3A_153] : memref<125x80xi32, #tpu.memory_space<vmem>> -> memref<1x80xi32, #tpu.memory_space<vmem>>
    %dma_start3A_155 = tpu.memref_squeeze %dma_start3A_154 : memref<1x80xi32, #tpu.memory_space<vmem>> -> memref<80xi32, #tpu.memory_space<vmem>>
    %dma_start3A_156 = arith.constant 0 : i32
    %dma_start3A_157 = tpu.memref_slice %arg4[%dma_start3A_156] : memref<10240xf32, #tpu.memory_space<vmem_shared>> -> memref<10240xf32, #tpu.memory_space<vmem_shared>>
    tpu.enqueue_indirect_dma source(%arg6 : memref<80xf32, #tpu.memory_space<vmem>>) target(%dma_start3A_157 : memref<10240xf32, #tpu.memory_space<vmem_shared>>) offsets(%dma_start3A_155 : memref<80xi32, #tpu.memory_space<vmem>>) semaphore(%arg8 : memref<!tpu.dma_semaphore, #tpu.memory_space<semaphore_mem>>) {add = true}
    %dma_start3A_158 = arith.constant 18 : i32
    %dma_start3A_159 = arith.constant 0 : i32
    %dma_start3A_160 = tpu.memref_slice %arg5[%dma_start3A_158, %dma_start3A_159] : memref<125x80xi32, #tpu.memory_space<vmem>> -> memref<1x80xi32, #tpu.memory_space<vmem>>
    %dma_start3A_161 = tpu.memref_squeeze %dma_start3A_160 : memref<1x80xi32, #tpu.memory_space<vmem>> -> memref<80xi32, #tpu.memory_space<vmem>>
    %dma_start3A_162 = arith.constant 0 : i32
    %dma_start3A_163 = tpu.memref_slice %arg4[%dma_start3A_162] : memref<10240xf32, #tpu.memory_space<vmem_shared>> -> memref<10240xf32, #tpu.memory_space<vmem_shared>>
    tpu.enqueue_indirect_dma source(%arg6 : memref<80xf32, #tpu.memory_space<vmem>>) target(%dma_start3A_163 : memref<10240xf32, #tpu.memory_space<vmem_shared>>) offsets(%dma_start3A_161 : memref<80xi32, #tpu.memory_space<vmem>>) semaphore(%arg8 : memref<!tpu.dma_semaphore, #tpu.memory_space<semaphore_mem>>) {add = true}
    %dma_start3A_164 = arith.constant 19 : i32
    %dma_start3A_165 = arith.constant 0 : i32
    %dma_start3A_166 = tpu.memref_slice %arg5[%dma_start3A_164, %dma_start3A_165] : memref<125x80xi32, #tpu.memory_space<vmem>> -> memref<1x80xi32, #tpu.memory_space<vmem>>
    %dma_start3A_167 = tpu.memref_squeeze %dma_start3A_166 : memref<1x80xi32, #tpu.memory_space<vmem>> -> memref<80xi32, #tpu.memory_space<vmem>>
    %dma_start3A_168 = arith.constant 0 : i32
    %dma_start3A_169 = tpu.memref_slice %arg4[%dma_start3A_168] : memref<10240xf32, #tpu.memory_space<vmem_shared>> -> memref<10240xf32, #tpu.memory_space<vmem_shared>>
    tpu.enqueue_indirect_dma source(%arg6 : memref<80xf32, #tpu.memory_space<vmem>>) target(%dma_start3A_169 : memref<10240xf32, #tpu.memory_space<vmem_shared>>) offsets(%dma_start3A_167 : memref<80xi32, #tpu.memory_space<vmem>>) semaphore(%arg8 : memref<!tpu.dma_semaphore, #tpu.memory_space<semaphore_mem>>) {add = true}
    %dma_start3A_170 = arith.constant 20 : i32
    %dma_start3A_171 = arith.constant 0 : i32
    %dma_start3A_172 = tpu.memref_slice %arg5[%dma_start3A_170, %dma_start3A_171] : memref<125x80xi32, #tpu.memory_space<vmem>> -> memref<1x80xi32, #tpu.memory_space<vmem>>
    %dma_start3A_173 = tpu.memref_squeeze %dma_start3A_172 : memref<1x80xi32, #tpu.memory_space<vmem>> -> memref<80xi32, #tpu.memory_space<vmem>>
    %dma_start3A_174 = arith.constant 0 : i32
    %dma_start3A_175 = tpu.memref_slice %arg4[%dma_start3A_174] : memref<10240xf32, #tpu.memory_space<vmem_shared>> -> memref<10240xf32, #tpu.memory_space<vmem_shared>>
    tpu.enqueue_indirect_dma source(%arg6 : memref<80xf32, #tpu.memory_space<vmem>>) target(%dma_start3A_175 : memref<10240xf32, #tpu.memory_space<vmem_shared>>) offsets(%dma_start3A_173 : memref<80xi32, #tpu.memory_space<vmem>>) semaphore(%arg8 : memref<!tpu.dma_semaphore, #tpu.memory_space<semaphore_mem>>) {add = true}
    %dma_start3A_176 = arith.constant 21 : i32
    %dma_start3A_177 = arith.constant 0 : i32
    %dma_start3A_178 = tpu.memref_slice %arg5[%dma_start3A_176, %dma_start3A_177] : memref<125x80xi32, #tpu.memory_space<vmem>> -> memref<1x80xi32, #tpu.memory_space<vmem>>
    %dma_start3A_179 = tpu.memref_squeeze %dma_start3A_178 : memref<1x80xi32, #tpu.memory_space<vmem>> -> memref<80xi32, #tpu.memory_space<vmem>>
    %dma_start3A_180 = arith.constant 0 : i32
    %dma_start3A_181 = tpu.memref_slice %arg4[%dma_start3A_180] : memref<10240xf32, #tpu.memory_space<vmem_shared>> -> memref<10240xf32, #tpu.memory_space<vmem_shared>>
    tpu.enqueue_indirect_dma source(%arg6 : memref<80xf32, #tpu.memory_space<vmem>>) target(%dma_start3A_181 : memref<10240xf32, #tpu.memory_space<vmem_shared>>) offsets(%dma_start3A_179 : memref<80xi32, #tpu.memory_space<vmem>>) semaphore(%arg8 : memref<!tpu.dma_semaphore, #tpu.memory_space<semaphore_mem>>) {add = true}
    %dma_start3A_182 = arith.constant 22 : i32
    %dma_start3A_183 = arith.constant 0 : i32
    %dma_start3A_184 = tpu.memref_slice %arg5[%dma_start3A_182, %dma_start3A_183] : memref<125x80xi32, #tpu.memory_space<vmem>> -> memref<1x80xi32, #tpu.memory_space<vmem>>
    %dma_start3A_185 = tpu.memref_squeeze %dma_start3A_184 : memref<1x80xi32, #tpu.memory_space<vmem>> -> memref<80xi32, #tpu.memory_space<vmem>>
    %dma_start3A_186 = arith.constant 0 : i32
    %dma_start3A_187 = tpu.memref_slice %arg4[%dma_start3A_186] : memref<10240xf32, #tpu.memory_space<vmem_shared>> -> memref<10240xf32, #tpu.memory_space<vmem_shared>>
    tpu.enqueue_indirect_dma source(%arg6 : memref<80xf32, #tpu.memory_space<vmem>>) target(%dma_start3A_187 : memref<10240xf32, #tpu.memory_space<vmem_shared>>) offsets(%dma_start3A_185 : memref<80xi32, #tpu.memory_space<vmem>>) semaphore(%arg8 : memref<!tpu.dma_semaphore, #tpu.memory_space<semaphore_mem>>) {add = true}
    %dma_start3A_188 = arith.constant 23 : i32
    %dma_start3A_189 = arith.constant 0 : i32
    %dma_start3A_190 = tpu.memref_slice %arg5[%dma_start3A_188, %dma_start3A_189] : memref<125x80xi32, #tpu.memory_space<vmem>> -> memref<1x80xi32, #tpu.memory_space<vmem>>
    %dma_start3A_191 = tpu.memref_squeeze %dma_start3A_190 : memref<1x80xi32, #tpu.memory_space<vmem>> -> memref<80xi32, #tpu.memory_space<vmem>>
    %dma_start3A_192 = arith.constant 0 : i32
    %dma_start3A_193 = tpu.memref_slice %arg4[%dma_start3A_192] : memref<10240xf32, #tpu.memory_space<vmem_shared>> -> memref<10240xf32, #tpu.memory_space<vmem_shared>>
    tpu.enqueue_indirect_dma source(%arg6 : memref<80xf32, #tpu.memory_space<vmem>>) target(%dma_start3A_193 : memref<10240xf32, #tpu.memory_space<vmem_shared>>) offsets(%dma_start3A_191 : memref<80xi32, #tpu.memory_space<vmem>>) semaphore(%arg8 : memref<!tpu.dma_semaphore, #tpu.memory_space<semaphore_mem>>) {add = true}
    %dma_start3A_194 = arith.constant 24 : i32
    %dma_start3A_195 = arith.constant 0 : i32
    %dma_start3A_196 = tpu.memref_slice %arg5[%dma_start3A_194, %dma_start3A_195] : memref<125x80xi32, #tpu.memory_space<vmem>> -> memref<1x80xi32, #tpu.memory_space<vmem>>
    %dma_start3A_197 = tpu.memref_squeeze %dma_start3A_196 : memref<1x80xi32, #tpu.memory_space<vmem>> -> memref<80xi32, #tpu.memory_space<vmem>>
    %dma_start3A_198 = arith.constant 0 : i32
    %dma_start3A_199 = tpu.memref_slice %arg4[%dma_start3A_198] : memref<10240xf32, #tpu.memory_space<vmem_shared>> -> memref<10240xf32, #tpu.memory_space<vmem_shared>>
    tpu.enqueue_indirect_dma source(%arg6 : memref<80xf32, #tpu.memory_space<vmem>>) target(%dma_start3A_199 : memref<10240xf32, #tpu.memory_space<vmem_shared>>) offsets(%dma_start3A_197 : memref<80xi32, #tpu.memory_space<vmem>>) semaphore(%arg8 : memref<!tpu.dma_semaphore, #tpu.memory_space<semaphore_mem>>) {add = true}
    %scan3A_200 = arith.constant 0 : i32
    %scan3A_201 = arith.constant 0 : i32
    %scan3A_202 = arith.constant 4 : i32
    %scan3A_203 = arith.addi %scan3A_201, %scan3A_202 : i32
    %scan3A_204 = arith.constant 1 : i32
    scf.for %scan3A_361 = %scan3A_201 to %scan3A_203 step %scan3A_204  : i32 {
      %add3A_362 = arith.constant 1 : i32
      %add3A_363 = arith.addi %scan3A_361, %add3A_362 : i32
      %mul3A_364 = arith.constant 25 : i32
      %mul3A_365 = arith.muli %add3A_363, %mul3A_364 : i32
      %add3A_366 = arith.constant 0 : i32
      %add3A_367 = arith.addi %mul3A_365, %add3A_366 : i32
      %dma_start3A_368 = arith.constant 0 : i32
      %dma_start3A_369 = tpu.memref_slice %arg5[%add3A_367, %dma_start3A_368] : memref<125x80xi32, #tpu.memory_space<vmem>> -> memref<1x80xi32, #tpu.memory_space<vmem>>
      %dma_start3A_370 = tpu.memref_squeeze %dma_start3A_369 : memref<1x80xi32, #tpu.memory_space<vmem>> -> memref<80xi32, #tpu.memory_space<vmem>>
      %dma_start3A_371 = arith.constant 0 : i32
      %dma_start3A_372 = tpu.memref_slice %arg4[%dma_start3A_371] : memref<10240xf32, #tpu.memory_space<vmem_shared>> -> memref<10240xf32, #tpu.memory_space<vmem_shared>>
      tpu.enqueue_indirect_dma source(%arg6 : memref<80xf32, #tpu.memory_space<vmem>>) target(%dma_start3A_372 : memref<10240xf32, #tpu.memory_space<vmem_shared>>) offsets(%dma_start3A_370 : memref<80xi32, #tpu.memory_space<vmem>>) semaphore(%arg8 : memref<!tpu.dma_semaphore, #tpu.memory_space<semaphore_mem>>) {add = true}
      %mul3A_373 = arith.constant 25 : i32
      %mul3A_374 = arith.muli %add3A_363, %mul3A_373 : i32
      %add3A_375 = arith.constant 1 : i32
      %add3A_376 = arith.addi %mul3A_374, %add3A_375 : i32
      %dma_start3A_377 = arith.constant 0 : i32
      %dma_start3A_378 = tpu.memref_slice %arg5[%add3A_376, %dma_start3A_377] : memref<125x80xi32, #tpu.memory_space<vmem>> -> memref<1x80xi32, #tpu.memory_space<vmem>>
      %dma_start3A_379 = tpu.memref_squeeze %dma_start3A_378 : memref<1x80xi32, #tpu.memory_space<vmem>> -> memref<80xi32, #tpu.memory_space<vmem>>
      %dma_start3A_380 = arith.constant 0 : i32
      %dma_start3A_381 = tpu.memref_slice %arg4[%dma_start3A_380] : memref<10240xf32, #tpu.memory_space<vmem_shared>> -> memref<10240xf32, #tpu.memory_space<vmem_shared>>
      tpu.enqueue_indirect_dma source(%arg6 : memref<80xf32, #tpu.memory_space<vmem>>) target(%dma_start3A_381 : memref<10240xf32, #tpu.memory_space<vmem_shared>>) offsets(%dma_start3A_379 : memref<80xi32, #tpu.memory_space<vmem>>) semaphore(%arg8 : memref<!tpu.dma_semaphore, #tpu.memory_space<semaphore_mem>>) {add = true}
      %mul3A_382 = arith.constant 25 : i32
      %mul3A_383 = arith.muli %add3A_363, %mul3A_382 : i32
      %add3A_384 = arith.constant 2 : i32
      %add3A_385 = arith.addi %mul3A_383, %add3A_384 : i32
      %dma_start3A_386 = arith.constant 0 : i32
      %dma_start3A_387 = tpu.memref_slice %arg5[%add3A_385, %dma_start3A_386] : memref<125x80xi32, #tpu.memory_space<vmem>> -> memref<1x80xi32, #tpu.memory_space<vmem>>
      %dma_start3A_388 = tpu.memref_squeeze %dma_start3A_387 : memref<1x80xi32, #tpu.memory_space<vmem>> -> memref<80xi32, #tpu.memory_space<vmem>>
      %dma_start3A_389 = arith.constant 0 : i32
      %dma_start3A_390 = tpu.memref_slice %arg4[%dma_start3A_389] : memref<10240xf32, #tpu.memory_space<vmem_shared>> -> memref<10240xf32, #tpu.memory_space<vmem_shared>>
      tpu.enqueue_indirect_dma source(%arg6 : memref<80xf32, #tpu.memory_space<vmem>>) target(%dma_start3A_390 : memref<10240xf32, #tpu.memory_space<vmem_shared>>) offsets(%dma_start3A_388 : memref<80xi32, #tpu.memory_space<vmem>>) semaphore(%arg8 : memref<!tpu.dma_semaphore, #tpu.memory_space<semaphore_mem>>) {add = true}
      %mul3A_391 = arith.constant 25 : i32
      %mul3A_392 = arith.muli %add3A_363, %mul3A_391 : i32
      %add3A_393 = arith.constant 3 : i32
      %add3A_394 = arith.addi %mul3A_392, %add3A_393 : i32
      %dma_start3A_395 = arith.constant 0 : i32
      %dma_start3A_396 = tpu.memref_slice %arg5[%add3A_394, %dma_start3A_395] : memref<125x80xi32, #tpu.memory_space<vmem>> -> memref<1x80xi32, #tpu.memory_space<vmem>>
      %dma_start3A_397 = tpu.memref_squeeze %dma_start3A_396 : memref<1x80xi32, #tpu.memory_space<vmem>> -> memref<80xi32, #tpu.memory_space<vmem>>
      %dma_start3A_398 = arith.constant 0 : i32
      %dma_start3A_399 = tpu.memref_slice %arg4[%dma_start3A_398] : memref<10240xf32, #tpu.memory_space<vmem_shared>> -> memref<10240xf32, #tpu.memory_space<vmem_shared>>
      tpu.enqueue_indirect_dma source(%arg6 : memref<80xf32, #tpu.memory_space<vmem>>) target(%dma_start3A_399 : memref<10240xf32, #tpu.memory_space<vmem_shared>>) offsets(%dma_start3A_397 : memref<80xi32, #tpu.memory_space<vmem>>) semaphore(%arg8 : memref<!tpu.dma_semaphore, #tpu.memory_space<semaphore_mem>>) {add = true}
      %mul3A_400 = arith.constant 25 : i32
      %mul3A_401 = arith.muli %add3A_363, %mul3A_400 : i32
      %add3A_402 = arith.constant 4 : i32
      %add3A_403 = arith.addi %mul3A_401, %add3A_402 : i32
      %dma_start3A_404 = arith.constant 0 : i32
      %dma_start3A_405 = tpu.memref_slice %arg5[%add3A_403, %dma_start3A_404] : memref<125x80xi32, #tpu.memory_space<vmem>> -> memref<1x80xi32, #tpu.memory_space<vmem>>
      %dma_start3A_406 = tpu.memref_squeeze %dma_start3A_405 : memref<1x80xi32, #tpu.memory_space<vmem>> -> memref<80xi32, #tpu.memory_space<vmem>>
      %dma_start3A_407 = arith.constant 0 : i32
      %dma_start3A_408 = tpu.memref_slice %arg4[%dma_start3A_407] : memref<10240xf32, #tpu.memory_space<vmem_shared>> -> memref<10240xf32, #tpu.memory_space<vmem_shared>>
      tpu.enqueue_indirect_dma source(%arg6 : memref<80xf32, #tpu.memory_space<vmem>>) target(%dma_start3A_408 : memref<10240xf32, #tpu.memory_space<vmem_shared>>) offsets(%dma_start3A_406 : memref<80xi32, #tpu.memory_space<vmem>>) semaphore(%arg8 : memref<!tpu.dma_semaphore, #tpu.memory_space<semaphore_mem>>) {add = true}
      %mul3A_409 = arith.constant 25 : i32
      %mul3A_410 = arith.muli %add3A_363, %mul3A_409 : i32
      %add3A_411 = arith.constant 5 : i32
      %add3A_412 = arith.addi %mul3A_410, %add3A_411 : i32
      %dma_start3A_413 = arith.constant 0 : i32
      %dma_start3A_414 = tpu.memref_slice %arg5[%add3A_412, %dma_start3A_413] : memref<125x80xi32, #tpu.memory_space<vmem>> -> memref<1x80xi32, #tpu.memory_space<vmem>>
      %dma_start3A_415 = tpu.memref_squeeze %dma_start3A_414 : memref<1x80xi32, #tpu.memory_space<vmem>> -> memref<80xi32, #tpu.memory_space<vmem>>
      %dma_start3A_416 = arith.constant 0 : i32
      %dma_start3A_417 = tpu.memref_slice %arg4[%dma_start3A_416] : memref<10240xf32, #tpu.memory_space<vmem_shared>> -> memref<10240xf32, #tpu.memory_space<vmem_shared>>
      tpu.enqueue_indirect_dma source(%arg6 : memref<80xf32, #tpu.memory_space<vmem>>) target(%dma_start3A_417 : memref<10240xf32, #tpu.memory_space<vmem_shared>>) offsets(%dma_start3A_415 : memref<80xi32, #tpu.memory_space<vmem>>) semaphore(%arg8 : memref<!tpu.dma_semaphore, #tpu.memory_space<semaphore_mem>>) {add = true}
      %mul3A_418 = arith.constant 25 : i32
      %mul3A_419 = arith.muli %add3A_363, %mul3A_418 : i32
      %add3A_420 = arith.constant 6 : i32
      %add3A_421 = arith.addi %mul3A_419, %add3A_420 : i32
      %dma_start3A_422 = arith.constant 0 : i32
      %dma_start3A_423 = tpu.memref_slice %arg5[%add3A_421, %dma_start3A_422] : memref<125x80xi32, #tpu.memory_space<vmem>> -> memref<1x80xi32, #tpu.memory_space<vmem>>
      %dma_start3A_424 = tpu.memref_squeeze %dma_start3A_423 : memref<1x80xi32, #tpu.memory_space<vmem>> -> memref<80xi32, #tpu.memory_space<vmem>>
      %dma_start3A_425 = arith.constant 0 : i32
      %dma_start3A_426 = tpu.memref_slice %arg4[%dma_start3A_425] : memref<10240xf32, #tpu.memory_space<vmem_shared>> -> memref<10240xf32, #tpu.memory_space<vmem_shared>>
      tpu.enqueue_indirect_dma source(%arg6 : memref<80xf32, #tpu.memory_space<vmem>>) target(%dma_start3A_426 : memref<10240xf32, #tpu.memory_space<vmem_shared>>) offsets(%dma_start3A_424 : memref<80xi32, #tpu.memory_space<vmem>>) semaphore(%arg8 : memref<!tpu.dma_semaphore, #tpu.memory_space<semaphore_mem>>) {add = true}
      %mul3A_427 = arith.constant 25 : i32
      %mul3A_428 = arith.muli %add3A_363, %mul3A_427 : i32
      %add3A_429 = arith.constant 7 : i32
      %add3A_430 = arith.addi %mul3A_428, %add3A_429 : i32
      %dma_start3A_431 = arith.constant 0 : i32
      %dma_start3A_432 = tpu.memref_slice %arg5[%add3A_430, %dma_start3A_431] : memref<125x80xi32, #tpu.memory_space<vmem>> -> memref<1x80xi32, #tpu.memory_space<vmem>>
      %dma_start3A_433 = tpu.memref_squeeze %dma_start3A_432 : memref<1x80xi32, #tpu.memory_space<vmem>> -> memref<80xi32, #tpu.memory_space<vmem>>
      %dma_start3A_434 = arith.constant 0 : i32
      %dma_start3A_435 = tpu.memref_slice %arg4[%dma_start3A_434] : memref<10240xf32, #tpu.memory_space<vmem_shared>> -> memref<10240xf32, #tpu.memory_space<vmem_shared>>
      tpu.enqueue_indirect_dma source(%arg6 : memref<80xf32, #tpu.memory_space<vmem>>) target(%dma_start3A_435 : memref<10240xf32, #tpu.memory_space<vmem_shared>>) offsets(%dma_start3A_433 : memref<80xi32, #tpu.memory_space<vmem>>) semaphore(%arg8 : memref<!tpu.dma_semaphore, #tpu.memory_space<semaphore_mem>>) {add = true}
      %mul3A_436 = arith.constant 25 : i32
      %mul3A_437 = arith.muli %add3A_363, %mul3A_436 : i32
      %add3A_438 = arith.constant 8 : i32
      %add3A_439 = arith.addi %mul3A_437, %add3A_438 : i32
      %dma_start3A_440 = arith.constant 0 : i32
      %dma_start3A_441 = tpu.memref_slice %arg5[%add3A_439, %dma_start3A_440] : memref<125x80xi32, #tpu.memory_space<vmem>> -> memref<1x80xi32, #tpu.memory_space<vmem>>
      %dma_start3A_442 = tpu.memref_squeeze %dma_start3A_441 : memref<1x80xi32, #tpu.memory_space<vmem>> -> memref<80xi32, #tpu.memory_space<vmem>>
      %dma_start3A_443 = arith.constant 0 : i32
      %dma_start3A_444 = tpu.memref_slice %arg4[%dma_start3A_443] : memref<10240xf32, #tpu.memory_space<vmem_shared>> -> memref<10240xf32, #tpu.memory_space<vmem_shared>>
      tpu.enqueue_indirect_dma source(%arg6 : memref<80xf32, #tpu.memory_space<vmem>>) target(%dma_start3A_444 : memref<10240xf32, #tpu.memory_space<vmem_shared>>) offsets(%dma_start3A_442 : memref<80xi32, #tpu.memory_space<vmem>>) semaphore(%arg8 : memref<!tpu.dma_semaphore, #tpu.memory_space<semaphore_mem>>) {add = true}
      %mul3A_445 = arith.constant 25 : i32
      %mul3A_446 = arith.muli %add3A_363, %mul3A_445 : i32
      %add3A_447 = arith.constant 9 : i32
      %add3A_448 = arith.addi %mul3A_446, %add3A_447 : i32
      %dma_start3A_449 = arith.constant 0 : i32
      %dma_start3A_450 = tpu.memref_slice %arg5[%add3A_448, %dma_start3A_449] : memref<125x80xi32, #tpu.memory_space<vmem>> -> memref<1x80xi32, #tpu.memory_space<vmem>>
      %dma_start3A_451 = tpu.memref_squeeze %dma_start3A_450 : memref<1x80xi32, #tpu.memory_space<vmem>> -> memref<80xi32, #tpu.memory_space<vmem>>
      %dma_start3A_452 = arith.constant 0 : i32
      %dma_start3A_453 = tpu.memref_slice %arg4[%dma_start3A_452] : memref<10240xf32, #tpu.memory_space<vmem_shared>> -> memref<10240xf32, #tpu.memory_space<vmem_shared>>
      tpu.enqueue_indirect_dma source(%arg6 : memref<80xf32, #tpu.memory_space<vmem>>) target(%dma_start3A_453 : memref<10240xf32, #tpu.memory_space<vmem_shared>>) offsets(%dma_start3A_451 : memref<80xi32, #tpu.memory_space<vmem>>) semaphore(%arg8 : memref<!tpu.dma_semaphore, #tpu.memory_space<semaphore_mem>>) {add = true}
      %mul3A_454 = arith.constant 25 : i32
      %mul3A_455 = arith.muli %add3A_363, %mul3A_454 : i32
      %add3A_456 = arith.constant 10 : i32
      %add3A_457 = arith.addi %mul3A_455, %add3A_456 : i32
      %dma_start3A_458 = arith.constant 0 : i32
      %dma_start3A_459 = tpu.memref_slice %arg5[%add3A_457, %dma_start3A_458] : memref<125x80xi32, #tpu.memory_space<vmem>> -> memref<1x80xi32, #tpu.memory_space<vmem>>
      %dma_start3A_460 = tpu.memref_squeeze %dma_start3A_459 : memref<1x80xi32, #tpu.memory_space<vmem>> -> memref<80xi32, #tpu.memory_space<vmem>>
      %dma_start3A_461 = arith.constant 0 : i32
      %dma_start3A_462 = tpu.memref_slice %arg4[%dma_start3A_461] : memref<10240xf32, #tpu.memory_space<vmem_shared>> -> memref<10240xf32, #tpu.memory_space<vmem_shared>>
      tpu.enqueue_indirect_dma source(%arg6 : memref<80xf32, #tpu.memory_space<vmem>>) target(%dma_start3A_462 : memref<10240xf32, #tpu.memory_space<vmem_shared>>) offsets(%dma_start3A_460 : memref<80xi32, #tpu.memory_space<vmem>>) semaphore(%arg8 : memref<!tpu.dma_semaphore, #tpu.memory_space<semaphore_mem>>) {add = true}
      %mul3A_463 = arith.constant 25 : i32
      %mul3A_464 = arith.muli %add3A_363, %mul3A_463 : i32
      %add3A_465 = arith.constant 11 : i32
      %add3A_466 = arith.addi %mul3A_464, %add3A_465 : i32
      %dma_start3A_467 = arith.constant 0 : i32
      %dma_start3A_468 = tpu.memref_slice %arg5[%add3A_466, %dma_start3A_467] : memref<125x80xi32, #tpu.memory_space<vmem>> -> memref<1x80xi32, #tpu.memory_space<vmem>>
      %dma_start3A_469 = tpu.memref_squeeze %dma_start3A_468 : memref<1x80xi32, #tpu.memory_space<vmem>> -> memref<80xi32, #tpu.memory_space<vmem>>
      %dma_start3A_470 = arith.constant 0 : i32
      %dma_start3A_471 = tpu.memref_slice %arg4[%dma_start3A_470] : memref<10240xf32, #tpu.memory_space<vmem_shared>> -> memref<10240xf32, #tpu.memory_space<vmem_shared>>
      tpu.enqueue_indirect_dma source(%arg6 : memref<80xf32, #tpu.memory_space<vmem>>) target(%dma_start3A_471 : memref<10240xf32, #tpu.memory_space<vmem_shared>>) offsets(%dma_start3A_469 : memref<80xi32, #tpu.memory_space<vmem>>) semaphore(%arg8 : memref<!tpu.dma_semaphore, #tpu.memory_space<semaphore_mem>>) {add = true}
      %mul3A_472 = arith.constant 25 : i32
      %mul3A_473 = arith.muli %add3A_363, %mul3A_472 : i32
      %add3A_474 = arith.constant 12 : i32
      %add3A_475 = arith.addi %mul3A_473, %add3A_474 : i32
      %dma_start3A_476 = arith.constant 0 : i32
      %dma_start3A_477 = tpu.memref_slice %arg5[%add3A_475, %dma_start3A_476] : memref<125x80xi32, #tpu.memory_space<vmem>> -> memref<1x80xi32, #tpu.memory_space<vmem>>
      %dma_start3A_478 = tpu.memref_squeeze %dma_start3A_477 : memref<1x80xi32, #tpu.memory_space<vmem>> -> memref<80xi32, #tpu.memory_space<vmem>>
      %dma_start3A_479 = arith.constant 0 : i32
      %dma_start3A_480 = tpu.memref_slice %arg4[%dma_start3A_479] : memref<10240xf32, #tpu.memory_space<vmem_shared>> -> memref<10240xf32, #tpu.memory_space<vmem_shared>>
      tpu.enqueue_indirect_dma source(%arg6 : memref<80xf32, #tpu.memory_space<vmem>>) target(%dma_start3A_480 : memref<10240xf32, #tpu.memory_space<vmem_shared>>) offsets(%dma_start3A_478 : memref<80xi32, #tpu.memory_space<vmem>>) semaphore(%arg8 : memref<!tpu.dma_semaphore, #tpu.memory_space<semaphore_mem>>) {add = true}
      %mul3A_481 = arith.constant 25 : i32
      %mul3A_482 = arith.muli %add3A_363, %mul3A_481 : i32
      %add3A_483 = arith.constant 13 : i32
      %add3A_484 = arith.addi %mul3A_482, %add3A_483 : i32
      %dma_start3A_485 = arith.constant 0 : i32
      %dma_start3A_486 = tpu.memref_slice %arg5[%add3A_484, %dma_start3A_485] : memref<125x80xi32, #tpu.memory_space<vmem>> -> memref<1x80xi32, #tpu.memory_space<vmem>>
      %dma_start3A_487 = tpu.memref_squeeze %dma_start3A_486 : memref<1x80xi32, #tpu.memory_space<vmem>> -> memref<80xi32, #tpu.memory_space<vmem>>
      %dma_start3A_488 = arith.constant 0 : i32
      %dma_start3A_489 = tpu.memref_slice %arg4[%dma_start3A_488] : memref<10240xf32, #tpu.memory_space<vmem_shared>> -> memref<10240xf32, #tpu.memory_space<vmem_shared>>
      tpu.enqueue_indirect_dma source(%arg6 : memref<80xf32, #tpu.memory_space<vmem>>) target(%dma_start3A_489 : memref<10240xf32, #tpu.memory_space<vmem_shared>>) offsets(%dma_start3A_487 : memref<80xi32, #tpu.memory_space<vmem>>) semaphore(%arg8 : memref<!tpu.dma_semaphore, #tpu.memory_space<semaphore_mem>>) {add = true}
      %mul3A_490 = arith.constant 25 : i32
      %mul3A_491 = arith.muli %add3A_363, %mul3A_490 : i32
      %add3A_492 = arith.constant 14 : i32
      %add3A_493 = arith.addi %mul3A_491, %add3A_492 : i32
      %dma_start3A_494 = arith.constant 0 : i32
      %dma_start3A_495 = tpu.memref_slice %arg5[%add3A_493, %dma_start3A_494] : memref<125x80xi32, #tpu.memory_space<vmem>> -> memref<1x80xi32, #tpu.memory_space<vmem>>
      %dma_start3A_496 = tpu.memref_squeeze %dma_start3A_495 : memref<1x80xi32, #tpu.memory_space<vmem>> -> memref<80xi32, #tpu.memory_space<vmem>>
      %dma_start3A_497 = arith.constant 0 : i32
      %dma_start3A_498 = tpu.memref_slice %arg4[%dma_start3A_497] : memref<10240xf32, #tpu.memory_space<vmem_shared>> -> memref<10240xf32, #tpu.memory_space<vmem_shared>>
      tpu.enqueue_indirect_dma source(%arg6 : memref<80xf32, #tpu.memory_space<vmem>>) target(%dma_start3A_498 : memref<10240xf32, #tpu.memory_space<vmem_shared>>) offsets(%dma_start3A_496 : memref<80xi32, #tpu.memory_space<vmem>>) semaphore(%arg8 : memref<!tpu.dma_semaphore, #tpu.memory_space<semaphore_mem>>) {add = true}
      %mul3A_499 = arith.constant 25 : i32
      %mul3A_500 = arith.muli %add3A_363, %mul3A_499 : i32
      %add3A_501 = arith.constant 15 : i32
      %add3A_502 = arith.addi %mul3A_500, %add3A_501 : i32
      %dma_start3A_503 = arith.constant 0 : i32
      %dma_start3A_504 = tpu.memref_slice %arg5[%add3A_502, %dma_start3A_503] : memref<125x80xi32, #tpu.memory_space<vmem>> -> memref<1x80xi32, #tpu.memory_space<vmem>>
      %dma_start3A_505 = tpu.memref_squeeze %dma_start3A_504 : memref<1x80xi32, #tpu.memory_space<vmem>> -> memref<80xi32, #tpu.memory_space<vmem>>
      %dma_start3A_506 = arith.constant 0 : i32
      %dma_start3A_507 = tpu.memref_slice %arg4[%dma_start3A_506] : memref<10240xf32, #tpu.memory_space<vmem_shared>> -> memref<10240xf32, #tpu.memory_space<vmem_shared>>
      tpu.enqueue_indirect_dma source(%arg6 : memref<80xf32, #tpu.memory_space<vmem>>) target(%dma_start3A_507 : memref<10240xf32, #tpu.memory_space<vmem_shared>>) offsets(%dma_start3A_505 : memref<80xi32, #tpu.memory_space<vmem>>) semaphore(%arg8 : memref<!tpu.dma_semaphore, #tpu.memory_space<semaphore_mem>>) {add = true}
      %mul3A_508 = arith.constant 25 : i32
      %mul3A_509 = arith.muli %add3A_363, %mul3A_508 : i32
      %add3A_510 = arith.constant 16 : i32
      %add3A_511 = arith.addi %mul3A_509, %add3A_510 : i32
      %dma_start3A_512 = arith.constant 0 : i32
      %dma_start3A_513 = tpu.memref_slice %arg5[%add3A_511, %dma_start3A_512] : memref<125x80xi32, #tpu.memory_space<vmem>> -> memref<1x80xi32, #tpu.memory_space<vmem>>
      %dma_start3A_514 = tpu.memref_squeeze %dma_start3A_513 : memref<1x80xi32, #tpu.memory_space<vmem>> -> memref<80xi32, #tpu.memory_space<vmem>>
      %dma_start3A_515 = arith.constant 0 : i32
      %dma_start3A_516 = tpu.memref_slice %arg4[%dma_start3A_515] : memref<10240xf32, #tpu.memory_space<vmem_shared>> -> memref<10240xf32, #tpu.memory_space<vmem_shared>>
      tpu.enqueue_indirect_dma source(%arg6 : memref<80xf32, #tpu.memory_space<vmem>>) target(%dma_start3A_516 : memref<10240xf32, #tpu.memory_space<vmem_shared>>) offsets(%dma_start3A_514 : memref<80xi32, #tpu.memory_space<vmem>>) semaphore(%arg8 : memref<!tpu.dma_semaphore, #tpu.memory_space<semaphore_mem>>) {add = true}
      %mul3A_517 = arith.constant 25 : i32
      %mul3A_518 = arith.muli %add3A_363, %mul3A_517 : i32
      %add3A_519 = arith.constant 17 : i32
      %add3A_520 = arith.addi %mul3A_518, %add3A_519 : i32
      %dma_start3A_521 = arith.constant 0 : i32
      %dma_start3A_522 = tpu.memref_slice %arg5[%add3A_520, %dma_start3A_521] : memref<125x80xi32, #tpu.memory_space<vmem>> -> memref<1x80xi32, #tpu.memory_space<vmem>>
      %dma_start3A_523 = tpu.memref_squeeze %dma_start3A_522 : memref<1x80xi32, #tpu.memory_space<vmem>> -> memref<80xi32, #tpu.memory_space<vmem>>
      %dma_start3A_524 = arith.constant 0 : i32
      %dma_start3A_525 = tpu.memref_slice %arg4[%dma_start3A_524] : memref<10240xf32, #tpu.memory_space<vmem_shared>> -> memref<10240xf32, #tpu.memory_space<vmem_shared>>
      tpu.enqueue_indirect_dma source(%arg6 : memref<80xf32, #tpu.memory_space<vmem>>) target(%dma_start3A_525 : memref<10240xf32, #tpu.memory_space<vmem_shared>>) offsets(%dma_start3A_523 : memref<80xi32, #tpu.memory_space<vmem>>) semaphore(%arg8 : memref<!tpu.dma_semaphore, #tpu.memory_space<semaphore_mem>>) {add = true}
      %mul3A_526 = arith.constant 25 : i32
      %mul3A_527 = arith.muli %add3A_363, %mul3A_526 : i32
      %add3A_528 = arith.constant 18 : i32
      %add3A_529 = arith.addi %mul3A_527, %add3A_528 : i32
      %dma_start3A_530 = arith.constant 0 : i32
      %dma_start3A_531 = tpu.memref_slice %arg5[%add3A_529, %dma_start3A_530] : memref<125x80xi32, #tpu.memory_space<vmem>> -> memref<1x80xi32, #tpu.memory_space<vmem>>
      %dma_start3A_532 = tpu.memref_squeeze %dma_start3A_531 : memref<1x80xi32, #tpu.memory_space<vmem>> -> memref<80xi32, #tpu.memory_space<vmem>>
      %dma_start3A_533 = arith.constant 0 : i32
      %dma_start3A_534 = tpu.memref_slice %arg4[%dma_start3A_533] : memref<10240xf32, #tpu.memory_space<vmem_shared>> -> memref<10240xf32, #tpu.memory_space<vmem_shared>>
      tpu.enqueue_indirect_dma source(%arg6 : memref<80xf32, #tpu.memory_space<vmem>>) target(%dma_start3A_534 : memref<10240xf32, #tpu.memory_space<vmem_shared>>) offsets(%dma_start3A_532 : memref<80xi32, #tpu.memory_space<vmem>>) semaphore(%arg8 : memref<!tpu.dma_semaphore, #tpu.memory_space<semaphore_mem>>) {add = true}
      %mul3A_535 = arith.constant 25 : i32
      %mul3A_536 = arith.muli %add3A_363, %mul3A_535 : i32
      %add3A_537 = arith.constant 19 : i32
      %add3A_538 = arith.addi %mul3A_536, %add3A_537 : i32
      %dma_start3A_539 = arith.constant 0 : i32
      %dma_start3A_540 = tpu.memref_slice %arg5[%add3A_538, %dma_start3A_539] : memref<125x80xi32, #tpu.memory_space<vmem>> -> memref<1x80xi32, #tpu.memory_space<vmem>>
      %dma_start3A_541 = tpu.memref_squeeze %dma_start3A_540 : memref<1x80xi32, #tpu.memory_space<vmem>> -> memref<80xi32, #tpu.memory_space<vmem>>
      %dma_start3A_542 = arith.constant 0 : i32
      %dma_start3A_543 = tpu.memref_slice %arg4[%dma_start3A_542] : memref<10240xf32, #tpu.memory_space<vmem_shared>> -> memref<10240xf32, #tpu.memory_space<vmem_shared>>
      tpu.enqueue_indirect_dma source(%arg6 : memref<80xf32, #tpu.memory_space<vmem>>) target(%dma_start3A_543 : memref<10240xf32, #tpu.memory_space<vmem_shared>>) offsets(%dma_start3A_541 : memref<80xi32, #tpu.memory_space<vmem>>) semaphore(%arg8 : memref<!tpu.dma_semaphore, #tpu.memory_space<semaphore_mem>>) {add = true}
      %mul3A_544 = arith.constant 25 : i32
      %mul3A_545 = arith.muli %add3A_363, %mul3A_544 : i32
      %add3A_546 = arith.constant 20 : i32
      %add3A_547 = arith.addi %mul3A_545, %add3A_546 : i32
      %dma_start3A_548 = arith.constant 0 : i32
      %dma_start3A_549 = tpu.memref_slice %arg5[%add3A_547, %dma_start3A_548] : memref<125x80xi32, #tpu.memory_space<vmem>> -> memref<1x80xi32, #tpu.memory_space<vmem>>
      %dma_start3A_550 = tpu.memref_squeeze %dma_start3A_549 : memref<1x80xi32, #tpu.memory_space<vmem>> -> memref<80xi32, #tpu.memory_space<vmem>>
      %dma_start3A_551 = arith.constant 0 : i32
      %dma_start3A_552 = tpu.memref_slice %arg4[%dma_start3A_551] : memref<10240xf32, #tpu.memory_space<vmem_shared>> -> memref<10240xf32, #tpu.memory_space<vmem_shared>>
      tpu.enqueue_indirect_dma source(%arg6 : memref<80xf32, #tpu.memory_space<vmem>>) target(%dma_start3A_552 : memref<10240xf32, #tpu.memory_space<vmem_shared>>) offsets(%dma_start3A_550 : memref<80xi32, #tpu.memory_space<vmem>>) semaphore(%arg8 : memref<!tpu.dma_semaphore, #tpu.memory_space<semaphore_mem>>) {add = true}
      %mul3A_553 = arith.constant 25 : i32
      %mul3A_554 = arith.muli %add3A_363, %mul3A_553 : i32
      %add3A_555 = arith.constant 21 : i32
      %add3A_556 = arith.addi %mul3A_554, %add3A_555 : i32
      %dma_start3A_557 = arith.constant 0 : i32
      %dma_start3A_558 = tpu.memref_slice %arg5[%add3A_556, %dma_start3A_557] : memref<125x80xi32, #tpu.memory_space<vmem>> -> memref<1x80xi32, #tpu.memory_space<vmem>>
      %dma_start3A_559 = tpu.memref_squeeze %dma_start3A_558 : memref<1x80xi32, #tpu.memory_space<vmem>> -> memref<80xi32, #tpu.memory_space<vmem>>
      %dma_start3A_560 = arith.constant 0 : i32
      %dma_start3A_561 = tpu.memref_slice %arg4[%dma_start3A_560] : memref<10240xf32, #tpu.memory_space<vmem_shared>> -> memref<10240xf32, #tpu.memory_space<vmem_shared>>
      tpu.enqueue_indirect_dma source(%arg6 : memref<80xf32, #tpu.memory_space<vmem>>) target(%dma_start3A_561 : memref<10240xf32, #tpu.memory_space<vmem_shared>>) offsets(%dma_start3A_559 : memref<80xi32, #tpu.memory_space<vmem>>) semaphore(%arg8 : memref<!tpu.dma_semaphore, #tpu.memory_space<semaphore_mem>>) {add = true}
      %mul3A_562 = arith.constant 25 : i32
      %mul3A_563 = arith.muli %add3A_363, %mul3A_562 : i32
      %add3A_564 = arith.constant 22 : i32
      %add3A_565 = arith.addi %mul3A_563, %add3A_564 : i32
      %dma_start3A_566 = arith.constant 0 : i32
      %dma_start3A_567 = tpu.memref_slice %arg5[%add3A_565, %dma_start3A_566] : memref<125x80xi32, #tpu.memory_space<vmem>> -> memref<1x80xi32, #tpu.memory_space<vmem>>
      %dma_start3A_568 = tpu.memref_squeeze %dma_start3A_567 : memref<1x80xi32, #tpu.memory_space<vmem>> -> memref<80xi32, #tpu.memory_space<vmem>>
      %dma_start3A_569 = arith.constant 0 : i32
      %dma_start3A_570 = tpu.memref_slice %arg4[%dma_start3A_569] : memref<10240xf32, #tpu.memory_space<vmem_shared>> -> memref<10240xf32, #tpu.memory_space<vmem_shared>>
      tpu.enqueue_indirect_dma source(%arg6 : memref<80xf32, #tpu.memory_space<vmem>>) target(%dma_start3A_570 : memref<10240xf32, #tpu.memory_space<vmem_shared>>) offsets(%dma_start3A_568 : memref<80xi32, #tpu.memory_space<vmem>>) semaphore(%arg8 : memref<!tpu.dma_semaphore, #tpu.memory_space<semaphore_mem>>) {add = true}
      %mul3A_571 = arith.constant 25 : i32
      %mul3A_572 = arith.muli %add3A_363, %mul3A_571 : i32
      %add3A_573 = arith.constant 23 : i32
      %add3A_574 = arith.addi %mul3A_572, %add3A_573 : i32
      %dma_start3A_575 = arith.constant 0 : i32
      %dma_start3A_576 = tpu.memref_slice %arg5[%add3A_574, %dma_start3A_575] : memref<125x80xi32, #tpu.memory_space<vmem>> -> memref<1x80xi32, #tpu.memory_space<vmem>>
      %dma_start3A_577 = tpu.memref_squeeze %dma_start3A_576 : memref<1x80xi32, #tpu.memory_space<vmem>> -> memref<80xi32, #tpu.memory_space<vmem>>
      %dma_start3A_578 = arith.constant 0 : i32
      %dma_start3A_579 = tpu.memref_slice %arg4[%dma_start3A_578] : memref<10240xf32, #tpu.memory_space<vmem_shared>> -> memref<10240xf32, #tpu.memory_space<vmem_shared>>
      tpu.enqueue_indirect_dma source(%arg6 : memref<80xf32, #tpu.memory_space<vmem>>) target(%dma_start3A_579 : memref<10240xf32, #tpu.memory_space<vmem_shared>>) offsets(%dma_start3A_577 : memref<80xi32, #tpu.memory_space<vmem>>) semaphore(%arg8 : memref<!tpu.dma_semaphore, #tpu.memory_space<semaphore_mem>>) {add = true}
      %mul3A_580 = arith.constant 25 : i32
      %mul3A_581 = arith.muli %add3A_363, %mul3A_580 : i32
      %add3A_582 = arith.constant 24 : i32
      %add3A_583 = arith.addi %mul3A_581, %add3A_582 : i32
      %dma_start3A_584 = arith.constant 0 : i32
      %dma_start3A_585 = tpu.memref_slice %arg5[%add3A_583, %dma_start3A_584] : memref<125x80xi32, #tpu.memory_space<vmem>> -> memref<1x80xi32, #tpu.memory_space<vmem>>
      %dma_start3A_586 = tpu.memref_squeeze %dma_start3A_585 : memref<1x80xi32, #tpu.memory_space<vmem>> -> memref<80xi32, #tpu.memory_space<vmem>>
      %dma_start3A_587 = arith.constant 0 : i32
      %dma_start3A_588 = tpu.memref_slice %arg4[%dma_start3A_587] : memref<10240xf32, #tpu.memory_space<vmem_shared>> -> memref<10240xf32, #tpu.memory_space<vmem_shared>>
      tpu.enqueue_indirect_dma source(%arg6 : memref<80xf32, #tpu.memory_space<vmem>>) target(%dma_start3A_588 : memref<10240xf32, #tpu.memory_space<vmem_shared>>) offsets(%dma_start3A_586 : memref<80xi32, #tpu.memory_space<vmem>>) semaphore(%arg8 : memref<!tpu.dma_semaphore, #tpu.memory_space<semaphore_mem>>) {add = true}
      %mul3A_589 = arith.constant 25 : i32
      %mul3A_590 = arith.muli %scan3A_361, %mul3A_589 : i32
      %add3A_591 = arith.constant 0 : i32
      %add3A_592 = arith.addi %mul3A_590, %add3A_591 : i32
      %dma_wait3A_593 = arith.constant 0 : i32
      %dma_wait3A_594 = tpu.memref_slice %arg5[%add3A_592, %dma_wait3A_593] : memref<125x80xi32, #tpu.memory_space<vmem>> -> memref<1x80xi32, #tpu.memory_space<vmem>>
      %dma_wait3A_595 = tpu.memref_squeeze %dma_wait3A_594 : memref<1x80xi32, #tpu.memory_space<vmem>> -> memref<80xi32, #tpu.memory_space<vmem>>
      %dma_wait3A_596 = arith.constant 0 : i32
      %dma_wait3A_597 = tpu.memref_slice %arg4[%dma_wait3A_596] : memref<10240xf32, #tpu.memory_space<vmem_shared>> -> memref<10240xf32, #tpu.memory_space<vmem_shared>>
      tpu.wait_indirect_dma semaphore(%arg8 : memref<!tpu.dma_semaphore, #tpu.memory_space<semaphore_mem>>) src(%arg6 : memref<80xf32, #tpu.memory_space<vmem>>) dst(%dma_wait3A_597 : memref<10240xf32, #tpu.memory_space<vmem_shared>>)
      %mul3A_598 = arith.constant 25 : i32
      %mul3A_599 = arith.muli %scan3A_361, %mul3A_598 : i32
      %add3A_600 = arith.constant 1 : i32
      %add3A_601 = arith.addi %mul3A_599, %add3A_600 : i32
      %dma_wait3A_602 = arith.constant 0 : i32
      %dma_wait3A_603 = tpu.memref_slice %arg5[%add3A_601, %dma_wait3A_602] : memref<125x80xi32, #tpu.memory_space<vmem>> -> memref<1x80xi32, #tpu.memory_space<vmem>>
      %dma_wait3A_604 = tpu.memref_squeeze %dma_wait3A_603 : memref<1x80xi32, #tpu.memory_space<vmem>> -> memref<80xi32, #tpu.memory_space<vmem>>
      %dma_wait3A_605 = arith.constant 0 : i32
      %dma_wait3A_606 = tpu.memref_slice %arg4[%dma_wait3A_605] : memref<10240xf32, #tpu.memory_space<vmem_shared>> -> memref<10240xf32, #tpu.memory_space<vmem_shared>>
      tpu.wait_indirect_dma semaphore(%arg8 : memref<!tpu.dma_semaphore, #tpu.memory_space<semaphore_mem>>) src(%arg6 : memref<80xf32, #tpu.memory_space<vmem>>) dst(%dma_wait3A_606 : memref<10240xf32, #tpu.memory_space<vmem_shared>>)
      %mul3A_607 = arith.constant 25 : i32
      %mul3A_608 = arith.muli %scan3A_361, %mul3A_607 : i32
      %add3A_609 = arith.constant 2 : i32
      %add3A_610 = arith.addi %mul3A_608, %add3A_609 : i32
      %dma_wait3A_611 = arith.constant 0 : i32
      %dma_wait3A_612 = tpu.memref_slice %arg5[%add3A_610, %dma_wait3A_611] : memref<125x80xi32, #tpu.memory_space<vmem>> -> memref<1x80xi32, #tpu.memory_space<vmem>>
      %dma_wait3A_613 = tpu.memref_squeeze %dma_wait3A_612 : memref<1x80xi32, #tpu.memory_space<vmem>> -> memref<80xi32, #tpu.memory_space<vmem>>
      %dma_wait3A_614 = arith.constant 0 : i32
      %dma_wait3A_615 = tpu.memref_slice %arg4[%dma_wait3A_614] : memref<10240xf32, #tpu.memory_space<vmem_shared>> -> memref<10240xf32, #tpu.memory_space<vmem_shared>>
      tpu.wait_indirect_dma semaphore(%arg8 : memref<!tpu.dma_semaphore, #tpu.memory_space<semaphore_mem>>) src(%arg6 : memref<80xf32, #tpu.memory_space<vmem>>) dst(%dma_wait3A_615 : memref<10240xf32, #tpu.memory_space<vmem_shared>>)
      %mul3A_616 = arith.constant 25 : i32
      %mul3A_617 = arith.muli %scan3A_361, %mul3A_616 : i32
      %add3A_618 = arith.constant 3 : i32
      %add3A_619 = arith.addi %mul3A_617, %add3A_618 : i32
      %dma_wait3A_620 = arith.constant 0 : i32
      %dma_wait3A_621 = tpu.memref_slice %arg5[%add3A_619, %dma_wait3A_620] : memref<125x80xi32, #tpu.memory_space<vmem>> -> memref<1x80xi32, #tpu.memory_space<vmem>>
      %dma_wait3A_622 = tpu.memref_squeeze %dma_wait3A_621 : memref<1x80xi32, #tpu.memory_space<vmem>> -> memref<80xi32, #tpu.memory_space<vmem>>
      %dma_wait3A_623 = arith.constant 0 : i32
      %dma_wait3A_624 = tpu.memref_slice %arg4[%dma_wait3A_623] : memref<10240xf32, #tpu.memory_space<vmem_shared>> -> memref<10240xf32, #tpu.memory_space<vmem_shared>>
      tpu.wait_indirect_dma semaphore(%arg8 : memref<!tpu.dma_semaphore, #tpu.memory_space<semaphore_mem>>) src(%arg6 : memref<80xf32, #tpu.memory_space<vmem>>) dst(%dma_wait3A_624 : memref<10240xf32, #tpu.memory_space<vmem_shared>>)
      %mul3A_625 = arith.constant 25 : i32
      %mul3A_626 = arith.muli %scan3A_361, %mul3A_625 : i32
      %add3A_627 = arith.constant 4 : i32
      %add3A_628 = arith.addi %mul3A_626, %add3A_627 : i32
      %dma_wait3A_629 = arith.constant 0 : i32
      %dma_wait3A_630 = tpu.memref_slice %arg5[%add3A_628, %dma_wait3A_629] : memref<125x80xi32, #tpu.memory_space<vmem>> -> memref<1x80xi32, #tpu.memory_space<vmem>>
      %dma_wait3A_631 = tpu.memref_squeeze %dma_wait3A_630 : memref<1x80xi32, #tpu.memory_space<vmem>> -> memref<80xi32, #tpu.memory_space<vmem>>
      %dma_wait3A_632 = arith.constant 0 : i32
      %dma_wait3A_633 = tpu.memref_slice %arg4[%dma_wait3A_632] : memref<10240xf32, #tpu.memory_space<vmem_shared>> -> memref<10240xf32, #tpu.memory_space<vmem_shared>>
      tpu.wait_indirect_dma semaphore(%arg8 : memref<!tpu.dma_semaphore, #tpu.memory_space<semaphore_mem>>) src(%arg6 : memref<80xf32, #tpu.memory_space<vmem>>) dst(%dma_wait3A_633 : memref<10240xf32, #tpu.memory_space<vmem_shared>>)
      %mul3A_634 = arith.constant 25 : i32
      %mul3A_635 = arith.muli %scan3A_361, %mul3A_634 : i32
      %add3A_636 = arith.constant 5 : i32
      %add3A_637 = arith.addi %mul3A_635, %add3A_636 : i32
      %dma_wait3A_638 = arith.constant 0 : i32
      %dma_wait3A_639 = tpu.memref_slice %arg5[%add3A_637, %dma_wait3A_638] : memref<125x80xi32, #tpu.memory_space<vmem>> -> memref<1x80xi32, #tpu.memory_space<vmem>>
      %dma_wait3A_640 = tpu.memref_squeeze %dma_wait3A_639 : memref<1x80xi32, #tpu.memory_space<vmem>> -> memref<80xi32, #tpu.memory_space<vmem>>
      %dma_wait3A_641 = arith.constant 0 : i32
      %dma_wait3A_642 = tpu.memref_slice %arg4[%dma_wait3A_641] : memref<10240xf32, #tpu.memory_space<vmem_shared>> -> memref<10240xf32, #tpu.memory_space<vmem_shared>>
      tpu.wait_indirect_dma semaphore(%arg8 : memref<!tpu.dma_semaphore, #tpu.memory_space<semaphore_mem>>) src(%arg6 : memref<80xf32, #tpu.memory_space<vmem>>) dst(%dma_wait3A_642 : memref<10240xf32, #tpu.memory_space<vmem_shared>>)
      %mul3A_643 = arith.constant 25 : i32
      %mul3A_644 = arith.muli %scan3A_361, %mul3A_643 : i32
      %add3A_645 = arith.constant 6 : i32
      %add3A_646 = arith.addi %mul3A_644, %add3A_645 : i32
      %dma_wait3A_647 = arith.constant 0 : i32
      %dma_wait3A_648 = tpu.memref_slice %arg5[%add3A_646, %dma_wait3A_647] : memref<125x80xi32, #tpu.memory_space<vmem>> -> memref<1x80xi32, #tpu.memory_space<vmem>>
      %dma_wait3A_649 = tpu.memref_squeeze %dma_wait3A_648 : memref<1x80xi32, #tpu.memory_space<vmem>> -> memref<80xi32, #tpu.memory_space<vmem>>
      %dma_wait3A_650 = arith.constant 0 : i32
      %dma_wait3A_651 = tpu.memref_slice %arg4[%dma_wait3A_650] : memref<10240xf32, #tpu.memory_space<vmem_shared>> -> memref<10240xf32, #tpu.memory_space<vmem_shared>>
      tpu.wait_indirect_dma semaphore(%arg8 : memref<!tpu.dma_semaphore, #tpu.memory_space<semaphore_mem>>) src(%arg6 : memref<80xf32, #tpu.memory_space<vmem>>) dst(%dma_wait3A_651 : memref<10240xf32, #tpu.memory_space<vmem_shared>>)
      %mul3A_652 = arith.constant 25 : i32
      %mul3A_653 = arith.muli %scan3A_361, %mul3A_652 : i32
      %add3A_654 = arith.constant 7 : i32
      %add3A_655 = arith.addi %mul3A_653, %add3A_654 : i32
      %dma_wait3A_656 = arith.constant 0 : i32
      %dma_wait3A_657 = tpu.memref_slice %arg5[%add3A_655, %dma_wait3A_656] : memref<125x80xi32, #tpu.memory_space<vmem>> -> memref<1x80xi32, #tpu.memory_space<vmem>>
      %dma_wait3A_658 = tpu.memref_squeeze %dma_wait3A_657 : memref<1x80xi32, #tpu.memory_space<vmem>> -> memref<80xi32, #tpu.memory_space<vmem>>
      %dma_wait3A_659 = arith.constant 0 : i32
      %dma_wait3A_660 = tpu.memref_slice %arg4[%dma_wait3A_659] : memref<10240xf32, #tpu.memory_space<vmem_shared>> -> memref<10240xf32, #tpu.memory_space<vmem_shared>>
      tpu.wait_indirect_dma semaphore(%arg8 : memref<!tpu.dma_semaphore, #tpu.memory_space<semaphore_mem>>) src(%arg6 : memref<80xf32, #tpu.memory_space<vmem>>) dst(%dma_wait3A_660 : memref<10240xf32, #tpu.memory_space<vmem_shared>>)
      %mul3A_661 = arith.constant 25 : i32
      %mul3A_662 = arith.muli %scan3A_361, %mul3A_661 : i32
      %add3A_663 = arith.constant 8 : i32
      %add3A_664 = arith.addi %mul3A_662, %add3A_663 : i32
      %dma_wait3A_665 = arith.constant 0 : i32
      %dma_wait3A_666 = tpu.memref_slice %arg5[%add3A_664, %dma_wait3A_665] : memref<125x80xi32, #tpu.memory_space<vmem>> -> memref<1x80xi32, #tpu.memory_space<vmem>>
      %dma_wait3A_667 = tpu.memref_squeeze %dma_wait3A_666 : memref<1x80xi32, #tpu.memory_space<vmem>> -> memref<80xi32, #tpu.memory_space<vmem>>
      %dma_wait3A_668 = arith.constant 0 : i32
      %dma_wait3A_669 = tpu.memref_slice %arg4[%dma_wait3A_668] : memref<10240xf32, #tpu.memory_space<vmem_shared>> -> memref<10240xf32, #tpu.memory_space<vmem_shared>>
      tpu.wait_indirect_dma semaphore(%arg8 : memref<!tpu.dma_semaphore, #tpu.memory_space<semaphore_mem>>) src(%arg6 : memref<80xf32, #tpu.memory_space<vmem>>) dst(%dma_wait3A_669 : memref<10240xf32, #tpu.memory_space<vmem_shared>>)
      %mul3A_670 = arith.constant 25 : i32
      %mul3A_671 = arith.muli %scan3A_361, %mul3A_670 : i32
      %add3A_672 = arith.constant 9 : i32
      %add3A_673 = arith.addi %mul3A_671, %add3A_672 : i32
      %dma_wait3A_674 = arith.constant 0 : i32
      %dma_wait3A_675 = tpu.memref_slice %arg5[%add3A_673, %dma_wait3A_674] : memref<125x80xi32, #tpu.memory_space<vmem>> -> memref<1x80xi32, #tpu.memory_space<vmem>>
      %dma_wait3A_676 = tpu.memref_squeeze %dma_wait3A_675 : memref<1x80xi32, #tpu.memory_space<vmem>> -> memref<80xi32, #tpu.memory_space<vmem>>
      %dma_wait3A_677 = arith.constant 0 : i32
      %dma_wait3A_678 = tpu.memref_slice %arg4[%dma_wait3A_677] : memref<10240xf32, #tpu.memory_space<vmem_shared>> -> memref<10240xf32, #tpu.memory_space<vmem_shared>>
      tpu.wait_indirect_dma semaphore(%arg8 : memref<!tpu.dma_semaphore, #tpu.memory_space<semaphore_mem>>) src(%arg6 : memref<80xf32, #tpu.memory_space<vmem>>) dst(%dma_wait3A_678 : memref<10240xf32, #tpu.memory_space<vmem_shared>>)
      %mul3A_679 = arith.constant 25 : i32
      %mul3A_680 = arith.muli %scan3A_361, %mul3A_679 : i32
      %add3A_681 = arith.constant 10 : i32
      %add3A_682 = arith.addi %mul3A_680, %add3A_681 : i32
      %dma_wait3A_683 = arith.constant 0 : i32
      %dma_wait3A_684 = tpu.memref_slice %arg5[%add3A_682, %dma_wait3A_683] : memref<125x80xi32, #tpu.memory_space<vmem>> -> memref<1x80xi32, #tpu.memory_space<vmem>>
      %dma_wait3A_685 = tpu.memref_squeeze %dma_wait3A_684 : memref<1x80xi32, #tpu.memory_space<vmem>> -> memref<80xi32, #tpu.memory_space<vmem>>
      %dma_wait3A_686 = arith.constant 0 : i32
      %dma_wait3A_687 = tpu.memref_slice %arg4[%dma_wait3A_686] : memref<10240xf32, #tpu.memory_space<vmem_shared>> -> memref<10240xf32, #tpu.memory_space<vmem_shared>>
      tpu.wait_indirect_dma semaphore(%arg8 : memref<!tpu.dma_semaphore, #tpu.memory_space<semaphore_mem>>) src(%arg6 : memref<80xf32, #tpu.memory_space<vmem>>) dst(%dma_wait3A_687 : memref<10240xf32, #tpu.memory_space<vmem_shared>>)
      %mul3A_688 = arith.constant 25 : i32
      %mul3A_689 = arith.muli %scan3A_361, %mul3A_688 : i32
      %add3A_690 = arith.constant 11 : i32
      %add3A_691 = arith.addi %mul3A_689, %add3A_690 : i32
      %dma_wait3A_692 = arith.constant 0 : i32
      %dma_wait3A_693 = tpu.memref_slice %arg5[%add3A_691, %dma_wait3A_692] : memref<125x80xi32, #tpu.memory_space<vmem>> -> memref<1x80xi32, #tpu.memory_space<vmem>>
      %dma_wait3A_694 = tpu.memref_squeeze %dma_wait3A_693 : memref<1x80xi32, #tpu.memory_space<vmem>> -> memref<80xi32, #tpu.memory_space<vmem>>
      %dma_wait3A_695 = arith.constant 0 : i32
      %dma_wait3A_696 = tpu.memref_slice %arg4[%dma_wait3A_695] : memref<10240xf32, #tpu.memory_space<vmem_shared>> -> memref<10240xf32, #tpu.memory_space<vmem_shared>>
      tpu.wait_indirect_dma semaphore(%arg8 : memref<!tpu.dma_semaphore, #tpu.memory_space<semaphore_mem>>) src(%arg6 : memref<80xf32, #tpu.memory_space<vmem>>) dst(%dma_wait3A_696 : memref<10240xf32, #tpu.memory_space<vmem_shared>>)
      %mul3A_697 = arith.constant 25 : i32
      %mul3A_698 = arith.muli %scan3A_361, %mul3A_697 : i32
      %add3A_699 = arith.constant 12 : i32
      %add3A_700 = arith.addi %mul3A_698, %add3A_699 : i32
      %dma_wait3A_701 = arith.constant 0 : i32
      %dma_wait3A_702 = tpu.memref_slice %arg5[%add3A_700, %dma_wait3A_701] : memref<125x80xi32, #tpu.memory_space<vmem>> -> memref<1x80xi32, #tpu.memory_space<vmem>>
      %dma_wait3A_703 = tpu.memref_squeeze %dma_wait3A_702 : memref<1x80xi32, #tpu.memory_space<vmem>> -> memref<80xi32, #tpu.memory_space<vmem>>
      %dma_wait3A_704 = arith.constant 0 : i32
      %dma_wait3A_705 = tpu.memref_slice %arg4[%dma_wait3A_704] : memref<10240xf32, #tpu.memory_space<vmem_shared>> -> memref<10240xf32, #tpu.memory_space<vmem_shared>>
      tpu.wait_indirect_dma semaphore(%arg8 : memref<!tpu.dma_semaphore, #tpu.memory_space<semaphore_mem>>) src(%arg6 : memref<80xf32, #tpu.memory_space<vmem>>) dst(%dma_wait3A_705 : memref<10240xf32, #tpu.memory_space<vmem_shared>>)
      %mul3A_706 = arith.constant 25 : i32
      %mul3A_707 = arith.muli %scan3A_361, %mul3A_706 : i32
      %add3A_708 = arith.constant 13 : i32
      %add3A_709 = arith.addi %mul3A_707, %add3A_708 : i32
      %dma_wait3A_710 = arith.constant 0 : i32
      %dma_wait3A_711 = tpu.memref_slice %arg5[%add3A_709, %dma_wait3A_710] : memref<125x80xi32, #tpu.memory_space<vmem>> -> memref<1x80xi32, #tpu.memory_space<vmem>>
      %dma_wait3A_712 = tpu.memref_squeeze %dma_wait3A_711 : memref<1x80xi32, #tpu.memory_space<vmem>> -> memref<80xi32, #tpu.memory_space<vmem>>
      %dma_wait3A_713 = arith.constant 0 : i32
      %dma_wait3A_714 = tpu.memref_slice %arg4[%dma_wait3A_713] : memref<10240xf32, #tpu.memory_space<vmem_shared>> -> memref<10240xf32, #tpu.memory_space<vmem_shared>>
      tpu.wait_indirect_dma semaphore(%arg8 : memref<!tpu.dma_semaphore, #tpu.memory_space<semaphore_mem>>) src(%arg6 : memref<80xf32, #tpu.memory_space<vmem>>) dst(%dma_wait3A_714 : memref<10240xf32, #tpu.memory_space<vmem_shared>>)
      %mul3A_715 = arith.constant 25 : i32
      %mul3A_716 = arith.muli %scan3A_361, %mul3A_715 : i32
      %add3A_717 = arith.constant 14 : i32
      %add3A_718 = arith.addi %mul3A_716, %add3A_717 : i32
      %dma_wait3A_719 = arith.constant 0 : i32
      %dma_wait3A_720 = tpu.memref_slice %arg5[%add3A_718, %dma_wait3A_719] : memref<125x80xi32, #tpu.memory_space<vmem>> -> memref<1x80xi32, #tpu.memory_space<vmem>>
      %dma_wait3A_721 = tpu.memref_squeeze %dma_wait3A_720 : memref<1x80xi32, #tpu.memory_space<vmem>> -> memref<80xi32, #tpu.memory_space<vmem>>
      %dma_wait3A_722 = arith.constant 0 : i32
      %dma_wait3A_723 = tpu.memref_slice %arg4[%dma_wait3A_722] : memref<10240xf32, #tpu.memory_space<vmem_shared>> -> memref<10240xf32, #tpu.memory_space<vmem_shared>>
      tpu.wait_indirect_dma semaphore(%arg8 : memref<!tpu.dma_semaphore, #tpu.memory_space<semaphore_mem>>) src(%arg6 : memref<80xf32, #tpu.memory_space<vmem>>) dst(%dma_wait3A_723 : memref<10240xf32, #tpu.memory_space<vmem_shared>>)
      %mul3A_724 = arith.constant 25 : i32
      %mul3A_725 = arith.muli %scan3A_361, %mul3A_724 : i32
      %add3A_726 = arith.constant 15 : i32
      %add3A_727 = arith.addi %mul3A_725, %add3A_726 : i32
      %dma_wait3A_728 = arith.constant 0 : i32
      %dma_wait3A_729 = tpu.memref_slice %arg5[%add3A_727, %dma_wait3A_728] : memref<125x80xi32, #tpu.memory_space<vmem>> -> memref<1x80xi32, #tpu.memory_space<vmem>>
      %dma_wait3A_730 = tpu.memref_squeeze %dma_wait3A_729 : memref<1x80xi32, #tpu.memory_space<vmem>> -> memref<80xi32, #tpu.memory_space<vmem>>
      %dma_wait3A_731 = arith.constant 0 : i32
      %dma_wait3A_732 = tpu.memref_slice %arg4[%dma_wait3A_731] : memref<10240xf32, #tpu.memory_space<vmem_shared>> -> memref<10240xf32, #tpu.memory_space<vmem_shared>>
      tpu.wait_indirect_dma semaphore(%arg8 : memref<!tpu.dma_semaphore, #tpu.memory_space<semaphore_mem>>) src(%arg6 : memref<80xf32, #tpu.memory_space<vmem>>) dst(%dma_wait3A_732 : memref<10240xf32, #tpu.memory_space<vmem_shared>>)
      %mul3A_733 = arith.constant 25 : i32
      %mul3A_734 = arith.muli %scan3A_361, %mul3A_733 : i32
      %add3A_735 = arith.constant 16 : i32
      %add3A_736 = arith.addi %mul3A_734, %add3A_735 : i32
      %dma_wait3A_737 = arith.constant 0 : i32
      %dma_wait3A_738 = tpu.memref_slice %arg5[%add3A_736, %dma_wait3A_737] : memref<125x80xi32, #tpu.memory_space<vmem>> -> memref<1x80xi32, #tpu.memory_space<vmem>>
      %dma_wait3A_739 = tpu.memref_squeeze %dma_wait3A_738 : memref<1x80xi32, #tpu.memory_space<vmem>> -> memref<80xi32, #tpu.memory_space<vmem>>
      %dma_wait3A_740 = arith.constant 0 : i32
      %dma_wait3A_741 = tpu.memref_slice %arg4[%dma_wait3A_740] : memref<10240xf32, #tpu.memory_space<vmem_shared>> -> memref<10240xf32, #tpu.memory_space<vmem_shared>>
      tpu.wait_indirect_dma semaphore(%arg8 : memref<!tpu.dma_semaphore, #tpu.memory_space<semaphore_mem>>) src(%arg6 : memref<80xf32, #tpu.memory_space<vmem>>) dst(%dma_wait3A_741 : memref<10240xf32, #tpu.memory_space<vmem_shared>>)
      %mul3A_742 = arith.constant 25 : i32
      %mul3A_743 = arith.muli %scan3A_361, %mul3A_742 : i32
      %add3A_744 = arith.constant 17 : i32
      %add3A_745 = arith.addi %mul3A_743, %add3A_744 : i32
      %dma_wait3A_746 = arith.constant 0 : i32
      %dma_wait3A_747 = tpu.memref_slice %arg5[%add3A_745, %dma_wait3A_746] : memref<125x80xi32, #tpu.memory_space<vmem>> -> memref<1x80xi32, #tpu.memory_space<vmem>>
      %dma_wait3A_748 = tpu.memref_squeeze %dma_wait3A_747 : memref<1x80xi32, #tpu.memory_space<vmem>> -> memref<80xi32, #tpu.memory_space<vmem>>
      %dma_wait3A_749 = arith.constant 0 : i32
      %dma_wait3A_750 = tpu.memref_slice %arg4[%dma_wait3A_749] : memref<10240xf32, #tpu.memory_space<vmem_shared>> -> memref<10240xf32, #tpu.memory_space<vmem_shared>>
      tpu.wait_indirect_dma semaphore(%arg8 : memref<!tpu.dma_semaphore, #tpu.memory_space<semaphore_mem>>) src(%arg6 : memref<80xf32, #tpu.memory_space<vmem>>) dst(%dma_wait3A_750 : memref<10240xf32, #tpu.memory_space<vmem_shared>>)
      %mul3A_751 = arith.constant 25 : i32
      %mul3A_752 = arith.muli %scan3A_361, %mul3A_751 : i32
      %add3A_753 = arith.constant 18 : i32
      %add3A_754 = arith.addi %mul3A_752, %add3A_753 : i32
      %dma_wait3A_755 = arith.constant 0 : i32
      %dma_wait3A_756 = tpu.memref_slice %arg5[%add3A_754, %dma_wait3A_755] : memref<125x80xi32, #tpu.memory_space<vmem>> -> memref<1x80xi32, #tpu.memory_space<vmem>>
      %dma_wait3A_757 = tpu.memref_squeeze %dma_wait3A_756 : memref<1x80xi32, #tpu.memory_space<vmem>> -> memref<80xi32, #tpu.memory_space<vmem>>
      %dma_wait3A_758 = arith.constant 0 : i32
      %dma_wait3A_759 = tpu.memref_slice %arg4[%dma_wait3A_758] : memref<10240xf32, #tpu.memory_space<vmem_shared>> -> memref<10240xf32, #tpu.memory_space<vmem_shared>>
      tpu.wait_indirect_dma semaphore(%arg8 : memref<!tpu.dma_semaphore, #tpu.memory_space<semaphore_mem>>) src(%arg6 : memref<80xf32, #tpu.memory_space<vmem>>) dst(%dma_wait3A_759 : memref<10240xf32, #tpu.memory_space<vmem_shared>>)
      %mul3A_760 = arith.constant 25 : i32
      %mul3A_761 = arith.muli %scan3A_361, %mul3A_760 : i32
      %add3A_762 = arith.constant 19 : i32
      %add3A_763 = arith.addi %mul3A_761, %add3A_762 : i32
      %dma_wait3A_764 = arith.constant 0 : i32
      %dma_wait3A_765 = tpu.memref_slice %arg5[%add3A_763, %dma_wait3A_764] : memref<125x80xi32, #tpu.memory_space<vmem>> -> memref<1x80xi32, #tpu.memory_space<vmem>>
      %dma_wait3A_766 = tpu.memref_squeeze %dma_wait3A_765 : memref<1x80xi32, #tpu.memory_space<vmem>> -> memref<80xi32, #tpu.memory_space<vmem>>
      %dma_wait3A_767 = arith.constant 0 : i32
      %dma_wait3A_768 = tpu.memref_slice %arg4[%dma_wait3A_767] : memref<10240xf32, #tpu.memory_space<vmem_shared>> -> memref<10240xf32, #tpu.memory_space<vmem_shared>>
      tpu.wait_indirect_dma semaphore(%arg8 : memref<!tpu.dma_semaphore, #tpu.memory_space<semaphore_mem>>) src(%arg6 : memref<80xf32, #tpu.memory_space<vmem>>) dst(%dma_wait3A_768 : memref<10240xf32, #tpu.memory_space<vmem_shared>>)
      %mul3A_769 = arith.constant 25 : i32
      %mul3A_770 = arith.muli %scan3A_361, %mul3A_769 : i32
      %add3A_771 = arith.constant 20 : i32
      %add3A_772 = arith.addi %mul3A_770, %add3A_771 : i32
      %dma_wait3A_773 = arith.constant 0 : i32
      %dma_wait3A_774 = tpu.memref_slice %arg5[%add3A_772, %dma_wait3A_773] : memref<125x80xi32, #tpu.memory_space<vmem>> -> memref<1x80xi32, #tpu.memory_space<vmem>>
      %dma_wait3A_775 = tpu.memref_squeeze %dma_wait3A_774 : memref<1x80xi32, #tpu.memory_space<vmem>> -> memref<80xi32, #tpu.memory_space<vmem>>
      %dma_wait3A_776 = arith.constant 0 : i32
      %dma_wait3A_777 = tpu.memref_slice %arg4[%dma_wait3A_776] : memref<10240xf32, #tpu.memory_space<vmem_shared>> -> memref<10240xf32, #tpu.memory_space<vmem_shared>>
      tpu.wait_indirect_dma semaphore(%arg8 : memref<!tpu.dma_semaphore, #tpu.memory_space<semaphore_mem>>) src(%arg6 : memref<80xf32, #tpu.memory_space<vmem>>) dst(%dma_wait3A_777 : memref<10240xf32, #tpu.memory_space<vmem_shared>>)
      %mul3A_778 = arith.constant 25 : i32
      %mul3A_779 = arith.muli %scan3A_361, %mul3A_778 : i32
      %add3A_780 = arith.constant 21 : i32
      %add3A_781 = arith.addi %mul3A_779, %add3A_780 : i32
      %dma_wait3A_782 = arith.constant 0 : i32
      %dma_wait3A_783 = tpu.memref_slice %arg5[%add3A_781, %dma_wait3A_782] : memref<125x80xi32, #tpu.memory_space<vmem>> -> memref<1x80xi32, #tpu.memory_space<vmem>>
      %dma_wait3A_784 = tpu.memref_squeeze %dma_wait3A_783 : memref<1x80xi32, #tpu.memory_space<vmem>> -> memref<80xi32, #tpu.memory_space<vmem>>
      %dma_wait3A_785 = arith.constant 0 : i32
      %dma_wait3A_786 = tpu.memref_slice %arg4[%dma_wait3A_785] : memref<10240xf32, #tpu.memory_space<vmem_shared>> -> memref<10240xf32, #tpu.memory_space<vmem_shared>>
      tpu.wait_indirect_dma semaphore(%arg8 : memref<!tpu.dma_semaphore, #tpu.memory_space<semaphore_mem>>) src(%arg6 : memref<80xf32, #tpu.memory_space<vmem>>) dst(%dma_wait3A_786 : memref<10240xf32, #tpu.memory_space<vmem_shared>>)
      %mul3A_787 = arith.constant 25 : i32
      %mul3A_788 = arith.muli %scan3A_361, %mul3A_787 : i32
      %add3A_789 = arith.constant 22 : i32
      %add3A_790 = arith.addi %mul3A_788, %add3A_789 : i32
      %dma_wait3A_791 = arith.constant 0 : i32
      %dma_wait3A_792 = tpu.memref_slice %arg5[%add3A_790, %dma_wait3A_791] : memref<125x80xi32, #tpu.memory_space<vmem>> -> memref<1x80xi32, #tpu.memory_space<vmem>>
      %dma_wait3A_793 = tpu.memref_squeeze %dma_wait3A_792 : memref<1x80xi32, #tpu.memory_space<vmem>> -> memref<80xi32, #tpu.memory_space<vmem>>
      %dma_wait3A_794 = arith.constant 0 : i32
      %dma_wait3A_795 = tpu.memref_slice %arg4[%dma_wait3A_794] : memref<10240xf32, #tpu.memory_space<vmem_shared>> -> memref<10240xf32, #tpu.memory_space<vmem_shared>>
      tpu.wait_indirect_dma semaphore(%arg8 : memref<!tpu.dma_semaphore, #tpu.memory_space<semaphore_mem>>) src(%arg6 : memref<80xf32, #tpu.memory_space<vmem>>) dst(%dma_wait3A_795 : memref<10240xf32, #tpu.memory_space<vmem_shared>>)
      %mul3A_796 = arith.constant 25 : i32
      %mul3A_797 = arith.muli %scan3A_361, %mul3A_796 : i32
      %add3A_798 = arith.constant 23 : i32
      %add3A_799 = arith.addi %mul3A_797, %add3A_798 : i32
      %dma_wait3A_800 = arith.constant 0 : i32
      %dma_wait3A_801 = tpu.memref_slice %arg5[%add3A_799, %dma_wait3A_800] : memref<125x80xi32, #tpu.memory_space<vmem>> -> memref<1x80xi32, #tpu.memory_space<vmem>>
      %dma_wait3A_802 = tpu.memref_squeeze %dma_wait3A_801 : memref<1x80xi32, #tpu.memory_space<vmem>> -> memref<80xi32, #tpu.memory_space<vmem>>
      %dma_wait3A_803 = arith.constant 0 : i32
      %dma_wait3A_804 = tpu.memref_slice %arg4[%dma_wait3A_803] : memref<10240xf32, #tpu.memory_space<vmem_shared>> -> memref<10240xf32, #tpu.memory_space<vmem_shared>>
      tpu.wait_indirect_dma semaphore(%arg8 : memref<!tpu.dma_semaphore, #tpu.memory_space<semaphore_mem>>) src(%arg6 : memref<80xf32, #tpu.memory_space<vmem>>) dst(%dma_wait3A_804 : memref<10240xf32, #tpu.memory_space<vmem_shared>>)
      %mul3A_805 = arith.constant 25 : i32
      %mul3A_806 = arith.muli %scan3A_361, %mul3A_805 : i32
      %add3A_807 = arith.constant 24 : i32
      %add3A_808 = arith.addi %mul3A_806, %add3A_807 : i32
      %dma_wait3A_809 = arith.constant 0 : i32
      %dma_wait3A_810 = tpu.memref_slice %arg5[%add3A_808, %dma_wait3A_809] : memref<125x80xi32, #tpu.memory_space<vmem>> -> memref<1x80xi32, #tpu.memory_space<vmem>>
      %dma_wait3A_811 = tpu.memref_squeeze %dma_wait3A_810 : memref<1x80xi32, #tpu.memory_space<vmem>> -> memref<80xi32, #tpu.memory_space<vmem>>
      %dma_wait3A_812 = arith.constant 0 : i32
      %dma_wait3A_813 = tpu.memref_slice %arg4[%dma_wait3A_812] : memref<10240xf32, #tpu.memory_space<vmem_shared>> -> memref<10240xf32, #tpu.memory_space<vmem_shared>>
      tpu.wait_indirect_dma semaphore(%arg8 : memref<!tpu.dma_semaphore, #tpu.memory_space<semaphore_mem>>) src(%arg6 : memref<80xf32, #tpu.memory_space<vmem>>) dst(%dma_wait3A_813 : memref<10240xf32, #tpu.memory_space<vmem_shared>>)
    }
    %scan3A_205 = arith.constant 4 : i32
    %dma_wait3A_206 = arith.constant 100 : i32
    %dma_wait3A_207 = arith.constant 0 : i32
    %dma_wait3A_208 = tpu.memref_slice %arg5[%dma_wait3A_206, %dma_wait3A_207] : memref<125x80xi32, #tpu.memory_space<vmem>> -> memref<1x80xi32, #tpu.memory_space<vmem>>
    %dma_wait3A_209 = tpu.memref_squeeze %dma_wait3A_208 : memref<1x80xi32, #tpu.memory_space<vmem>> -> memref<80xi32, #tpu.memory_space<vmem>>
    %dma_wait3A_210 = arith.constant 0 : i32
    %dma_wait3A_211 = tpu.memref_slice %arg4[%dma_wait3A_210] : memref<10240xf32, #tpu.memory_space<vmem_shared>> -> memref<10240xf32, #tpu.memory_space<vmem_shared>>
    tpu.wait_indirect_dma semaphore(%arg8 : memref<!tpu.dma_semaphore, #tpu.memory_space<semaphore_mem>>) src(%arg6 : memref<80xf32, #tpu.memory_space<vmem>>) dst(%dma_wait3A_211 : memref<10240xf32, #tpu.memory_space<vmem_shared>>)
    %dma_wait3A_212 = arith.constant 101 : i32
    %dma_wait3A_213 = arith.constant 0 : i32
    %dma_wait3A_214 = tpu.memref_slice %arg5[%dma_wait3A_212, %dma_wait3A_213] : memref<125x80xi32, #tpu.memory_space<vmem>> -> memref<1x80xi32, #tpu.memory_space<vmem>>
    %dma_wait3A_215 = tpu.memref_squeeze %dma_wait3A_214 : memref<1x80xi32, #tpu.memory_space<vmem>> -> memref<80xi32, #tpu.memory_space<vmem>>
    %dma_wait3A_216 = arith.constant 0 : i32
    %dma_wait3A_217 = tpu.memref_slice %arg4[%dma_wait3A_216] : memref<10240xf32, #tpu.memory_space<vmem_shared>> -> memref<10240xf32, #tpu.memory_space<vmem_shared>>
    tpu.wait_indirect_dma semaphore(%arg8 : memref<!tpu.dma_semaphore, #tpu.memory_space<semaphore_mem>>) src(%arg6 : memref<80xf32, #tpu.memory_space<vmem>>) dst(%dma_wait3A_217 : memref<10240xf32, #tpu.memory_space<vmem_shared>>)
    %dma_wait3A_218 = arith.constant 102 : i32
    %dma_wait3A_219 = arith.constant 0 : i32
    %dma_wait3A_220 = tpu.memref_slice %arg5[%dma_wait3A_218, %dma_wait3A_219] : memref<125x80xi32, #tpu.memory_space<vmem>> -> memref<1x80xi32, #tpu.memory_space<vmem>>
    %dma_wait3A_221 = tpu.memref_squeeze %dma_wait3A_220 : memref<1x80xi32, #tpu.memory_space<vmem>> -> memref<80xi32, #tpu.memory_space<vmem>>
    %dma_wait3A_222 = arith.constant 0 : i32
    %dma_wait3A_223 = tpu.memref_slice %arg4[%dma_wait3A_222] : memref<10240xf32, #tpu.memory_space<vmem_shared>> -> memref<10240xf32, #tpu.memory_space<vmem_shared>>
    tpu.wait_indirect_dma semaphore(%arg8 : memref<!tpu.dma_semaphore, #tpu.memory_space<semaphore_mem>>) src(%arg6 : memref<80xf32, #tpu.memory_space<vmem>>) dst(%dma_wait3A_223 : memref<10240xf32, #tpu.memory_space<vmem_shared>>)
    %dma_wait3A_224 = arith.constant 103 : i32
    %dma_wait3A_225 = arith.constant 0 : i32
    %dma_wait3A_226 = tpu.memref_slice %arg5[%dma_wait3A_224, %dma_wait3A_225] : memref<125x80xi32, #tpu.memory_space<vmem>> -> memref<1x80xi32, #tpu.memory_space<vmem>>
    %dma_wait3A_227 = tpu.memref_squeeze %dma_wait3A_226 : memref<1x80xi32, #tpu.memory_space<vmem>> -> memref<80xi32, #tpu.memory_space<vmem>>
    %dma_wait3A_228 = arith.constant 0 : i32
    %dma_wait3A_229 = tpu.memref_slice %arg4[%dma_wait3A_228] : memref<10240xf32, #tpu.memory_space<vmem_shared>> -> memref<10240xf32, #tpu.memory_space<vmem_shared>>
    tpu.wait_indirect_dma semaphore(%arg8 : memref<!tpu.dma_semaphore, #tpu.memory_space<semaphore_mem>>) src(%arg6 : memref<80xf32, #tpu.memory_space<vmem>>) dst(%dma_wait3A_229 : memref<10240xf32, #tpu.memory_space<vmem_shared>>)
    %dma_wait3A_230 = arith.constant 104 : i32
    %dma_wait3A_231 = arith.constant 0 : i32
    %dma_wait3A_232 = tpu.memref_slice %arg5[%dma_wait3A_230, %dma_wait3A_231] : memref<125x80xi32, #tpu.memory_space<vmem>> -> memref<1x80xi32, #tpu.memory_space<vmem>>
    %dma_wait3A_233 = tpu.memref_squeeze %dma_wait3A_232 : memref<1x80xi32, #tpu.memory_space<vmem>> -> memref<80xi32, #tpu.memory_space<vmem>>
    %dma_wait3A_234 = arith.constant 0 : i32
    %dma_wait3A_235 = tpu.memref_slice %arg4[%dma_wait3A_234] : memref<10240xf32, #tpu.memory_space<vmem_shared>> -> memref<10240xf32, #tpu.memory_space<vmem_shared>>
    tpu.wait_indirect_dma semaphore(%arg8 : memref<!tpu.dma_semaphore, #tpu.memory_space<semaphore_mem>>) src(%arg6 : memref<80xf32, #tpu.memory_space<vmem>>) dst(%dma_wait3A_235 : memref<10240xf32, #tpu.memory_space<vmem_shared>>)
    %dma_wait3A_236 = arith.constant 105 : i32
    %dma_wait3A_237 = arith.constant 0 : i32
    %dma_wait3A_238 = tpu.memref_slice %arg5[%dma_wait3A_236, %dma_wait3A_237] : memref<125x80xi32, #tpu.memory_space<vmem>> -> memref<1x80xi32, #tpu.memory_space<vmem>>
    %dma_wait3A_239 = tpu.memref_squeeze %dma_wait3A_238 : memref<1x80xi32, #tpu.memory_space<vmem>> -> memref<80xi32, #tpu.memory_space<vmem>>
    %dma_wait3A_240 = arith.constant 0 : i32
    %dma_wait3A_241 = tpu.memref_slice %arg4[%dma_wait3A_240] : memref<10240xf32, #tpu.memory_space<vmem_shared>> -> memref<10240xf32, #tpu.memory_space<vmem_shared>>
    tpu.wait_indirect_dma semaphore(%arg8 : memref<!tpu.dma_semaphore, #tpu.memory_space<semaphore_mem>>) src(%arg6 : memref<80xf32, #tpu.memory_space<vmem>>) dst(%dma_wait3A_241 : memref<10240xf32, #tpu.memory_space<vmem_shared>>)
    %dma_wait3A_242 = arith.constant 106 : i32
    %dma_wait3A_243 = arith.constant 0 : i32
    %dma_wait3A_244 = tpu.memref_slice %arg5[%dma_wait3A_242, %dma_wait3A_243] : memref<125x80xi32, #tpu.memory_space<vmem>> -> memref<1x80xi32, #tpu.memory_space<vmem>>
    %dma_wait3A_245 = tpu.memref_squeeze %dma_wait3A_244 : memref<1x80xi32, #tpu.memory_space<vmem>> -> memref<80xi32, #tpu.memory_space<vmem>>
    %dma_wait3A_246 = arith.constant 0 : i32
    %dma_wait3A_247 = tpu.memref_slice %arg4[%dma_wait3A_246] : memref<10240xf32, #tpu.memory_space<vmem_shared>> -> memref<10240xf32, #tpu.memory_space<vmem_shared>>
    tpu.wait_indirect_dma semaphore(%arg8 : memref<!tpu.dma_semaphore, #tpu.memory_space<semaphore_mem>>) src(%arg6 : memref<80xf32, #tpu.memory_space<vmem>>) dst(%dma_wait3A_247 : memref<10240xf32, #tpu.memory_space<vmem_shared>>)
    %dma_wait3A_248 = arith.constant 107 : i32
    %dma_wait3A_249 = arith.constant 0 : i32
    %dma_wait3A_250 = tpu.memref_slice %arg5[%dma_wait3A_248, %dma_wait3A_249] : memref<125x80xi32, #tpu.memory_space<vmem>> -> memref<1x80xi32, #tpu.memory_space<vmem>>
    %dma_wait3A_251 = tpu.memref_squeeze %dma_wait3A_250 : memref<1x80xi32, #tpu.memory_space<vmem>> -> memref<80xi32, #tpu.memory_space<vmem>>
    %dma_wait3A_252 = arith.constant 0 : i32
    %dma_wait3A_253 = tpu.memref_slice %arg4[%dma_wait3A_252] : memref<10240xf32, #tpu.memory_space<vmem_shared>> -> memref<10240xf32, #tpu.memory_space<vmem_shared>>
    tpu.wait_indirect_dma semaphore(%arg8 : memref<!tpu.dma_semaphore, #tpu.memory_space<semaphore_mem>>) src(%arg6 : memref<80xf32, #tpu.memory_space<vmem>>) dst(%dma_wait3A_253 : memref<10240xf32, #tpu.memory_space<vmem_shared>>)
    %dma_wait3A_254 = arith.constant 108 : i32
    %dma_wait3A_255 = arith.constant 0 : i32
    %dma_wait3A_256 = tpu.memref_slice %arg5[%dma_wait3A_254, %dma_wait3A_255] : memref<125x80xi32, #tpu.memory_space<vmem>> -> memref<1x80xi32, #tpu.memory_space<vmem>>
    %dma_wait3A_257 = tpu.memref_squeeze %dma_wait3A_256 : memref<1x80xi32, #tpu.memory_space<vmem>> -> memref<80xi32, #tpu.memory_space<vmem>>
    %dma_wait3A_258 = arith.constant 0 : i32
    %dma_wait3A_259 = tpu.memref_slice %arg4[%dma_wait3A_258] : memref<10240xf32, #tpu.memory_space<vmem_shared>> -> memref<10240xf32, #tpu.memory_space<vmem_shared>>
    tpu.wait_indirect_dma semaphore(%arg8 : memref<!tpu.dma_semaphore, #tpu.memory_space<semaphore_mem>>) src(%arg6 : memref<80xf32, #tpu.memory_space<vmem>>) dst(%dma_wait3A_259 : memref<10240xf32, #tpu.memory_space<vmem_shared>>)
    %dma_wait3A_260 = arith.constant 109 : i32
    %dma_wait3A_261 = arith.constant 0 : i32
    %dma_wait3A_262 = tpu.memref_slice %arg5[%dma_wait3A_260, %dma_wait3A_261] : memref<125x80xi32, #tpu.memory_space<vmem>> -> memref<1x80xi32, #tpu.memory_space<vmem>>
    %dma_wait3A_263 = tpu.memref_squeeze %dma_wait3A_262 : memref<1x80xi32, #tpu.memory_space<vmem>> -> memref<80xi32, #tpu.memory_space<vmem>>
    %dma_wait3A_264 = arith.constant 0 : i32
    %dma_wait3A_265 = tpu.memref_slice %arg4[%dma_wait3A_264] : memref<10240xf32, #tpu.memory_space<vmem_shared>> -> memref<10240xf32, #tpu.memory_space<vmem_shared>>
    tpu.wait_indirect_dma semaphore(%arg8 : memref<!tpu.dma_semaphore, #tpu.memory_space<semaphore_mem>>) src(%arg6 : memref<80xf32, #tpu.memory_space<vmem>>) dst(%dma_wait3A_265 : memref<10240xf32, #tpu.memory_space<vmem_shared>>)
    %dma_wait3A_266 = arith.constant 110 : i32
    %dma_wait3A_267 = arith.constant 0 : i32
    %dma_wait3A_268 = tpu.memref_slice %arg5[%dma_wait3A_266, %dma_wait3A_267] : memref<125x80xi32, #tpu.memory_space<vmem>> -> memref<1x80xi32, #tpu.memory_space<vmem>>
    %dma_wait3A_269 = tpu.memref_squeeze %dma_wait3A_268 : memref<1x80xi32, #tpu.memory_space<vmem>> -> memref<80xi32, #tpu.memory_space<vmem>>
    %dma_wait3A_270 = arith.constant 0 : i32
    %dma_wait3A_271 = tpu.memref_slice %arg4[%dma_wait3A_270] : memref<10240xf32, #tpu.memory_space<vmem_shared>> -> memref<10240xf32, #tpu.memory_space<vmem_shared>>
    tpu.wait_indirect_dma semaphore(%arg8 : memref<!tpu.dma_semaphore, #tpu.memory_space<semaphore_mem>>) src(%arg6 : memref<80xf32, #tpu.memory_space<vmem>>) dst(%dma_wait3A_271 : memref<10240xf32, #tpu.memory_space<vmem_shared>>)
    %dma_wait3A_272 = arith.constant 111 : i32
    %dma_wait3A_273 = arith.constant 0 : i32
    %dma_wait3A_274 = tpu.memref_slice %arg5[%dma_wait3A_272, %dma_wait3A_273] : memref<125x80xi32, #tpu.memory_space<vmem>> -> memref<1x80xi32, #tpu.memory_space<vmem>>
    %dma_wait3A_275 = tpu.memref_squeeze %dma_wait3A_274 : memref<1x80xi32, #tpu.memory_space<vmem>> -> memref<80xi32, #tpu.memory_space<vmem>>
    %dma_wait3A_276 = arith.constant 0 : i32
    %dma_wait3A_277 = tpu.memref_slice %arg4[%dma_wait3A_276] : memref<10240xf32, #tpu.memory_space<vmem_shared>> -> memref<10240xf32, #tpu.memory_space<vmem_shared>>
    tpu.wait_indirect_dma semaphore(%arg8 : memref<!tpu.dma_semaphore, #tpu.memory_space<semaphore_mem>>) src(%arg6 : memref<80xf32, #tpu.memory_space<vmem>>) dst(%dma_wait3A_277 : memref<10240xf32, #tpu.memory_space<vmem_shared>>)
    %dma_wait3A_278 = arith.constant 112 : i32
    %dma_wait3A_279 = arith.constant 0 : i32
    %dma_wait3A_280 = tpu.memref_slice %arg5[%dma_wait3A_278, %dma_wait3A_279] : memref<125x80xi32, #tpu.memory_space<vmem>> -> memref<1x80xi32, #tpu.memory_space<vmem>>
    %dma_wait3A_281 = tpu.memref_squeeze %dma_wait3A_280 : memref<1x80xi32, #tpu.memory_space<vmem>> -> memref<80xi32, #tpu.memory_space<vmem>>
    %dma_wait3A_282 = arith.constant 0 : i32
    %dma_wait3A_283 = tpu.memref_slice %arg4[%dma_wait3A_282] : memref<10240xf32, #tpu.memory_space<vmem_shared>> -> memref<10240xf32, #tpu.memory_space<vmem_shared>>
    tpu.wait_indirect_dma semaphore(%arg8 : memref<!tpu.dma_semaphore, #tpu.memory_space<semaphore_mem>>) src(%arg6 : memref<80xf32, #tpu.memory_space<vmem>>) dst(%dma_wait3A_283 : memref<10240xf32, #tpu.memory_space<vmem_shared>>)
    %dma_wait3A_284 = arith.constant 113 : i32
    %dma_wait3A_285 = arith.constant 0 : i32
    %dma_wait3A_286 = tpu.memref_slice %arg5[%dma_wait3A_284, %dma_wait3A_285] : memref<125x80xi32, #tpu.memory_space<vmem>> -> memref<1x80xi32, #tpu.memory_space<vmem>>
    %dma_wait3A_287 = tpu.memref_squeeze %dma_wait3A_286 : memref<1x80xi32, #tpu.memory_space<vmem>> -> memref<80xi32, #tpu.memory_space<vmem>>
    %dma_wait3A_288 = arith.constant 0 : i32
    %dma_wait3A_289 = tpu.memref_slice %arg4[%dma_wait3A_288] : memref<10240xf32, #tpu.memory_space<vmem_shared>> -> memref<10240xf32, #tpu.memory_space<vmem_shared>>
    tpu.wait_indirect_dma semaphore(%arg8 : memref<!tpu.dma_semaphore, #tpu.memory_space<semaphore_mem>>) src(%arg6 : memref<80xf32, #tpu.memory_space<vmem>>) dst(%dma_wait3A_289 : memref<10240xf32, #tpu.memory_space<vmem_shared>>)
    %dma_wait3A_290 = arith.constant 114 : i32
    %dma_wait3A_291 = arith.constant 0 : i32
    %dma_wait3A_292 = tpu.memref_slice %arg5[%dma_wait3A_290, %dma_wait3A_291] : memref<125x80xi32, #tpu.memory_space<vmem>> -> memref<1x80xi32, #tpu.memory_space<vmem>>
    %dma_wait3A_293 = tpu.memref_squeeze %dma_wait3A_292 : memref<1x80xi32, #tpu.memory_space<vmem>> -> memref<80xi32, #tpu.memory_space<vmem>>
    %dma_wait3A_294 = arith.constant 0 : i32
    %dma_wait3A_295 = tpu.memref_slice %arg4[%dma_wait3A_294] : memref<10240xf32, #tpu.memory_space<vmem_shared>> -> memref<10240xf32, #tpu.memory_space<vmem_shared>>
    tpu.wait_indirect_dma semaphore(%arg8 : memref<!tpu.dma_semaphore, #tpu.memory_space<semaphore_mem>>) src(%arg6 : memref<80xf32, #tpu.memory_space<vmem>>) dst(%dma_wait3A_295 : memref<10240xf32, #tpu.memory_space<vmem_shared>>)
    %dma_wait3A_296 = arith.constant 115 : i32
    %dma_wait3A_297 = arith.constant 0 : i32
    %dma_wait3A_298 = tpu.memref_slice %arg5[%dma_wait3A_296, %dma_wait3A_297] : memref<125x80xi32, #tpu.memory_space<vmem>> -> memref<1x80xi32, #tpu.memory_space<vmem>>
    %dma_wait3A_299 = tpu.memref_squeeze %dma_wait3A_298 : memref<1x80xi32, #tpu.memory_space<vmem>> -> memref<80xi32, #tpu.memory_space<vmem>>
    %dma_wait3A_300 = arith.constant 0 : i32
    %dma_wait3A_301 = tpu.memref_slice %arg4[%dma_wait3A_300] : memref<10240xf32, #tpu.memory_space<vmem_shared>> -> memref<10240xf32, #tpu.memory_space<vmem_shared>>
    tpu.wait_indirect_dma semaphore(%arg8 : memref<!tpu.dma_semaphore, #tpu.memory_space<semaphore_mem>>) src(%arg6 : memref<80xf32, #tpu.memory_space<vmem>>) dst(%dma_wait3A_301 : memref<10240xf32, #tpu.memory_space<vmem_shared>>)
    %dma_wait3A_302 = arith.constant 116 : i32
    %dma_wait3A_303 = arith.constant 0 : i32
    %dma_wait3A_304 = tpu.memref_slice %arg5[%dma_wait3A_302, %dma_wait3A_303] : memref<125x80xi32, #tpu.memory_space<vmem>> -> memref<1x80xi32, #tpu.memory_space<vmem>>
    %dma_wait3A_305 = tpu.memref_squeeze %dma_wait3A_304 : memref<1x80xi32, #tpu.memory_space<vmem>> -> memref<80xi32, #tpu.memory_space<vmem>>
    %dma_wait3A_306 = arith.constant 0 : i32
    %dma_wait3A_307 = tpu.memref_slice %arg4[%dma_wait3A_306] : memref<10240xf32, #tpu.memory_space<vmem_shared>> -> memref<10240xf32, #tpu.memory_space<vmem_shared>>
    tpu.wait_indirect_dma semaphore(%arg8 : memref<!tpu.dma_semaphore, #tpu.memory_space<semaphore_mem>>) src(%arg6 : memref<80xf32, #tpu.memory_space<vmem>>) dst(%dma_wait3A_307 : memref<10240xf32, #tpu.memory_space<vmem_shared>>)
    %dma_wait3A_308 = arith.constant 117 : i32
    %dma_wait3A_309 = arith.constant 0 : i32
    %dma_wait3A_310 = tpu.memref_slice %arg5[%dma_wait3A_308, %dma_wait3A_309] : memref<125x80xi32, #tpu.memory_space<vmem>> -> memref<1x80xi32, #tpu.memory_space<vmem>>
    %dma_wait3A_311 = tpu.memref_squeeze %dma_wait3A_310 : memref<1x80xi32, #tpu.memory_space<vmem>> -> memref<80xi32, #tpu.memory_space<vmem>>
    %dma_wait3A_312 = arith.constant 0 : i32
    %dma_wait3A_313 = tpu.memref_slice %arg4[%dma_wait3A_312] : memref<10240xf32, #tpu.memory_space<vmem_shared>> -> memref<10240xf32, #tpu.memory_space<vmem_shared>>
    tpu.wait_indirect_dma semaphore(%arg8 : memref<!tpu.dma_semaphore, #tpu.memory_space<semaphore_mem>>) src(%arg6 : memref<80xf32, #tpu.memory_space<vmem>>) dst(%dma_wait3A_313 : memref<10240xf32, #tpu.memory_space<vmem_shared>>)
    %dma_wait3A_314 = arith.constant 118 : i32
    %dma_wait3A_315 = arith.constant 0 : i32
    %dma_wait3A_316 = tpu.memref_slice %arg5[%dma_wait3A_314, %dma_wait3A_315] : memref<125x80xi32, #tpu.memory_space<vmem>> -> memref<1x80xi32, #tpu.memory_space<vmem>>
    %dma_wait3A_317 = tpu.memref_squeeze %dma_wait3A_316 : memref<1x80xi32, #tpu.memory_space<vmem>> -> memref<80xi32, #tpu.memory_space<vmem>>
    %dma_wait3A_318 = arith.constant 0 : i32
    %dma_wait3A_319 = tpu.memref_slice %arg4[%dma_wait3A_318] : memref<10240xf32, #tpu.memory_space<vmem_shared>> -> memref<10240xf32, #tpu.memory_space<vmem_shared>>
    tpu.wait_indirect_dma semaphore(%arg8 : memref<!tpu.dma_semaphore, #tpu.memory_space<semaphore_mem>>) src(%arg6 : memref<80xf32, #tpu.memory_space<vmem>>) dst(%dma_wait3A_319 : memref<10240xf32, #tpu.memory_space<vmem_shared>>)
    %dma_wait3A_320 = arith.constant 119 : i32
    %dma_wait3A_321 = arith.constant 0 : i32
    %dma_wait3A_322 = tpu.memref_slice %arg5[%dma_wait3A_320, %dma_wait3A_321] : memref<125x80xi32, #tpu.memory_space<vmem>> -> memref<1x80xi32, #tpu.memory_space<vmem>>
    %dma_wait3A_323 = tpu.memref_squeeze %dma_wait3A_322 : memref<1x80xi32, #tpu.memory_space<vmem>> -> memref<80xi32, #tpu.memory_space<vmem>>
    %dma_wait3A_324 = arith.constant 0 : i32
    %dma_wait3A_325 = tpu.memref_slice %arg4[%dma_wait3A_324] : memref<10240xf32, #tpu.memory_space<vmem_shared>> -> memref<10240xf32, #tpu.memory_space<vmem_shared>>
    tpu.wait_indirect_dma semaphore(%arg8 : memref<!tpu.dma_semaphore, #tpu.memory_space<semaphore_mem>>) src(%arg6 : memref<80xf32, #tpu.memory_space<vmem>>) dst(%dma_wait3A_325 : memref<10240xf32, #tpu.memory_space<vmem_shared>>)
    %dma_wait3A_326 = arith.constant 120 : i32
    %dma_wait3A_327 = arith.constant 0 : i32
    %dma_wait3A_328 = tpu.memref_slice %arg5[%dma_wait3A_326, %dma_wait3A_327] : memref<125x80xi32, #tpu.memory_space<vmem>> -> memref<1x80xi32, #tpu.memory_space<vmem>>
    %dma_wait3A_329 = tpu.memref_squeeze %dma_wait3A_328 : memref<1x80xi32, #tpu.memory_space<vmem>> -> memref<80xi32, #tpu.memory_space<vmem>>
    %dma_wait3A_330 = arith.constant 0 : i32
    %dma_wait3A_331 = tpu.memref_slice %arg4[%dma_wait3A_330] : memref<10240xf32, #tpu.memory_space<vmem_shared>> -> memref<10240xf32, #tpu.memory_space<vmem_shared>>
    tpu.wait_indirect_dma semaphore(%arg8 : memref<!tpu.dma_semaphore, #tpu.memory_space<semaphore_mem>>) src(%arg6 : memref<80xf32, #tpu.memory_space<vmem>>) dst(%dma_wait3A_331 : memref<10240xf32, #tpu.memory_space<vmem_shared>>)
    %dma_wait3A_332 = arith.constant 121 : i32
    %dma_wait3A_333 = arith.constant 0 : i32
    %dma_wait3A_334 = tpu.memref_slice %arg5[%dma_wait3A_332, %dma_wait3A_333] : memref<125x80xi32, #tpu.memory_space<vmem>> -> memref<1x80xi32, #tpu.memory_space<vmem>>
    %dma_wait3A_335 = tpu.memref_squeeze %dma_wait3A_334 : memref<1x80xi32, #tpu.memory_space<vmem>> -> memref<80xi32, #tpu.memory_space<vmem>>
    %dma_wait3A_336 = arith.constant 0 : i32
    %dma_wait3A_337 = tpu.memref_slice %arg4[%dma_wait3A_336] : memref<10240xf32, #tpu.memory_space<vmem_shared>> -> memref<10240xf32, #tpu.memory_space<vmem_shared>>
    tpu.wait_indirect_dma semaphore(%arg8 : memref<!tpu.dma_semaphore, #tpu.memory_space<semaphore_mem>>) src(%arg6 : memref<80xf32, #tpu.memory_space<vmem>>) dst(%dma_wait3A_337 : memref<10240xf32, #tpu.memory_space<vmem_shared>>)
    %dma_wait3A_338 = arith.constant 122 : i32
    %dma_wait3A_339 = arith.constant 0 : i32
    %dma_wait3A_340 = tpu.memref_slice %arg5[%dma_wait3A_338, %dma_wait3A_339] : memref<125x80xi32, #tpu.memory_space<vmem>> -> memref<1x80xi32, #tpu.memory_space<vmem>>
    %dma_wait3A_341 = tpu.memref_squeeze %dma_wait3A_340 : memref<1x80xi32, #tpu.memory_space<vmem>> -> memref<80xi32, #tpu.memory_space<vmem>>
    %dma_wait3A_342 = arith.constant 0 : i32
    %dma_wait3A_343 = tpu.memref_slice %arg4[%dma_wait3A_342] : memref<10240xf32, #tpu.memory_space<vmem_shared>> -> memref<10240xf32, #tpu.memory_space<vmem_shared>>
    tpu.wait_indirect_dma semaphore(%arg8 : memref<!tpu.dma_semaphore, #tpu.memory_space<semaphore_mem>>) src(%arg6 : memref<80xf32, #tpu.memory_space<vmem>>) dst(%dma_wait3A_343 : memref<10240xf32, #tpu.memory_space<vmem_shared>>)
    %dma_wait3A_344 = arith.constant 123 : i32
    %dma_wait3A_345 = arith.constant 0 : i32
    %dma_wait3A_346 = tpu.memref_slice %arg5[%dma_wait3A_344, %dma_wait3A_345] : memref<125x80xi32, #tpu.memory_space<vmem>> -> memref<1x80xi32, #tpu.memory_space<vmem>>
    %dma_wait3A_347 = tpu.memref_squeeze %dma_wait3A_346 : memref<1x80xi32, #tpu.memory_space<vmem>> -> memref<80xi32, #tpu.memory_space<vmem>>
    %dma_wait3A_348 = arith.constant 0 : i32
    %dma_wait3A_349 = tpu.memref_slice %arg4[%dma_wait3A_348] : memref<10240xf32, #tpu.memory_space<vmem_shared>> -> memref<10240xf32, #tpu.memory_space<vmem_shared>>
    tpu.wait_indirect_dma semaphore(%arg8 : memref<!tpu.dma_semaphore, #tpu.memory_space<semaphore_mem>>) src(%arg6 : memref<80xf32, #tpu.memory_space<vmem>>) dst(%dma_wait3A_349 : memref<10240xf32, #tpu.memory_space<vmem_shared>>)
    %dma_wait3A_350 = arith.constant 124 : i32
    %dma_wait3A_351 = arith.constant 0 : i32
    %dma_wait3A_352 = tpu.memref_slice %arg5[%dma_wait3A_350, %dma_wait3A_351] : memref<125x80xi32, #tpu.memory_space<vmem>> -> memref<1x80xi32, #tpu.memory_space<vmem>>
    %dma_wait3A_353 = tpu.memref_squeeze %dma_wait3A_352 : memref<1x80xi32, #tpu.memory_space<vmem>> -> memref<80xi32, #tpu.memory_space<vmem>>
    %dma_wait3A_354 = arith.constant 0 : i32
    %dma_wait3A_355 = tpu.memref_slice %arg4[%dma_wait3A_354] : memref<10240xf32, #tpu.memory_space<vmem_shared>> -> memref<10240xf32, #tpu.memory_space<vmem_shared>>
    tpu.wait_indirect_dma semaphore(%arg8 : memref<!tpu.dma_semaphore, #tpu.memory_space<semaphore_mem>>) src(%arg6 : memref<80xf32, #tpu.memory_space<vmem>>) dst(%dma_wait3A_355 : memref<10240xf32, #tpu.memory_space<vmem_shared>>)
    %barrier3A_356 = arith.constant 0 : index
    tpu.barrier barrier_id(%barrier3A_356)
    %mul3A_357 = arith.constant 640 : i32
    %mul3A_358 = arith.muli %arg1, %mul3A_357 : i32
    %mul3A_359 = arith.constant 640 : i32
    %mul3A_360 = arith.muli %arg1, %mul3A_359 : i32
    "tpu.region"() ({
      %run_scoped3A = tpu.sem_alloc : memref<!tpu.dma_semaphore, #tpu.memory_space<semaphore_mem>>
      %dma_start3A_361 = tpu.memref_slice %arg3[%arg0, %mul3A_360] : memref<2x10240xf32, #tpu.memory_space<hbm>> -> memref<1x640xf32, #tpu.memory_space<hbm>>
      %dma_start3A_362 = tpu.memref_squeeze %dma_start3A_361 : memref<1x640xf32, #tpu.memory_space<hbm>> -> memref<640xf32, #tpu.memory_space<hbm>>
      %dma_start3A_363 = tpu.memref_slice %arg4[%mul3A_358] : memref<10240xf32, #tpu.memory_space<vmem_shared>> -> memref<640xf32, #tpu.memory_space<vmem_shared>>
      tpu.enqueue_dma source(%dma_start3A_363 : memref<640xf32, #tpu.memory_space<vmem_shared>>) target(%dma_start3A_362 : memref<640xf32, #tpu.memory_space<hbm>>) target_semaphore(%run_scoped3A : memref<!tpu.dma_semaphore, #tpu.memory_space<semaphore_mem>>)
      %dma_wait3A_364 = tpu.memref_slice %arg3[%arg0, %mul3A_360] : memref<2x10240xf32, #tpu.memory_space<hbm>> -> memref<1x640xf32, #tpu.memory_space<hbm>>
      %dma_wait3A_365 = tpu.memref_squeeze %dma_wait3A_364 : memref<1x640xf32, #tpu.memory_space<hbm>> -> memref<640xf32, #tpu.memory_space<hbm>>
      %dma_wait3A_366 = tpu.memref_slice %arg4[%mul3A_358] : memref<10240xf32, #tpu.memory_space<vmem_shared>> -> memref<640xf32, #tpu.memory_space<vmem_shared>>
      tpu.wait_dma2 semaphore(%run_scoped3A : memref<!tpu.dma_semaphore, #tpu.memory_space<semaphore_mem>>) src(%dma_wait3A_366 : memref<640xf32, #tpu.memory_space<vmem_shared>>) dst(%dma_wait3A_365 : memref<640xf32, #tpu.memory_space<hbm>>)
      tpu.yield
    }) : () -> ()
    return
  }
}

module attributes {stable_mosaic.version = 14 : i64} {
  func.func @_xs_body(%arg0: i32, %arg1: memref<1000x128xf32, #tpu.memory_space<vmem>>, %arg2: memref<1000x1xf32, #tpu.memory_space<vmem>>, %arg3: memref<1000x1xf32, #tpu.memory_space<vmem>>, %arg4: memref<1000x128xf32, #tpu.memory_space<vmem>>, %arg5: memref<1000x1xf32, #tpu.memory_space<vmem>>) attributes {dimension_semantics = [#tpu.dimension_semantics<arbitrary>], iteration_bounds = array<i64: 10>, scalar_prefetch = 0 : i64, scratch_operands = 0 : i64, tpu.core_type = #tpu.core_type<tc>, window_params = [{transform_indices = @transform_0, window_bounds = array<i64: 1000, 128>}, {transform_indices = @transform_1, window_bounds = array<i64: 1000, 1>}, {transform_indices = @transform_2, window_bounds = array<i64: 1000, 1>}, {transform_indices = @transform_3, window_bounds = array<i64: 1000, 128>}, {transform_indices = @transform_4, window_bounds = array<i64: 1000, 1>}]} {
    %get3A = arith.constant 0 : index
    %get3A_0 = arith.constant 0 : index
    %get3A_1 = vector.load %arg2[%get3A, %get3A_0] : memref<1000x1xf32, #tpu.memory_space<vmem>>, vector<1000x1xf32>
    %get3A_2 = arith.constant 0 : index
    %get3A_3 = arith.constant 0 : index
    %get3A_4 = vector.load %arg3[%get3A_2, %get3A_3] : memref<1000x1xf32, #tpu.memory_space<vmem>>, vector<1000x1xf32>
    %add3A = arith.addf %get3A_1, %get3A_4 : vector<1000x1xf32>
    %add3A_5 = arith.constant 1.000000e+00 : f32
    %add3A_6 = vector.broadcast %add3A_5 : f32 to vector<1000x1xf32>
    %add3A_7 = arith.addf %add3A, %add3A_6 : vector<1000x1xf32>
    %rsqrt3A = math.rsqrt %add3A_7 : vector<1000x1xf32>
    %get3A_8 = arith.constant 0 : index
    %get3A_9 = arith.constant 0 : index
    %get3A_10 = vector.load %arg1[%get3A_8, %get3A_9] : memref<1000x128xf32, #tpu.memory_space<vmem>>, vector<1000x128xf32>
    %mul3A = vector.broadcast %rsqrt3A : vector<1000x1xf32> to vector<1000x128xf32>
    %mul3A_11 = arith.mulf %get3A_10, %mul3A : vector<1000x128xf32>
    %swap3A = arith.constant 0 : index
    %swap3A_12 = arith.constant 0 : index
    %swap3A_13 = vector.load %arg4[%swap3A, %swap3A_12] : memref<1000x128xf32, #tpu.memory_space<vmem>>, vector<1000x128xf32>
    tpu.vector_store %arg4[%swap3A, %swap3A_12], %mul3A_11 {strides = array<i32>} : memref<1000x128xf32, #tpu.memory_space<vmem>>, vector<1000x128xf32>,
    %swap3A_14 = arith.constant 0 : index
    %swap3A_15 = arith.constant 0 : index
    %swap3A_16 = vector.load %arg5[%swap3A_14, %swap3A_15] : memref<1000x1xf32, #tpu.memory_space<vmem>>, vector<1000x1xf32>
    tpu.vector_store %arg5[%swap3A_14, %swap3A_15], %rsqrt3A {strides = array<i32>} : memref<1000x1xf32, #tpu.memory_space<vmem>>, vector<1000x1xf32>,
    return
  }
  func.func @transform_0(%arg0: i32) -> (i32, i32) {
    %c0_i32 = arith.constant 0 : i32
    %c0_i32_0 = arith.constant 0 : i32
    return %arg0, %c0_i32 : i32, i32
  }
  func.func @transform_1(%arg0: i32) -> (i32, i32) {
    %c0_i32 = arith.constant 0 : i32
    %c0_i32_0 = arith.constant 0 : i32
    return %arg0, %c0_i32 : i32, i32
  }
  func.func @transform_2(%arg0: i32) -> (i32, i32) {
    %c0_i32 = arith.constant 0 : i32
    %c0_i32_0 = arith.constant 0 : i32
    return %arg0, %c0_i32 : i32, i32
  }
  func.func @transform_3(%arg0: i32) -> (i32, i32) {
    %c0_i32 = arith.constant 0 : i32
    %c0_i32_0 = arith.constant 0 : i32
    return %arg0, %c0_i32 : i32, i32
  }
  func.func @transform_4(%arg0: i32) -> (i32, i32) {
    %c0_i32 = arith.constant 0 : i32
    %c0_i32_0 = arith.constant 0 : i32
    return %arg0, %c0_i32 : i32, i32
  }
}

module attributes {stable_mosaic.version = 14 : i64} {
  func.func @_out_body(%arg0: i32, %arg1: memref<2x1000x128xf32, #tpu.memory_space<vmem>>, %arg2: memref<1000x128xf32, #tpu.memory_space<vmem>>, %arg3: memref<1000x1xf32, #tpu.memory_space<vmem>>, %arg4: memref<128x128xf32, #tpu.memory_space<vmem>>, %arg5: memref<1x128xf32, #tpu.memory_space<vmem>>, %arg6: memref<128x128xf32, #tpu.memory_space<vmem>>, %arg7: memref<1x128xf32, #tpu.memory_space<vmem>>, %arg8: memref<1000x128xf32, #tpu.memory_space<vmem>>, %arg9: memref<1000x128xf32, #tpu.memory_space<vmem>>) attributes {dimension_semantics = [#tpu.dimension_semantics<arbitrary>], iteration_bounds = array<i64: 10>, scalar_prefetch = 0 : i64, scratch_operands = 0 : i64, tpu.core_type = #tpu.core_type<tc>, window_params = [{transform_indices = @transform_0, window_bounds = array<i64: 2, 1000, 128>}, {transform_indices = @transform_1, window_bounds = array<i64: 1000, 128>}, {transform_indices = @transform_2, window_bounds = array<i64: 1000, 1>}, {pipeline_mode = #tpu.pipeline_mode<synchronous>, transform_indices = @transform_3, window_bounds = array<i64: 128, 128>}, {pipeline_mode = #tpu.pipeline_mode<synchronous>, transform_indices = @transform_4, window_bounds = array<i64: 1, 128>}, {pipeline_mode = #tpu.pipeline_mode<synchronous>, transform_indices = @transform_5, window_bounds = array<i64: 128, 128>}, {pipeline_mode = #tpu.pipeline_mode<synchronous>, transform_indices = @transform_6, window_bounds = array<i64: 1, 128>}, {transform_indices = @transform_7, window_bounds = array<i64: 1000, 128>}, {transform_indices = @transform_8, window_bounds = array<i64: 1000, 128>}]} {
    %get3A = arith.constant 0 : index
    %get3A_0 = arith.constant 0 : index
    %get3A_1 = arith.constant 0 : index
    %get3A_2 = vector.load %arg1[%get3A, %get3A_0, %get3A_1] : memref<2x1000x128xf32, #tpu.memory_space<vmem>>, vector<1x1000x128xf32>
    %get3A_3 = vector.shape_cast %get3A_2 : vector<1x1000x128xf32> to vector<1000x128xf32>
    %get3A_4 = arith.constant 1 : index
    %get3A_5 = arith.constant 0 : index
    %get3A_6 = arith.constant 0 : index
    %get3A_7 = vector.load %arg1[%get3A_4, %get3A_5, %get3A_6] : memref<2x1000x128xf32, #tpu.memory_space<vmem>>, vector<1x1000x128xf32>
    %get3A_8 = vector.shape_cast %get3A_7 : vector<1x1000x128xf32> to vector<1000x128xf32>
    %add3A = arith.addf %get3A_3, %get3A_8 : vector<1000x128xf32>
    %get3A_9 = arith.constant 0 : index
    %get3A_10 = arith.constant 0 : index
    %get3A_11 = vector.load %arg2[%get3A_9, %get3A_10] : memref<1000x128xf32, #tpu.memory_space<vmem>>, vector<1000x128xf32>
    %add3A_12 = arith.addf %add3A, %get3A_11 : vector<1000x128xf32>
    %get3A_13 = arith.constant 0 : index
    %get3A_14 = arith.constant 0 : index
    %get3A_15 = vector.load %arg3[%get3A_13, %get3A_14] : memref<1000x1xf32, #tpu.memory_space<vmem>>, vector<1000x1xf32>
    %get3A_16 = arith.constant 0 : index
    %get3A_17 = arith.constant 0 : index
    %get3A_18 = vector.load %arg4[%get3A_16, %get3A_17] : memref<128x128xf32, #tpu.memory_space<vmem>>, vector<128x128xf32>
    %dot_general3A = arith.constant dense<0.000000e+00> : vector<1000x128xf32>
    %dot_general3A_19 = tpu.matmul %add3A_12, %get3A_18, %dot_general3A {dimension_numbers = #tpu.dot_dimension_numbers<[1], [0], [0], [1], [0, 0, 1, 1], [], []>, transpose_lhs_hint = false} : vector<1000x128xf32>, vector<128x128xf32>, vector<1000x128xf32> -> vector<1000x128xf32>
    %get3A_20 = arith.constant 0 : index
    %get3A_21 = arith.constant 0 : index
    %get3A_22 = vector.load %arg6[%get3A_20, %get3A_21] : memref<128x128xf32, #tpu.memory_space<vmem>>, vector<128x128xf32>
    %dot_general3A_23 = arith.constant dense<0.000000e+00> : vector<1000x128xf32>
    %dot_general3A_24 = tpu.matmul %add3A_12, %get3A_22, %dot_general3A_23 {dimension_numbers = #tpu.dot_dimension_numbers<[1], [0], [0], [1], [0, 0, 1, 1], [], []>, transpose_lhs_hint = false} : vector<1000x128xf32>, vector<128x128xf32>, vector<1000x128xf32> -> vector<1000x128xf32>
    %mul3A = vector.broadcast %get3A_15 : vector<1000x1xf32> to vector<1000x128xf32>
    %mul3A_25 = arith.mulf %mul3A, %dot_general3A_19 : vector<1000x128xf32>
    %get3A_26 = arith.constant 0 : index
    %get3A_27 = arith.constant 0 : index
    %get3A_28 = vector.load %arg5[%get3A_26, %get3A_27] : memref<1x128xf32, #tpu.memory_space<vmem>>, vector<1x128xf32>
    %add3A_29 = vector.broadcast %get3A_28 : vector<1x128xf32> to vector<1000x128xf32>
    %add3A_30 = arith.addf %mul3A_25, %add3A_29 : vector<1000x128xf32>
    %swap3A = arith.constant 0 : index
    %swap3A_31 = arith.constant 0 : index
    %swap3A_32 = vector.load %arg8[%swap3A, %swap3A_31] : memref<1000x128xf32, #tpu.memory_space<vmem>>, vector<1000x128xf32>
    tpu.vector_store %arg8[%swap3A, %swap3A_31], %add3A_30 {strides = array<i32>} : memref<1000x128xf32, #tpu.memory_space<vmem>>, vector<1000x128xf32>,
    %mul3A_33 = vector.broadcast %get3A_15 : vector<1000x1xf32> to vector<1000x128xf32>
    %mul3A_34 = arith.mulf %mul3A_33, %dot_general3A_24 : vector<1000x128xf32>
    %get3A_35 = arith.constant 0 : index
    %get3A_36 = arith.constant 0 : index
    %get3A_37 = vector.load %arg7[%get3A_35, %get3A_36] : memref<1x128xf32, #tpu.memory_space<vmem>>, vector<1x128xf32>
    %add3A_38 = vector.broadcast %get3A_37 : vector<1x128xf32> to vector<1000x128xf32>
    %add3A_39 = arith.addf %mul3A_34, %add3A_38 : vector<1000x128xf32>
    %swap3A_40 = arith.constant 0 : index
    %swap3A_41 = arith.constant 0 : index
    %swap3A_42 = vector.load %arg9[%swap3A_40, %swap3A_41] : memref<1000x128xf32, #tpu.memory_space<vmem>>, vector<1000x128xf32>
    tpu.vector_store %arg9[%swap3A_40, %swap3A_41], %add3A_39 {strides = array<i32>} : memref<1000x128xf32, #tpu.memory_space<vmem>>, vector<1000x128xf32>,
    return
  }
  func.func @transform_0(%arg0: i32) -> (i32, i32, i32) {
    %c0_i32 = arith.constant 0 : i32
    %c0_i32_0 = arith.constant 0 : i32
    %c0_i32_1 = arith.constant 0 : i32
    return %c0_i32, %arg0, %c0_i32_0 : i32, i32, i32
  }
  func.func @transform_1(%arg0: i32) -> (i32, i32) {
    %c0_i32 = arith.constant 0 : i32
    %c0_i32_0 = arith.constant 0 : i32
    return %arg0, %c0_i32 : i32, i32
  }
  func.func @transform_2(%arg0: i32) -> (i32, i32) {
    %c0_i32 = arith.constant 0 : i32
    %c0_i32_0 = arith.constant 0 : i32
    return %arg0, %c0_i32 : i32, i32
  }
  func.func @transform_3(%arg0: i32) -> (i32, i32) {
    %c0_i32 = arith.constant 0 : i32
    %c0_i32_0 = arith.constant 0 : i32
    %c0_i32_1 = arith.constant 0 : i32
    return %c0_i32, %c0_i32_0 : i32, i32
  }
  func.func @transform_4(%arg0: i32) -> (i32, i32) {
    %c0_i32 = arith.constant 0 : i32
    %c0_i32_0 = arith.constant 0 : i32
    %c0_i32_1 = arith.constant 0 : i32
    return %c0_i32, %c0_i32_0 : i32, i32
  }
  func.func @transform_5(%arg0: i32) -> (i32, i32) {
    %c0_i32 = arith.constant 0 : i32
    %c0_i32_0 = arith.constant 0 : i32
    %c0_i32_1 = arith.constant 0 : i32
    return %c0_i32, %c0_i32_0 : i32, i32
  }
  func.func @transform_6(%arg0: i32) -> (i32, i32) {
    %c0_i32 = arith.constant 0 : i32
    %c0_i32_0 = arith.constant 0 : i32
    %c0_i32_1 = arith.constant 0 : i32
    return %c0_i32, %c0_i32_0 : i32, i32
  }
  func.func @transform_7(%arg0: i32) -> (i32, i32) {
    %c0_i32 = arith.constant 0 : i32
    %c0_i32_0 = arith.constant 0 : i32
    return %arg0, %c0_i32 : i32, i32
  }
  func.func @transform_8(%arg0: i32) -> (i32, i32) {
    %c0_i32 = arith.constant 0 : i32
    %c0_i32_0 = arith.constant 0 : i32
    return %arg0, %c0_i32 : i32, i32
  }
}

</mosaic_0001>

<sc_bundles>
// kernel: kernel.6.cloned.1.call-start
scs
__scs_entry_jumppad:
0x0: {  	(pc) =	sbr.rel $0x88, $3  }
0x1: {  	(tag) =	ssettag $0x0;
	lr =	simm.s32 $0x1  }
0x2: {  	[smem:$0x3F9B] =	sst lr;
	_ =	strace $0xD0000000  }
0x3: {  	_ = 	snop  }
0x4: {  	_ = 	snop  }
0x5: {  	_ = 	snop  }
0x6: {  	_ = 	snop  }
0x7: {  	_ = 	snop  }
__scs_overlays_trampoline_lowered:
0x8: {  	[smem:$0x3FAA] =	sst s0  }
0x9: {  	[smem:$0x3FAB] =	sst s1  }
0xa: {  	[smem:$0x3FAC] =	sst s2  }
0xb: {  	[smem:$0x3FAD] =	sst s3  }
0xc: {  	[smem:$0x3FAE] =	sst s4  }
0xd: {  	[smem:$0x3FAF] =	sst s5  }
0xe: {  	[smem:$0x3FB0] =	sst s6  }
0xf: {  	[smem:$0x3FB1] =	sst s7  }
0x10: {  	[smem:$0x3FB2] =	sst s8  }
0x11: {  	[smem:$0x3FB3] =	sst s9;
	s0 =	simm.s32 @!p0 $0x0  }
0x12: {  	s1 =	sld [smem:$0x3F99];
	s0 =	simm.s32 @p0 $0x1  }
0x13: {  	[smem:$0x3FB4] =	sst s0;
	s0 =	simm.s32 @!p1 $0x0  }
0x14: {  	s2 =	sld [smem:$0x3F98];
	s0 =	simm.s32 @p1 $0x1  }
0x15: {  	[smem:$0x3FB5] =	sst s0;
	s0 =	simm.s32 @!p2 $0x0  }
0x16: {  	s3 =	sld [smem:$0x3FDB];
	s0 =	simm.s32 @p2 $0x1  }
0x17: {  	s4 =	simm.s32 $0x1BF5;
	[smem:$0x3FB7] =	sst s0  }
0x18: {  	s0 =	sld [smem:$0x3F9A];
	_ =	swait.ge [sflag:s4], $0x0  }
0x19: {  	s7 =	sld [smem:$0x3F9B]  }
0x1a: {  	s8 =	sadd.s32 $0xFFFFE003, lr  }
0x1b: {  	s9 =	sadd.s32 $0xFFFFFEF7, lr;
	s5 =	simm.s32 $0xFFFFFFFF;
	p2 =	slt.u32 s8, $0xFFFFF086  }
0x1c: {  	p1 =	slt.u32 s9, $0xF7A;
	s5 =	simm.s32 @!p2 $0x0  }
0x1d: {  	s5 =	simm.s32 @p1 $0x1;
	p0 =	seq.s32 s7, s2  }
0x1e: {  	s7 =	smul.u32 @!p0 $0xF7A, s2;
	p2 =	seq.s32 @!p0 s5, $0x0  }
0x1f: {  	s9 =	smul.u32 $0xF7A, s1;
	s8 =	simm.s32 @!p0 $0x1BF5;
	p2 =	por !p2, p0  }
0x20: {  	[sflag:s8] =	ssyncset.s32 @!p0 $0xFFFFF086;
	s6 =	sadd.s32 @!p0 s3, s7;
	s7 =	simm.s32 @!p0 $0x108  }
0x21: {  	s3 =	sadd.s32 s3, s9;
	s6 =	sadd.s32 @!p0 $0x88, s6;
	s7 =	simm.s32 @p2 $0x1082  }
0x22: {  	[simem:s7], [sflag:s8] =	dma.local @!p0 [hbm:s6], $0xF7A  }
0x23: {  	s9 =	sor.u32 $0xD0000000, s2;
	s6 =	simm.s32 $0x108;
	_ =	swait.ge @!p0 [sflag:s8], $0x0  }
0x24: {  	s3 =	sadd.s32 $0x88, s3;
	s6 =	simm.s32 @!p1 $0x1082;
	[sflag:s4] =	ssyncset.s32 $0xFFFFF086  }
0x25: {  	[simem:s6], [sflag:s4] =	dma.local [hbm:s3], $0xF7A  }
0x26: {  	[smem:$0x3F9B] =	sst s1;
	(tag) =	ssettag s2;
	_ =	strace s9  }
0x27: {  	s1 =	sld [smem:$0x3FAB]  }
0x28: {  	s2 =	sld [smem:$0x3FAC]  }
0x29: {  	s4 =	sld [smem:$0x3FAE]  }
0x2a: {  	p0 =	seq.s32 s5, $0x0;
	s5 =	sld [smem:$0x3FAF]  }
0x2b: {  	s6 =	sld [smem:$0x3FB0]  }
0x2c: {  	s7 =	sld [smem:$0x3FB1]  }
0x2d: {  	s3 =	simm.s32 $0x108;
	s8 =	sld [smem:$0x3FB2]  }
0x2e: {  	s3 =	simm.s32 @!p0 $0x1082;
	s9 =	sld [smem:$0x3FB3]  }
0x2f: {  	lr =	sadd.s32 s0, s3;
	s0 =	sld [smem:$0x3FAA]  }
0x30: {  	s3 =	sld [smem:$0x3FAD]  }
0x31: {  	[smem:$0x3FB6] =	sst s10  }
0x32: {  	s10 =	sld [smem:$0x3FB4];
	_ =	sdelay $0x3  }
0x33: {  	p0 =	seq.s32 s10, $0x1;
	s10 =	sld [smem:$0x3FB6];
	_ =	sdelay $0x3  }
0x34: {  	[smem:$0x3FB6] =	sst s10  }
0x35: {  	s10 =	sld [smem:$0x3FB5];
	_ =	sdelay $0x3  }
0x36: {  	p1 =	seq.s32 s10, $0x1;
	s10 =	sld [smem:$0x3FB6];
	_ =	sdelay $0x3  }
0x37: {  	[smem:$0x3FB6] =	sst s10  }
0x38: {  	s10 =	sld [smem:$0x3FB7]  }
0x39: {  	_ = 	snop;
	(pc) =	sbr.ind lr, $3  }
0x3a: {  	_ = 	snop  }
0x3b: {  	_ = 	snop  }
0x3c: {  	p2 =	seq.s32 s10, $0x1;
	s10 =	sld [smem:$0x3FB6]  }
0x3d: {  	_ =	shalt  }
0x3e: {  	_ =	shalt  }
0x3f: {  	_ =	shalt  }
0x40: {  	_ =	shalt  }
0x41: {  	_ =	shalt  }
0x42: {  	_ =	shalt  }
0x43: {  	_ =	shalt  }
0x44: {  	_ =	shalt  }
0x45: {  	_ =	shalt  }
0x46: {  	_ =	shalt  }
0x47: {  	_ =	shalt  }
0x48: {  	_ =	shalt  }
0x49: {  	_ =	shalt  }
0x4a: {  	_ =	shalt  }
0x4b: {  	_ =	shalt  }
0x4c: {  	_ =	shalt  }
0x4d: {  	_ =	shalt  }
0x4e: {  	_ =	shalt  }
0x4f: {  	_ =	shalt  }
0x50: {  	_ =	shalt  }
0x51: {  	_ =	shalt  }
0x52: {  	_ =	shalt  }
0x53: {  	_ =	shalt  }
0x54: {  	_ =	shalt  }
0x55: {  	_ =	shalt  }
0x56: {  	_ =	shalt  }
0x57: {  	_ =	shalt  }
0x58: {  	_ =	shalt  }
0x59: {  	_ =	shalt  }
0x5a: {  	_ =	shalt  }
0x5b: {  	_ =	shalt  }
0x5c: {  	_ =	shalt  }
0x5d: {  	_ =	shalt  }
0x5e: {  	_ =	shalt  }
0x5f: {  	_ =	shalt  }
0x60: {  	_ =	shalt  }
0x61: {  	_ =	shalt  }
0x62: {  	_ =	shalt  }
0x63: {  	_ =	shalt  }
0x64: {  	_ =	shalt  }
0x65: {  	_ =	shalt  }
0x66: {  	_ =	shalt  }
0x67: {  	_ =	shalt  }
0x68: {  	_ =	shalt  }
0x69: {  	_ =	shalt  }
0x6a: {  	_ =	shalt  }
0x6b: {  	_ =	shalt  }
0x6c: {  	_ =	shalt  }
0x6d: {  	_ =	shalt  }
0x6e: {  	_ =	shalt  }
0x6f: {  	_ =	shalt  }
0x70: {  	_ =	shalt  }
0x71: {  	_ =	shalt  }
0x72: {  	_ =	shalt  }
0x73: {  	_ =	shalt  }
0x74: {  	_ =	shalt  }
0x75: {  	_ =	shalt  }
0x76: {  	_ =	shalt  }
0x77: {  	_ =	shalt  }
0x78: {  	_ =	shalt  }
0x79: {  	_ =	shalt  }
0x7a: {  	_ =	shalt  }
0x7b: {  	_ =	shalt  }
0x7c: {  	_ =	shalt  }
0x7d: {  	_ =	shalt  }
0x7e: {  	_ =	shalt  }
0x7f: {  	_ =	shalt  }
0x80: {  	_ =	shalt  }
0x81: {  	_ =	shalt  }
0x82: {  	_ =	shalt  }
0x83: {  	_ =	shalt  }
0x84: {  	_ =	shalt  }
0x85: {  	_ =	shalt  }
0x86: {  	_ =	shalt  }
0x87: {  	_ =	shalt  }
.Lfunc_end0:
.L_simem_size_0:
called_computation_lowered:
.L_overlay_start_0:
0x88: {  	s2 =	sld [smem:$0x3FD9]  }
0x89: {  	s3 =	sld [smem:$0x3FFE];
	_ =	sdelay $0x1  }
0x8a: {  	s1 =	srdreg.scid  }
0x8b: {  	s0 =	sand.u32 $0x1, s1  }
0x8c: {  	s15 =	sshll.u32 s0, $0xA;
	s2 =	sadd.s32 s3, s2  }
0x8d: {  	s2 =	sadd.s32 s2, s15  }
0x8e: {  	[smem:$0x3FC2] =	sst s2  }
0x8f: {  	_ = 	snop  }
0x90: {  	s2 =	sld [smem:$0x3FD0];
	_ =	sdelay $0x2  }
0x91: {  	s16 =	simm.s32 $0xA;
	s4 =	simm.s32 $0x10  }
0x92: {  	[smem:s4], [sflag:s16] =	dma.local [hbm:s2], $0x1  }
0x93: {  	_ =	swait.eq [sflag:s16], $0x1  }
0x94: {  	[sflag:s16] =	ssyncset.done $0x0  }
0x95: {  	s17 =	sld [smem:$0x10];
	[sflag:s16] =	ssyncadd.s32 $0xFFFFFFFF  }
0x96: {  	s18 =	sld [smem:$0x11];
	(tm) =	ssettm $0x1  }
0x97: {  	s19 =	sld [smem:$0x3FFB];
	_ =	sdelay $0x3  }
0x98: {  	_ =	strace s19  }
0x99: {  	s4 =	sld [smem:$0x3FFC];
	_ =	sdelay $0x3  }
0x9a: {  	_ =	strace s4  }
0x9b: {  	s4 =	sld [smem:$0x3FFD];
	_ =	sdelay $0x3  }
0x9c: {  	_ =	strace s4  }
0x9d: {  	_ =	strace $0x8FFFFFFF  }
0x9e: {  	s20 =	sld [smem:$0x3FDB];
	_ =	sdelay $0x1  }
0x9f: {  	s5 =	simm.s32 $_scs_section_size  }
0xa0: {  	s6 =	simm.s32 $_size__tile_overlayer_lowered;
	s7 =	simm.s32 $_tile_overlayer_lowered  }
0xa1: {  	s23 =	simm.s32 $0x1BFF;
	s22 =	sshll.u32 s7, $0x1;
	s4 =	sadd.s32 s5, s20  }
0xa2: {  	s8 =	simm.s32 $0x0;
	s21 =	sshll.u32 s6, $0x1;
	s6 =	sadd.s32 s22, s4  }
0xa3: {  	[timem:s8], [sflag:s23] =	dma.local [hbm:s6], s21  }
0xa4: {  	_ =	swait.ge [sflag:s23], s21  }
0xa5: {  	s5 =	ssub.s32 $0x0, s21;
	[sflag:s23] =	ssyncset.done $0x0  }
0xa6: {  	[sflag:s23] =	ssyncadd.s32 s5;
	_ =	sdelay $0x1  }
0xa7: {  	s24 =	simm.s32 $0x1B8B  }
0xa8: {  	_ =	swait.ge [sflag:s24], $0x1  }
0xa9: {  	[sflag:s24] =	ssyncset.done $0x0  }
0xaa: {  	s25 =	simm.s32 $0x1B8E;
	[sflag:s24] =	ssyncadd.s32 $0xFFFFFFFF  }
0xab: {  	s26 =	simm.s32 $execute0_lowered;
	[smem:$0x3FD2] =	sst s25  }
0xac: {  	s5 =	sshll.u32 s26, $0x1;
	_ =	strace $0x80000046;
	[dreg:$0x1] =	wrdreg $0xFFFFFFFF  }
0xad: {  	s28 =	simm.s32 $_size_execute0_lowered;
	s4 =	sadd.s32 s4, s5;
	[dreg:$0x0] =	wrdreg $0x0  }
0xae: {  	s5 =	sshll.u32 s28, $0x1;
	[dreg:$0x2] =	wrdreg s4  }
0xaf: {  	[dreg:$0x3] =	wrdreg s5  }
0xb0: {  	[dreg:$0x4] =	wrdreg $0xC0  }
0xb1: {  	_ =	task [dreg:s8], $0x5FFFF  }
0xb2: {  	[dreg:$0x1] =	wrdreg $0xFFFFFFFF  }
0xb3: {  	[dreg:$0x0] =	wrdreg $0x60  }
0xb4: {  	[dreg:$0x2] =	wrdreg s17  }
0xb5: {  	[dreg:$0x3] =	wrdreg s18  }
0xb6: {  	[dreg:$0x4] =	wrdreg $0x0  }
0xb7: {  	[dreg:$0x5] =	wrdreg $0x9  }
0xb8: {  	_ =	task.clear_ibuf [dreg:s8], $0x6FFFF;
	_ =	strace $0x90000046  }
0xb9: {  	s29 =	simm.s32 $0x9;
	_ =	strace $0x80000048  }
0xba: {  	_ =	swait.ge [sflag:s29], $0x1  }
0xbb: {  	[sflag:s29] =	ssyncadd.s32 $0xFFFFFFFF  }
0xbc: {  	_ =	strace $0x90000048  }
0xbd: {  	_ =	sfence  }
0xbe: {  	s30 =	sld [smem:$0x0];
	_ =	sdelay $0x2  }
0xbf: {  	s31 =	sshll.u32 s1, $0xD;
	s1 =	sshrl.u32 s1, $0x2  }
0xc0: {  	s3 =	sand.u32 $0x4000, s31;
	s1 =	sadd.s32 s1, s30  }
0xc1: {  	s0 =	sor.u32 s3, s0;
	s1 =	sshll.u32 s1, $0x11  }
0xc2: {  	s0 =	sor.u32 s1, s0  }
0xc3: {  	s0 =	sadd.s32 $0x8F2B, s0  }
0xc4: {  	[sflag:s0] =	ssyncadd.remote.s32 $0x1  }
0xc5: {  	_ =	sfence.sel $0xFFFF  }
0xc6: {  	[dreg:$0x0] =	wrdreg $0xFFFFFFFF;
	(pc) =	sbr.abs _section_cstart, $3  }
0xc7: {  	[dreg:$0x1] =	wrdreg $0xFFFFFFFF  }
0xc8: {  	_ =	task.clear_ibuf [dreg:s8], $0x2FFFF;
	_ =	strace $0x9FFFFFFF  }
0xc9: {  	(tm) =	ssettm $0x7FFFFFFF  }
tec
execute0_lowered:
.L_overlay_start_1:
0x0: {  	(tag) =	ssettag $0x1  }
0x1: {  	s0 =	rddreg [dreg:$0x0]  }
0x2: {  	s3 =	rddreg [dreg:$0x1];
	s2 =	srdreg.scid  }
0x3: {  	s1 =	rddreg [dreg:$0x2];
	s22 =	simm.s32 $0x0;
	s10 =	simm.s32 $0x2  }
0x4: {  	s11 =	simm.s32 $0x1;
	s12 =	simm.s32 $0x50;
	s13 =	simm.s32 $0x4280  }
0x5: {  	s28 =	simm.s32 $0x980;
	s29 =	simm.s32 $0xA00;
	s30 =	simm.s32 $0xA80  }
0x6: {  	s31 =	simm.s32 $0xB00;
	s14 =	simm.s32 $0xD00;
	s15 =	simm.s32 $0xD80  }
0x7: {  	s16 =	simm.s32 $0xE00;
	s17 =	simm.s32 $0xE80;
	s18 =	simm.s32 $0x20  }
0x8: {  	s19 =	simm.s32 $0x10;
	s20 =	simm.s32 $0x0;
	s4 =	sand.u32 $0x1, s2  }
0x9: {  	[smem:$0x7FF] =	sst s22;
	s2 =	stileid.u32;
	s5 =	ssub.s32 $0x2, s4  }
0xa: {  	_ =	strace $0x80000047;
	s23 =	smul.u32 $0x500, s2;
	s24 =	sshll.u32 s4, $0xB  }
0xb: {  	s8 =	smul.u32 $0xA00, s2;
	s4 =	sshll.u32 s4, $0x7;
	s6 =	sshrl.u32 s5, $0x1  }
0xc: {  	s9 =	sshll.u32 s2, $0xC;
	s0 =	sadd.s32 s0, s24;
	s7 =	ssub.s32 s5, s6  }
0xd: {  	s5 =	sor.u32 s4, s23;
	s4 =	sadd.s32 s9, s0;
	s25 =	sshrl.u32 s8, $0x2  }
0xe: {  	s8 =	simm.s32 $0x280;
	s0 =	simm.s32 $0xB80;
	s9 =	simm.s32 $0xC00  }
0xf: {  	s26 =	sshrl.u32 s5, $0x3;
	s5 =	sadd.s32 s25, s1;
	s7 =	smax.u32 s7, $0x1  }
0x10: {  	v0 =	vimm.f32 $1.000000000e+00;
	v1 =	vimm.f32 $0.0e+00;
	s6 =	sadd.s32 s3, s26;
	s26 =	simm.s32 $0x900;
	s3 =	simm.s32 $0xC80  }
.LBB2_1:
0x11: {  	s21 =	simm.s32 $0x0  }
0x12: {  	[tilespmem:s8], [sflag:$0x1] =	stream.linear.gather [hbm4b:s4+s21], $0x3E80, $0x38;
	[tilespmem:$0x4580] =	vst v63  }
0x13: {  	[tilespmem:$0x4280] =	vst v0  }
0x14: {  	[tilespmem:$0x4290] =	vst v0  }
0x15: {  	[tilespmem:$0x42A0] =	vst v0  }
0x16: {  	[tilespmem:$0x42B0] =	vst v0  }
0x17: {  	[tilespmem:$0x42C0] =	vst v0  }
0x18: {  	[tilespmem:$0x4300] =	vst v1  }
0x19: {  	[tilespmem:$0x4310] =	vst v1  }
0x1a: {  	[tilespmem:$0x4320] =	vst v1  }
0x1b: {  	[tilespmem:$0x4330] =	vst v1  }
0x1c: {  	[tilespmem:$0x4340] =	vst v1  }
0x1d: {  	[tilespmem:$0x4350] =	vst v1  }
0x1e: {  	[tilespmem:$0x4360] =	vst v1  }
0x1f: {  	[tilespmem:$0x4370] =	vst v1  }
0x20: {  	[tilespmem:$0x4380] =	vst v1  }
0x21: {  	[tilespmem:$0x4390] =	vst v1  }
0x22: {  	[tilespmem:$0x43A0] =	vst v1  }
0x23: {  	[tilespmem:$0x43B0] =	vst v1  }
0x24: {  	[tilespmem:$0x43C0] =	vst v1  }
0x25: {  	[tilespmem:$0x43D0] =	vst v1  }
0x26: {  	[tilespmem:$0x43E0] =	vst v1  }
0x27: {  	[tilespmem:$0x43F0] =	vst v1  }
0x28: {  	[tilespmem:$0x4400] =	vst v1  }
0x29: {  	[tilespmem:$0x4410] =	vst v1  }
0x2a: {  	[tilespmem:$0x4420] =	vst v1  }
0x2b: {  	[tilespmem:$0x4430] =	vst v1  }
0x2c: {  	[tilespmem:$0x4440] =	vst v1  }
0x2d: {  	[tilespmem:$0x4450] =	vst v1  }
0x2e: {  	[tilespmem:$0x4460] =	vst v1  }
0x2f: {  	[tilespmem:$0x4470] =	vst v1  }
0x30: {  	[tilespmem:$0x4480] =	vst v1  }
0x31: {  	[tilespmem:$0x4490] =	vst v1  }
0x32: {  	[tilespmem:$0x44A0] =	vst v1  }
0x33: {  	[tilespmem:$0x44B0] =	vst v1  }
0x34: {  	[tilespmem:$0x44C0] =	vst v1  }
0x35: {  	[tilespmem:$0x44D0] =	vst v1  }
0x36: {  	[tilespmem:$0x44E0] =	vst v1  }
0x37: {  	[tilespmem:$0x44F0] =	vst v1  }
0x38: {  	[tilespmem:$0x4500] =	vst v1  }
0x39: {  	[tilespmem:$0x4510] =	vst v1  }
0x3a: {  	[tilespmem:$0x4520] =	vst v1  }
0x3b: {  	[tilespmem:$0x4530] =	vst v1  }
0x3c: {  	[tilespmem:$0x4540] =	vst v1  }
0x3d: {  	[tilespmem:$0x4550] =	vst v1  }
0x3e: {  	[tilespmem:$0x4560] =	vst v1  }
0x3f: {  	s24 =	simm.s32 $0x4300;
	[tilespmem:$0x4570] =	vst v1  }
0x40: {  	[spmem:s5] =	stream.linear.scatter [tilespmem:s24], [sflag:$0x2], $0x280, $0x38;
	[tilespmem:$0x4580] =	vst v63  }
0x41: {  	_ =	swait.ge [sflag:s10], $0x280  }
0x42: {  	[sflag:s10] =	ssyncset.done $0x0  }
0x43: {  	[sflag:s10] =	ssyncadd.s32 $0xFFFFFD80  }
0x44: {  	_ =	swait.ge [sflag:s11], $0x3E80  }
0x45: {  	[sflag:s11] =	ssyncset.done $0x0  }
0x46: {  	[sflag:s11] =	ssyncadd.s32 $0xFFFFC180  }
0x47: {  	[bflag:$0x0] =	sbarrier.arrive $0xFFFF  }
0x48: {  	[spmem:s1] =	stream.indirect.scatter.add.f32 [tilespmem:s13], [sflag:$0x1], $0x1, s8, s12, $0xb8;
	[tilespmem:$0x4580] =	vst v63  }
0x49: {  	s25 =	simm.s32 $0x300  }
0x4a: {  	[spmem:s1] =	stream.indirect.scatter.add.f32 [tilespmem:s13], [sflag:$0x1], $0x1, s25, s12, $0xb8;
	[tilespmem:$0x4580] =	vst v63  }
0x4b: {  	s22 =	simm.s32 $0x380  }
0x4c: {  	[spmem:s1] =	stream.indirect.scatter.add.f32 [tilespmem:s13], [sflag:$0x1], $0x1, s22, s12, $0xb8;
	[tilespmem:$0x4580] =	vst v63  }
0x4d: {  	s23 =	simm.s32 $0x400  }
0x4e: {  	[spmem:s1] =	stream.indirect.scatter.add.f32 [tilespmem:s13], [sflag:$0x1], $0x1, s23, s12, $0xb8;
	[tilespmem:$0x4580] =	vst v63  }
0x4f: {  	s24 =	simm.s32 $0x480  }
0x50: {  	[spmem:s1] =	stream.indirect.scatter.add.f32 [tilespmem:s13], [sflag:$0x1], $0x1, s24, s12, $0xb8;
	[tilespmem:$0x4580] =	vst v63  }
0x51: {  	s25 =	simm.s32 $0x500  }
0x52: {  	[spmem:s1] =	stream.indirect.scatter.add.f32 [tilespmem:s13], [sflag:$0x1], $0x1, s25, s12, $0xb8;
	[tilespmem:$0x4580] =	vst v63  }
0x53: {  	s22 =	simm.s32 $0x580  }
0x54: {  	[spmem:s1] =	stream.indirect.scatter.add.f32 [tilespmem:s13], [sflag:$0x1], $0x1, s22, s12, $0xb8;
	[tilespmem:$0x4580] =	vst v63  }
0x55: {  	s23 =	simm.s32 $0x600  }
0x56: {  	[spmem:s1] =	stream.indirect.scatter.add.f32 [tilespmem:s13], [sflag:$0x1], $0x1, s23, s12, $0xb8;
	[tilespmem:$0x4580] =	vst v63  }
0x57: {  	s24 =	simm.s32 $0x680  }
0x58: {  	[spmem:s1] =	stream.indirect.scatter.add.f32 [tilespmem:s13], [sflag:$0x1], $0x1, s24, s12, $0xb8;
	[tilespmem:$0x4580] =	vst v63  }
0x59: {  	s25 =	simm.s32 $0x700  }
0x5a: {  	[spmem:s1] =	stream.indirect.scatter.add.f32 [tilespmem:s13], [sflag:$0x1], $0x1, s25, s12, $0xb8;
	[tilespmem:$0x4580] =	vst v63  }
0x5b: {  	s22 =	simm.s32 $0x780  }
0x5c: {  	[spmem:s1] =	stream.indirect.scatter.add.f32 [tilespmem:s13], [sflag:$0x1], $0x1, s22, s12, $0xb8;
	[tilespmem:$0x4580] =	vst v63  }
0x5d: {  	s23 =	simm.s32 $0x800  }
0x5e: {  	[spmem:s1] =	stream.indirect.scatter.add.f32 [tilespmem:s13], [sflag:$0x1], $0x1, s23, s12, $0xb8;
	[tilespmem:$0x4580] =	vst v63  }
0x5f: {  	s24 =	simm.s32 $0x880  }
0x60: {  	[spmem:s1] =	stream.indirect.scatter.add.f32 [tilespmem:s13], [sflag:$0x1], $0x1, s24, s12, $0xb8;
	[tilespmem:$0x4580] =	vst v63  }
0x61: {  	_ = 	snop  }
0x62: {  	[spmem:s1] =	stream.indirect.scatter.add.f32 [tilespmem:s13], [sflag:$0x1], $0x1, s26, s12, $0xb8;
	[tilespmem:$0x4580] =	vst v63  }
0x63: {  	_ = 	snop  }
0x64: {  	[spmem:s1] =	stream.indirect.scatter.add.f32 [tilespmem:s13], [sflag:$0x1], $0x1, s28, s12, $0xb8;
	[tilespmem:$0x4580] =	vst v63  }
0x65: {  	_ = 	snop  }
0x66: {  	[spmem:s1] =	stream.indirect.scatter.add.f32 [tilespmem:s13], [sflag:$0x1], $0x1, s29, s12, $0xb8;
	[tilespmem:$0x4580] =	vst v63  }
0x67: {  	_ = 	snop  }
0x68: {  	[spmem:s1] =	stream.indirect.scatter.add.f32 [tilespmem:s13], [sflag:$0x1], $0x1, s30, s12, $0xb8;
	[tilespmem:$0x4580] =	vst v63  }
0x69: {  	_ = 	snop  }
0x6a: {  	[spmem:s1] =	stream.indirect.scatter.add.f32 [tilespmem:s13], [sflag:$0x1], $0x1, s31, s12, $0xb8;
	[tilespmem:$0x4580] =	vst v63  }
0x6b: {  	_ = 	snop  }
0x6c: {  	[spmem:s1] =	stream.indirect.scatter.add.f32 [tilespmem:s13], [sflag:$0x1], $0x1, s0, s12, $0xb8;
	[tilespmem:$0x4580] =	vst v63  }
0x6d: {  	_ = 	snop  }
0x6e: {  	[spmem:s1] =	stream.indirect.scatter.add.f32 [tilespmem:s13], [sflag:$0x1], $0x1, s9, s12, $0xb8;
	[tilespmem:$0x4580] =	vst v63  }
0x6f: {  	_ = 	snop  }
0x70: {  	[spmem:s1] =	stream.indirect.scatter.add.f32 [tilespmem:s13], [sflag:$0x1], $0x1, s3, s12, $0xb8;
	[tilespmem:$0x4580] =	vst v63  }
0x71: {  	_ = 	snop  }
0x72: {  	[spmem:s1] =	stream.indirect.scatter.add.f32 [tilespmem:s13], [sflag:$0x1], $0x1, s14, s12, $0xb8;
	[tilespmem:$0x4580] =	vst v63  }
0x73: {  	_ = 	snop  }
0x74: {  	[spmem:s1] =	stream.indirect.scatter.add.f32 [tilespmem:s13], [sflag:$0x1], $0x1, s15, s12, $0xb8;
	[tilespmem:$0x4580] =	vst v63  }
0x75: {  	_ = 	snop  }
0x76: {  	[spmem:s1] =	stream.indirect.scatter.add.f32 [tilespmem:s13], [sflag:$0x1], $0x1, s16, s12, $0xb8;
	[tilespmem:$0x4580] =	vst v63  }
0x77: {  	_ = 	snop  }
0x78: {  	[spmem:s1] =	stream.indirect.scatter.add.f32 [tilespmem:s13], [sflag:$0x1], $0x1, s17, s12, $0xb8;
	[tilespmem:$0x4580] =	vst v63  }
0x79: {  	s25 =	simm.s32 $0xF00  }
0x7a: {  	[spmem:s1] =	stream.indirect.scatter.add.f32 [tilespmem:s13], [sflag:$0x1], $0x1, s25, s12, $0xb8;
	[tilespmem:$0x4580] =	vst v63  }
0x7b: {  	s22 =	simm.s32 $0xF80  }
0x7c: {  	[spmem:s1] =	stream.indirect.scatter.add.f32 [tilespmem:s13], [sflag:$0x1], $0x1, s22, s12, $0xb8;
	[tilespmem:$0x4580] =	vst v63  }
0x7d: {  	s23 =	simm.s32 $0x1000  }
0x7e: {  	[spmem:s1] =	stream.indirect.scatter.add.f32 [tilespmem:s13], [sflag:$0x1], $0x1, s23, s12, $0xb8;
	[tilespmem:$0x4580] =	vst v63  }
0x7f: {  	s24 =	simm.s32 $0x1080  }
0x80: {  	[spmem:s1] =	stream.indirect.scatter.add.f32 [tilespmem:s13], [sflag:$0x1], $0x1, s24, s12, $0xb8;
	[tilespmem:$0x4580] =	vst v63  }
0x81: {  	s25 =	simm.s32 $0x1100  }
0x82: {  	[spmem:s1] =	stream.indirect.scatter.add.f32 [tilespmem:s13], [sflag:$0x1], $0x1, s25, s12, $0xb8;
	[tilespmem:$0x4580] =	vst v63  }
0x83: {  	s22 =	simm.s32 $0x1180  }
0x84: {  	[spmem:s1] =	stream.indirect.scatter.add.f32 [tilespmem:s13], [sflag:$0x1], $0x1, s22, s12, $0xb8;
	[tilespmem:$0x4580] =	vst v63  }
0x85: {  	s23 =	simm.s32 $0x1200  }
0x86: {  	[spmem:s1] =	stream.indirect.scatter.add.f32 [tilespmem:s13], [sflag:$0x1], $0x1, s23, s12, $0xb8;
	[tilespmem:$0x4580] =	vst v63  }
0x87: {  	s24 =	simm.s32 $0x1280  }
0x88: {  	[spmem:s1] =	stream.indirect.scatter.add.f32 [tilespmem:s13], [sflag:$0x1], $0x1, s24, s12, $0xb8;
	[tilespmem:$0x4580] =	vst v63  }
0x89: {  	s25 =	simm.s32 $0x1300  }
0x8a: {  	[spmem:s1] =	stream.indirect.scatter.add.f32 [tilespmem:s13], [sflag:$0x1], $0x1, s25, s12, $0xb8;
	[tilespmem:$0x4580] =	vst v63  }
0x8b: {  	s22 =	simm.s32 $0x1380  }
0x8c: {  	[spmem:s1] =	stream.indirect.scatter.add.f32 [tilespmem:s13], [sflag:$0x1], $0x1, s22, s12, $0xb8;
	[tilespmem:$0x4580] =	vst v63  }
0x8d: {  	s23 =	simm.s32 $0x1400  }
0x8e: {  	[spmem:s1] =	stream.indirect.scatter.add.f32 [tilespmem:s13], [sflag:$0x1], $0x1, s23, s12, $0xb8;
	[tilespmem:$0x4580] =	vst v63  }
0x8f: {  	s24 =	simm.s32 $0x1480  }
0x90: {  	[spmem:s1] =	stream.indirect.scatter.add.f32 [tilespmem:s13], [sflag:$0x1], $0x1, s24, s12, $0xb8;
	[tilespmem:$0x4580] =	vst v63  }
0x91: {  	s25 =	simm.s32 $0x1500  }
0x92: {  	[spmem:s1] =	stream.indirect.scatter.add.f32 [tilespmem:s13], [sflag:$0x1], $0x1, s25, s12, $0xb8;
	[tilespmem:$0x4580] =	vst v63  }
0x93: {  	s22 =	simm.s32 $0x1580  }
0x94: {  	[spmem:s1] =	stream.indirect.scatter.add.f32 [tilespmem:s13], [sflag:$0x1], $0x1, s22, s12, $0xb8;
	[tilespmem:$0x4580] =	vst v63  }
0x95: {  	s23 =	simm.s32 $0x1600  }
0x96: {  	[spmem:s1] =	stream.indirect.scatter.add.f32 [tilespmem:s13], [sflag:$0x1], $0x1, s23, s12, $0xb8;
	[tilespmem:$0x4580] =	vst v63  }
0x97: {  	s24 =	simm.s32 $0x1680  }
0x98: {  	[spmem:s1] =	stream.indirect.scatter.add.f32 [tilespmem:s13], [sflag:$0x1], $0x1, s24, s12, $0xb8;
	[tilespmem:$0x4580] =	vst v63  }
0x99: {  	s25 =	simm.s32 $0x1700  }
0x9a: {  	[spmem:s1] =	stream.indirect.scatter.add.f32 [tilespmem:s13], [sflag:$0x1], $0x1, s25, s12, $0xb8;
	[tilespmem:$0x4580] =	vst v63  }
0x9b: {  	s22 =	simm.s32 $0x1780  }
0x9c: {  	[spmem:s1] =	stream.indirect.scatter.add.f32 [tilespmem:s13], [sflag:$0x1], $0x1, s22, s12, $0xb8;
	[tilespmem:$0x4580] =	vst v63  }
0x9d: {  	s23 =	simm.s32 $0x1800  }
0x9e: {  	[spmem:s1] =	stream.indirect.scatter.add.f32 [tilespmem:s13], [sflag:$0x1], $0x1, s23, s12, $0xb8;
	[tilespmem:$0x4580] =	vst v63  }
0x9f: {  	s24 =	simm.s32 $0x1880  }
0xa0: {  	[spmem:s1] =	stream.indirect.scatter.add.f32 [tilespmem:s13], [sflag:$0x1], $0x1, s24, s12, $0xb8;
	[tilespmem:$0x4580] =	vst v63  }
0xa1: {  	s25 =	simm.s32 $0x1900  }
0xa2: {  	[spmem:s1] =	stream.indirect.scatter.add.f32 [tilespmem:s13], [sflag:$0x1], $0x1, s25, s12, $0xb8;
	[tilespmem:$0x4580] =	vst v63  }
0xa3: {  	s22 =	simm.s32 $0x1980  }
0xa4: {  	[spmem:s1] =	stream.indirect.scatter.add.f32 [tilespmem:s13], [sflag:$0x1], $0x1, s22, s12, $0xb8;
	[tilespmem:$0x4580] =	vst v63  }
0xa5: {  	s23 =	simm.s32 $0x1A00  }
0xa6: {  	[spmem:s1] =	stream.indirect.scatter.add.f32 [tilespmem:s13], [sflag:$0x1], $0x1, s23, s12, $0xb8;
	[tilespmem:$0x4580] =	vst v63  }
0xa7: {  	s24 =	simm.s32 $0x1A80  }
0xa8: {  	[spmem:s1] =	stream.indirect.scatter.add.f32 [tilespmem:s13], [sflag:$0x1], $0x1, s24, s12, $0xb8;
	[tilespmem:$0x4580] =	vst v63  }
0xa9: {  	s25 =	simm.s32 $0x1B00  }
0xaa: {  	[spmem:s1] =	stream.indirect.scatter.add.f32 [tilespmem:s13], [sflag:$0x1], $0x1, s25, s12, $0xb8;
	[tilespmem:$0x4580] =	vst v63  }
0xab: {  	_ =	swait.ge [sflag:s11], $0x50  }
0xac: {  	[sflag:s11] =	ssyncset.done $0x0  }
0xad: {  	[sflag:s11] =	ssyncadd.s32 $0xFFFFFFB0  }
0xae: {  	_ =	swait.ge [sflag:s11], $0x50  }
0xaf: {  	[sflag:s11] =	ssyncset.done $0x0  }
0xb0: {  	[sflag:s11] =	ssyncadd.s32 $0xFFFFFFB0  }
0xb1: {  	_ =	swait.ge [sflag:s11], $0x50  }
0xb2: {  	[sflag:s11] =	ssyncset.done $0x0  }
0xb3: {  	[sflag:s11] =	ssyncadd.s32 $0xFFFFFFB0  }
0xb4: {  	_ =	swait.ge [sflag:s11], $0x50  }
0xb5: {  	[sflag:s11] =	ssyncset.done $0x0  }
0xb6: {  	[sflag:s11] =	ssyncadd.s32 $0xFFFFFFB0  }
0xb7: {  	_ =	swait.ge [sflag:s11], $0x50  }
0xb8: {  	[sflag:s11] =	ssyncset.done $0x0  }
0xb9: {  	[sflag:s11] =	ssyncadd.s32 $0xFFFFFFB0  }
0xba: {  	_ =	swait.ge [sflag:s11], $0x50  }
0xbb: {  	[sflag:s11] =	ssyncset.done $0x0  }
0xbc: {  	[sflag:s11] =	ssyncadd.s32 $0xFFFFFFB0  }
0xbd: {  	_ =	swait.ge [sflag:s11], $0x50  }
0xbe: {  	[sflag:s11] =	ssyncset.done $0x0  }
0xbf: {  	[sflag:s11] =	ssyncadd.s32 $0xFFFFFFB0  }
0xc0: {  	_ =	swait.ge [sflag:s11], $0x50  }
0xc1: {  	[sflag:s11] =	ssyncset.done $0x0  }
0xc2: {  	[sflag:s11] =	ssyncadd.s32 $0xFFFFFFB0  }
0xc3: {  	_ =	swait.ge [sflag:s11], $0x50  }
0xc4: {  	[sflag:s11] =	ssyncset.done $0x0  }
0xc5: {  	[sflag:s11] =	ssyncadd.s32 $0xFFFFFFB0  }
0xc6: {  	_ =	swait.ge [sflag:s11], $0x50  }
0xc7: {  	[sflag:s11] =	ssyncset.done $0x0  }
0xc8: {  	[sflag:s11] =	ssyncadd.s32 $0xFFFFFFB0  }
0xc9: {  	_ =	swait.ge [sflag:s11], $0x50  }
0xca: {  	[sflag:s11] =	ssyncset.done $0x0  }
0xcb: {  	[sflag:s11] =	ssyncadd.s32 $0xFFFFFFB0  }
0xcc: {  	_ =	swait.ge [sflag:s11], $0x50  }
0xcd: {  	[sflag:s11] =	ssyncset.done $0x0  }
0xce: {  	[sflag:s11] =	ssyncadd.s32 $0xFFFFFFB0  }
0xcf: {  	_ =	swait.ge [sflag:s11], $0x50  }
0xd0: {  	[sflag:s11] =	ssyncset.done $0x0  }
0xd1: {  	[sflag:s11] =	ssyncadd.s32 $0xFFFFFFB0  }
0xd2: {  	_ =	swait.ge [sflag:s11], $0x50  }
0xd3: {  	[sflag:s11] =	ssyncset.done $0x0  }
0xd4: {  	[sflag:s11] =	ssyncadd.s32 $0xFFFFFFB0  }
0xd5: {  	_ =	swait.ge [sflag:s11], $0x50  }
0xd6: {  	[sflag:s11] =	ssyncset.done $0x0  }
0xd7: {  	[sflag:s11] =	ssyncadd.s32 $0xFFFFFFB0  }
0xd8: {  	_ =	swait.ge [sflag:s11], $0x50  }
0xd9: {  	[sflag:s11] =	ssyncset.done $0x0  }
0xda: {  	[sflag:s11] =	ssyncadd.s32 $0xFFFFFFB0  }
0xdb: {  	_ =	swait.ge [sflag:s11], $0x50  }
0xdc: {  	[sflag:s11] =	ssyncset.done $0x0  }
0xdd: {  	[sflag:s11] =	ssyncadd.s32 $0xFFFFFFB0  }
0xde: {  	_ =	swait.ge [sflag:s11], $0x50  }
0xdf: {  	[sflag:s11] =	ssyncset.done $0x0  }
0xe0: {  	[sflag:s11] =	ssyncadd.s32 $0xFFFFFFB0  }
0xe1: {  	_ =	swait.ge [sflag:s11], $0x50  }
0xe2: {  	[sflag:s11] =	ssyncset.done $0x0  }
0xe3: {  	[sflag:s11] =	ssyncadd.s32 $0xFFFFFFB0  }
0xe4: {  	_ =	swait.ge [sflag:s11], $0x50  }
0xe5: {  	[sflag:s11] =	ssyncset.done $0x0  }
0xe6: {  	[sflag:s11] =	ssyncadd.s32 $0xFFFFFFB0  }
0xe7: {  	_ =	swait.ge [sflag:s11], $0x50  }
0xe8: {  	[sflag:s11] =	ssyncset.done $0x0  }
0xe9: {  	[sflag:s11] =	ssyncadd.s32 $0xFFFFFFB0  }
0xea: {  	_ =	swait.ge [sflag:s11], $0x50  }
0xeb: {  	[sflag:s11] =	ssyncset.done $0x0  }
0xec: {  	[sflag:s11] =	ssyncadd.s32 $0xFFFFFFB0  }
0xed: {  	_ =	swait.ge [sflag:s11], $0x50  }
0xee: {  	[sflag:s11] =	ssyncset.done $0x0  }
0xef: {  	[sflag:s11] =	ssyncadd.s32 $0xFFFFFFB0  }
0xf0: {  	_ =	swait.ge [sflag:s11], $0x50  }
0xf1: {  	[sflag:s11] =	ssyncset.done $0x0  }
0xf2: {  	[sflag:s11] =	ssyncadd.s32 $0xFFFFFFB0  }
0xf3: {  	_ =	swait.ge [sflag:s11], $0x50  }
0xf4: {  	s21 =	simm.s32 $0x6400;
	s23 =	simm.s32 $0xC80;
	[sflag:s11] =	ssyncset.done $0x0  }
.LBB2_2:
0xf5: {  	s25 =	sadd.s32 $0xF00, s23  }
0xf6: {  	[sflag:s11] =	ssyncadd.s32 $0xFFFFFFB0;
	s22 =	smov.u32 s21;
	s24 =	sadd.s32 $0x3200, s21  }
0xf7: {  	[spmem:s1] =	stream.indirect.scatter.add.f32 [tilespmem:s13], [sflag:$0x1], $0x1, s25, s12, $0xb8;
	[tilespmem:$0x4580] =	vst v63  }
0xf8: {  	p0 =	sne.s32 s21, $0x9600;
	s21 =	sadd.s32 $0xF80, s23  }
0xf9: {  	[spmem:s1] =	stream.indirect.scatter.add.f32 [tilespmem:s13], [sflag:$0x1], $0x1, s21, s12, $0xb8;
	[tilespmem:$0x4580] =	vst v63  }
0xfa: {  	s21 =	sadd.s32 $0x1000, s23  }
0xfb: {  	[spmem:s1] =	stream.indirect.scatter.add.f32 [tilespmem:s13], [sflag:$0x1], $0x1, s21, s12, $0xb8;
	[tilespmem:$0x4580] =	vst v63  }
0xfc: {  	s21 =	sadd.s32 $0x1080, s23  }
0xfd: {  	[spmem:s1] =	stream.indirect.scatter.add.f32 [tilespmem:s13], [sflag:$0x1], $0x1, s21, s12, $0xb8;
	[tilespmem:$0x4580] =	vst v63  }
0xfe: {  	s21 =	sadd.s32 $0x1100, s23  }
0xff: {  	[spmem:s1] =	stream.indirect.scatter.add.f32 [tilespmem:s13], [sflag:$0x1], $0x1, s21, s12, $0xb8;
	[tilespmem:$0x4580] =	vst v63  }
0x100: {  	s21 =	sadd.s32 $0x1180, s23  }
0x101: {  	[spmem:s1] =	stream.indirect.scatter.add.f32 [tilespmem:s13], [sflag:$0x1], $0x1, s21, s12, $0xb8;
	[tilespmem:$0x4580] =	vst v63  }
0x102: {  	s21 =	sadd.s32 $0x1200, s23  }
0x103: {  	[spmem:s1] =	stream.indirect.scatter.add.f32 [tilespmem:s13], [sflag:$0x1], $0x1, s21, s12, $0xb8;
	[tilespmem:$0x4580] =	vst v63  }
0x104: {  	s21 =	sadd.s32 $0x1280, s23  }
0x105: {  	[spmem:s1] =	stream.indirect.scatter.add.f32 [tilespmem:s13], [sflag:$0x1], $0x1, s21, s12, $0xb8;
	[tilespmem:$0x4580] =	vst v63  }
0x106: {  	s21 =	sadd.s32 $0x1300, s23  }
0x107: {  	[spmem:s1] =	stream.indirect.scatter.add.f32 [tilespmem:s13], [sflag:$0x1], $0x1, s21, s12, $0xb8;
	[tilespmem:$0x4580] =	vst v63  }
0x108: {  	s21 =	sadd.s32 $0x1380, s23  }
0x109: {  	[spmem:s1] =	stream.indirect.scatter.add.f32 [tilespmem:s13], [sflag:$0x1], $0x1, s21, s12, $0xb8;
	[tilespmem:$0x4580] =	vst v63  }
0x10a: {  	s21 =	sadd.s32 $0x1400, s23  }
0x10b: {  	[spmem:s1] =	stream.indirect.scatter.add.f32 [tilespmem:s13], [sflag:$0x1], $0x1, s21, s12, $0xb8;
	[tilespmem:$0x4580] =	vst v63  }
0x10c: {  	s21 =	sadd.s32 $0x1480, s23  }
0x10d: {  	[spmem:s1] =	stream.indirect.scatter.add.f32 [tilespmem:s13], [sflag:$0x1], $0x1, s21, s12, $0xb8;
	[tilespmem:$0x4580] =	vst v63  }
0x10e: {  	s21 =	sadd.s32 $0x1500, s23  }
0x10f: {  	[spmem:s1] =	stream.indirect.scatter.add.f32 [tilespmem:s13], [sflag:$0x1], $0x1, s21, s12, $0xb8;
	[tilespmem:$0x4580] =	vst v63  }
0x110: {  	s21 =	sadd.s32 $0x1580, s23  }
0x111: {  	[spmem:s1] =	stream.indirect.scatter.add.f32 [tilespmem:s13], [sflag:$0x1], $0x1, s21, s12, $0xb8;
	[tilespmem:$0x4580] =	vst v63  }
0x112: {  	s21 =	sadd.s32 $0x1600, s23  }
0x113: {  	[spmem:s1] =	stream.indirect.scatter.add.f32 [tilespmem:s13], [sflag:$0x1], $0x1, s21, s12, $0xb8;
	[tilespmem:$0x4580] =	vst v63  }
0x114: {  	s21 =	sadd.s32 $0x1680, s23  }
0x115: {  	[spmem:s1] =	stream.indirect.scatter.add.f32 [tilespmem:s13], [sflag:$0x1], $0x1, s21, s12, $0xb8;
	[tilespmem:$0x4580] =	vst v63  }
0x116: {  	s21 =	sadd.s32 $0x1700, s23  }
0x117: {  	[spmem:s1] =	stream.indirect.scatter.add.f32 [tilespmem:s13], [sflag:$0x1], $0x1, s21, s12, $0xb8;
	[tilespmem:$0x4580] =	vst v63  }
0x118: {  	s21 =	sadd.s32 $0x1780, s23  }
0x119: {  	[spmem:s1] =	stream.indirect.scatter.add.f32 [tilespmem:s13], [sflag:$0x1], $0x1, s21, s12, $0xb8;
	[tilespmem:$0x4580] =	vst v63  }
0x11a: {  	s21 =	sadd.s32 $0x1800, s23  }
0x11b: {  	[spmem:s1] =	stream.indirect.scatter.add.f32 [tilespmem:s13], [sflag:$0x1], $0x1, s21, s12, $0xb8;
	[tilespmem:$0x4580] =	vst v63  }
0x11c: {  	s21 =	sadd.s32 $0x1880, s23  }
0x11d: {  	[spmem:s1] =	stream.indirect.scatter.add.f32 [tilespmem:s13], [sflag:$0x1], $0x1, s21, s12, $0xb8;
	[tilespmem:$0x4580] =	vst v63  }
0x11e: {  	s21 =	sadd.s32 $0x1900, s23  }
0x11f: {  	[spmem:s1] =	stream.indirect.scatter.add.f32 [tilespmem:s13], [sflag:$0x1], $0x1, s21, s12, $0xb8;
	[tilespmem:$0x4580] =	vst v63  }
0x120: {  	s21 =	sadd.s32 $0x1980, s23  }
0x121: {  	[spmem:s1] =	stream.indirect.scatter.add.f32 [tilespmem:s13], [sflag:$0x1], $0x1, s21, s12, $0xb8;
	[tilespmem:$0x4580] =	vst v63  }
0x122: {  	s21 =	sadd.s32 $0x1A00, s23  }
0x123: {  	[spmem:s1] =	stream.indirect.scatter.add.f32 [tilespmem:s13], [sflag:$0x1], $0x1, s21, s12, $0xb8;
	[tilespmem:$0x4580] =	vst v63  }
0x124: {  	s21 =	sadd.s32 $0x1A80, s23  }
0x125: {  	[spmem:s1] =	stream.indirect.scatter.add.f32 [tilespmem:s13], [sflag:$0x1], $0x1, s21, s12, $0xb8;
	[tilespmem:$0x4580] =	vst v63  }
0x126: {  	s21 =	sadd.s32 $0x1B00, s23  }
0x127: {  	[spmem:s1] =	stream.indirect.scatter.add.f32 [tilespmem:s13], [sflag:$0x1], $0x1, s21, s12, $0xb8;
	[tilespmem:$0x4580] =	vst v63  }
0x128: {  	_ =	swait.ge [sflag:s11], $0x50  }
0x129: {  	[sflag:s11] =	ssyncset.done $0x0  }
0x12a: {  	[sflag:s11] =	ssyncadd.s32 $0xFFFFFFB0  }
0x12b: {  	_ =	swait.ge [sflag:s11], $0x50  }
0x12c: {  	[sflag:s11] =	ssyncset.done $0x0  }
0x12d: {  	[sflag:s11] =	ssyncadd.s32 $0xFFFFFFB0  }
0x12e: {  	_ =	swait.ge [sflag:s11], $0x50  }
0x12f: {  	[sflag:s11] =	ssyncset.done $0x0  }
0x130: {  	[sflag:s11] =	ssyncadd.s32 $0xFFFFFFB0  }
0x131: {  	_ =	swait.ge [sflag:s11], $0x50  }
0x132: {  	[sflag:s11] =	ssyncset.done $0x0  }
0x133: {  	[sflag:s11] =	ssyncadd.s32 $0xFFFFFFB0  }
0x134: {  	_ =	swait.ge [sflag:s11], $0x50  }
0x135: {  	[sflag:s11] =	ssyncset.done $0x0  }
0x136: {  	[sflag:s11] =	ssyncadd.s32 $0xFFFFFFB0  }
0x137: {  	_ =	swait.ge [sflag:s11], $0x50  }
0x138: {  	[sflag:s11] =	ssyncset.done $0x0  }
0x139: {  	[sflag:s11] =	ssyncadd.s32 $0xFFFFFFB0  }
0x13a: {  	_ =	swait.ge [sflag:s11], $0x50  }
0x13b: {  	[sflag:s11] =	ssyncset.done $0x0  }
0x13c: {  	[sflag:s11] =	ssyncadd.s32 $0xFFFFFFB0  }
0x13d: {  	_ =	swait.ge [sflag:s11], $0x50  }
0x13e: {  	[sflag:s11] =	ssyncset.done $0x0  }
0x13f: {  	[sflag:s11] =	ssyncadd.s32 $0xFFFFFFB0  }
0x140: {  	_ =	swait.ge [sflag:s11], $0x50  }
0x141: {  	[sflag:s11] =	ssyncset.done $0x0  }
0x142: {  	[sflag:s11] =	ssyncadd.s32 $0xFFFFFFB0  }
0x143: {  	_ =	swait.ge [sflag:s11], $0x50  }
0x144: {  	[sflag:s11] =	ssyncset.done $0x0  }
0x145: {  	[sflag:s11] =	ssyncadd.s32 $0xFFFFFFB0  }
0x146: {  	_ =	swait.ge [sflag:s11], $0x50  }
0x147: {  	[sflag:s11] =	ssyncset.done $0x0  }
0x148: {  	[sflag:s11] =	ssyncadd.s32 $0xFFFFFFB0  }
0x149: {  	_ =	swait.ge [sflag:s11], $0x50  }
0x14a: {  	[sflag:s11] =	ssyncset.done $0x0  }
0x14b: {  	[sflag:s11] =	ssyncadd.s32 $0xFFFFFFB0  }
0x14c: {  	_ =	swait.ge [sflag:s11], $0x50  }
0x14d: {  	[sflag:s11] =	ssyncset.done $0x0  }
0x14e: {  	[sflag:s11] =	ssyncadd.s32 $0xFFFFFFB0  }
0x14f: {  	_ =	swait.ge [sflag:s11], $0x50  }
0x150: {  	[sflag:s11] =	ssyncset.done $0x0  }
0x151: {  	[sflag:s11] =	ssyncadd.s32 $0xFFFFFFB0  }
0x152: {  	_ =	swait.ge [sflag:s11], $0x50  }
0x153: {  	[sflag:s11] =	ssyncset.done $0x0  }
0x154: {  	[sflag:s11] =	ssyncadd.s32 $0xFFFFFFB0  }
0x155: {  	_ =	swait.ge [sflag:s11], $0x50  }
0x156: {  	[sflag:s11] =	ssyncset.done $0x0  }
0x157: {  	[sflag:s11] =	ssyncadd.s32 $0xFFFFFFB0  }
0x158: {  	_ =	swait.ge [sflag:s11], $0x50  }
0x159: {  	[sflag:s11] =	ssyncset.done $0x0  }
0x15a: {  	[sflag:s11] =	ssyncadd.s32 $0xFFFFFFB0  }
0x15b: {  	_ =	swait.ge [sflag:s11], $0x50  }
0x15c: {  	[sflag:s11] =	ssyncset.done $0x0  }
0x15d: {  	[sflag:s11] =	ssyncadd.s32 $0xFFFFFFB0  }
0x15e: {  	_ =	swait.ge [sflag:s11], $0x50  }
0x15f: {  	[sflag:s11] =	ssyncset.done $0x0  }
0x160: {  	[sflag:s11] =	ssyncadd.s32 $0xFFFFFFB0  }
0x161: {  	_ =	swait.ge [sflag:s11], $0x50  }
0x162: {  	[sflag:s11] =	ssyncset.done $0x0  }
0x163: {  	[sflag:s11] =	ssyncadd.s32 $0xFFFFFFB0  }
0x164: {  	_ =	swait.ge [sflag:s11], $0x50  }
0x165: {  	[sflag:s11] =	ssyncset.done $0x0  }
0x166: {  	[sflag:s11] =	ssyncadd.s32 $0xFFFFFFB0  }
0x167: {  	_ =	swait.ge [sflag:s11], $0x50  }
0x168: {  	[sflag:s11] =	ssyncset.done $0x0  }
0x169: {  	[sflag:s11] =	ssyncadd.s32 $0xFFFFFFB0  }
0x16a: {  	_ =	swait.ge [sflag:s11], $0x50  }
0x16b: {  	[sflag:s11] =	ssyncset.done $0x0  }
0x16c: {  	[sflag:s11] =	ssyncadd.s32 $0xFFFFFFB0  }
.Ltmp0:
0x16d: {  	_ =	swait.ge [sflag:s11], $0x50;
	(pc) =	sbr.rel @p0 .LBB2_2-.Ltmp0, $4  }
0x16e: {  	[sflag:s11] =	ssyncset.done $0x0  }
0x16f: {  	[sflag:s11] =	ssyncadd.s32 $0xFFFFFFB0  }
0x170: {  	_ =	swait.ge [sflag:s11], $0x50  }
0x171: {  	s23 =	sshra.s32 s22, $0x2;
	s21 =	smov.u32 s24;
	[sflag:s11] =	ssyncset.done $0x0  }
0x172: {  	s21 =	sadd.s32 $0xF00, s23;
	[sflag:s11] =	ssyncadd.s32 $0xFFFFFFB0  }
0x173: {  	[spmem:s1] =	stream.indirect.scatter.add.f32 [tilespmem:s13], [sflag:$0x1], $0x1, s21, s12, $0xb8;
	[tilespmem:$0x4580] =	vst v63  }
0x174: {  	s25 =	sadd.s32 $0xF80, s23  }
0x175: {  	[spmem:s1] =	stream.indirect.scatter.add.f32 [tilespmem:s13], [sflag:$0x1], $0x1, s25, s12, $0xb8;
	[tilespmem:$0x4580] =	vst v63  }
0x176: {  	s22 =	sadd.s32 $0x1000, s23  }
0x177: {  	[spmem:s1] =	stream.indirect.scatter.add.f32 [tilespmem:s13], [sflag:$0x1], $0x1, s22, s12, $0xb8;
	[tilespmem:$0x4580] =	vst v63  }
0x178: {  	s24 =	sadd.s32 $0x1080, s23  }
0x179: {  	[spmem:s1] =	stream.indirect.scatter.add.f32 [tilespmem:s13], [sflag:$0x1], $0x1, s24, s12, $0xb8;
	[tilespmem:$0x4580] =	vst v63  }
0x17a: {  	s25 =	sadd.s32 $0x1100, s23  }
0x17b: {  	[spmem:s1] =	stream.indirect.scatter.add.f32 [tilespmem:s13], [sflag:$0x1], $0x1, s25, s12, $0xb8;
	[tilespmem:$0x4580] =	vst v63  }
0x17c: {  	s22 =	sadd.s32 $0x1180, s23  }
0x17d: {  	[spmem:s1] =	stream.indirect.scatter.add.f32 [tilespmem:s13], [sflag:$0x1], $0x1, s22, s12, $0xb8;
	[tilespmem:$0x4580] =	vst v63  }
0x17e: {  	s24 =	sadd.s32 $0x1200, s23  }
0x17f: {  	[spmem:s1] =	stream.indirect.scatter.add.f32 [tilespmem:s13], [sflag:$0x1], $0x1, s24, s12, $0xb8;
	[tilespmem:$0x4580] =	vst v63  }
0x180: {  	s25 =	sadd.s32 $0x1280, s23  }
0x181: {  	[spmem:s1] =	stream.indirect.scatter.add.f32 [tilespmem:s13], [sflag:$0x1], $0x1, s25, s12, $0xb8;
	[tilespmem:$0x4580] =	vst v63  }
0x182: {  	s22 =	sadd.s32 $0x1300, s23  }
0x183: {  	[spmem:s1] =	stream.indirect.scatter.add.f32 [tilespmem:s13], [sflag:$0x1], $0x1, s22, s12, $0xb8;
	[tilespmem:$0x4580] =	vst v63  }
0x184: {  	s24 =	sadd.s32 $0x1380, s23  }
0x185: {  	[spmem:s1] =	stream.indirect.scatter.add.f32 [tilespmem:s13], [sflag:$0x1], $0x1, s24, s12, $0xb8;
	[tilespmem:$0x4580] =	vst v63  }
0x186: {  	s25 =	sadd.s32 $0x1400, s23  }
0x187: {  	[spmem:s1] =	stream.indirect.scatter.add.f32 [tilespmem:s13], [sflag:$0x1], $0x1, s25, s12, $0xb8;
	[tilespmem:$0x4580] =	vst v63  }
0x188: {  	s22 =	sadd.s32 $0x1480, s23  }
0x189: {  	[spmem:s1] =	stream.indirect.scatter.add.f32 [tilespmem:s13], [sflag:$0x1], $0x1, s22, s12, $0xb8;
	[tilespmem:$0x4580] =	vst v63  }
0x18a: {  	s24 =	sadd.s32 $0x1500, s23  }
0x18b: {  	[spmem:s1] =	stream.indirect.scatter.add.f32 [tilespmem:s13], [sflag:$0x1], $0x1, s24, s12, $0xb8;
	[tilespmem:$0x4580] =	vst v63  }
0x18c: {  	s25 =	sadd.s32 $0x1580, s23  }
0x18d: {  	[spmem:s1] =	stream.indirect.scatter.add.f32 [tilespmem:s13], [sflag:$0x1], $0x1, s25, s12, $0xb8;
	[tilespmem:$0x4580] =	vst v63  }
0x18e: {  	s22 =	sadd.s32 $0x1600, s23  }
0x18f: {  	[spmem:s1] =	stream.indirect.scatter.add.f32 [tilespmem:s13], [sflag:$0x1], $0x1, s22, s12, $0xb8;
	[tilespmem:$0x4580] =	vst v63  }
0x190: {  	s24 =	sadd.s32 $0x1680, s23  }
0x191: {  	[spmem:s1] =	stream.indirect.scatter.add.f32 [tilespmem:s13], [sflag:$0x1], $0x1, s24, s12, $0xb8;
	[tilespmem:$0x4580] =	vst v63  }
0x192: {  	s25 =	sadd.s32 $0x1700, s23  }
0x193: {  	[spmem:s1] =	stream.indirect.scatter.add.f32 [tilespmem:s13], [sflag:$0x1], $0x1, s25, s12, $0xb8;
	[tilespmem:$0x4580] =	vst v63  }
0x194: {  	s22 =	sadd.s32 $0x1780, s23  }
0x195: {  	[spmem:s1] =	stream.indirect.scatter.add.f32 [tilespmem:s13], [sflag:$0x1], $0x1, s22, s12, $0xb8;
	[tilespmem:$0x4580] =	vst v63  }
0x196: {  	s24 =	sadd.s32 $0x1800, s23  }
0x197: {  	[spmem:s1] =	stream.indirect.scatter.add.f32 [tilespmem:s13], [sflag:$0x1], $0x1, s24, s12, $0xb8;
	[tilespmem:$0x4580] =	vst v63  }
0x198: {  	s25 =	sadd.s32 $0x1880, s23  }
0x199: {  	[spmem:s1] =	stream.indirect.scatter.add.f32 [tilespmem:s13], [sflag:$0x1], $0x1, s25, s12, $0xb8;
	[tilespmem:$0x4580] =	vst v63  }
0x19a: {  	s22 =	sadd.s32 $0x1900, s23  }
0x19b: {  	[spmem:s1] =	stream.indirect.scatter.add.f32 [tilespmem:s13], [sflag:$0x1], $0x1, s22, s12, $0xb8;
	[tilespmem:$0x4580] =	vst v63  }
0x19c: {  	s24 =	sadd.s32 $0x1980, s23  }
0x19d: {  	[spmem:s1] =	stream.indirect.scatter.add.f32 [tilespmem:s13], [sflag:$0x1], $0x1, s24, s12, $0xb8;
	[tilespmem:$0x4580] =	vst v63  }
0x19e: {  	s25 =	sadd.s32 $0x1A00, s23  }
0x19f: {  	[spmem:s1] =	stream.indirect.scatter.add.f32 [tilespmem:s13], [sflag:$0x1], $0x1, s25, s12, $0xb8;
	[tilespmem:$0x4580] =	vst v63  }
0x1a0: {  	s22 =	sadd.s32 $0x1A80, s23  }
0x1a1: {  	[spmem:s1] =	stream.indirect.scatter.add.f32 [tilespmem:s13], [sflag:$0x1], $0x1, s22, s12, $0xb8;
	[tilespmem:$0x4580] =	vst v63  }
0x1a2: {  	s24 =	sadd.s32 $0x1B00, s23  }
0x1a3: {  	[spmem:s1] =	stream.indirect.scatter.add.f32 [tilespmem:s13], [sflag:$0x1], $0x1, s24, s12, $0xb8;
	[tilespmem:$0x4580] =	vst v63  }
0x1a4: {  	_ =	swait.ge [sflag:s11], $0x50  }
0x1a5: {  	[sflag:s11] =	ssyncset.done $0x0  }
0x1a6: {  	[sflag:s11] =	ssyncadd.s32 $0xFFFFFFB0  }
0x1a7: {  	_ =	swait.ge [sflag:s11], $0x50  }
0x1a8: {  	[sflag:s11] =	ssyncset.done $0x0  }
0x1a9: {  	[sflag:s11] =	ssyncadd.s32 $0xFFFFFFB0  }
0x1aa: {  	_ =	swait.ge [sflag:s11], $0x50  }
0x1ab: {  	[sflag:s11] =	ssyncset.done $0x0  }
0x1ac: {  	[sflag:s11] =	ssyncadd.s32 $0xFFFFFFB0  }
0x1ad: {  	_ =	swait.ge [sflag:s11], $0x50  }
0x1ae: {  	[sflag:s11] =	ssyncset.done $0x0  }
0x1af: {  	[sflag:s11] =	ssyncadd.s32 $0xFFFFFFB0  }
0x1b0: {  	_ =	swait.ge [sflag:s11], $0x50  }
0x1b1: {  	[sflag:s11] =	ssyncset.done $0x0  }
0x1b2: {  	[sflag:s11] =	ssyncadd.s32 $0xFFFFFFB0  }
0x1b3: {  	_ =	swait.ge [sflag:s11], $0x50  }
0x1b4: {  	[sflag:s11] =	ssyncset.done $0x0  }
0x1b5: {  	[sflag:s11] =	ssyncadd.s32 $0xFFFFFFB0  }
0x1b6: {  	_ =	swait.ge [sflag:s11], $0x50  }
0x1b7: {  	[sflag:s11] =	ssyncset.done $0x0  }
0x1b8: {  	[sflag:s11] =	ssyncadd.s32 $0xFFFFFFB0  }
0x1b9: {  	_ =	swait.ge [sflag:s11], $0x50  }
0x1ba: {  	[sflag:s11] =	ssyncset.done $0x0  }
0x1bb: {  	[sflag:s11] =	ssyncadd.s32 $0xFFFFFFB0  }
0x1bc: {  	_ =	swait.ge [sflag:s11], $0x50  }
0x1bd: {  	[sflag:s11] =	ssyncset.done $0x0  }
0x1be: {  	[sflag:s11] =	ssyncadd.s32 $0xFFFFFFB0  }
0x1bf: {  	_ =	swait.ge [sflag:s11], $0x50  }
0x1c0: {  	[sflag:s11] =	ssyncset.done $0x0  }
0x1c1: {  	[sflag:s11] =	ssyncadd.s32 $0xFFFFFFB0  }
0x1c2: {  	_ =	swait.ge [sflag:s11], $0x50  }
0x1c3: {  	[sflag:s11] =	ssyncset.done $0x0  }
0x1c4: {  	[sflag:s11] =	ssyncadd.s32 $0xFFFFFFB0  }
0x1c5: {  	_ =	swait.ge [sflag:s11], $0x50  }
0x1c6: {  	[sflag:s11] =	ssyncset.done $0x0  }
0x1c7: {  	[sflag:s11] =	ssyncadd.s32 $0xFFFFFFB0  }
0x1c8: {  	_ =	swait.ge [sflag:s11], $0x50  }
0x1c9: {  	[sflag:s11] =	ssyncset.done $0x0  }
0x1ca: {  	[sflag:s11] =	ssyncadd.s32 $0xFFFFFFB0  }
0x1cb: {  	_ =	swait.ge [sflag:s11], $0x50  }
0x1cc: {  	[sflag:s11] =	ssyncset.done $0x0  }
0x1cd: {  	[sflag:s11] =	ssyncadd.s32 $0xFFFFFFB0  }
0x1ce: {  	_ =	swait.ge [sflag:s11], $0x50  }
0x1cf: {  	[sflag:s11] =	ssyncset.done $0x0  }
0x1d0: {  	[sflag:s11] =	ssyncadd.s32 $0xFFFFFFB0  }
0x1d1: {  	_ =	swait.ge [sflag:s11], $0x50  }
0x1d2: {  	[sflag:s11] =	ssyncset.done $0x0  }
0x1d3: {  	[sflag:s11] =	ssyncadd.s32 $0xFFFFFFB0  }
0x1d4: {  	_ =	swait.ge [sflag:s11], $0x50  }
0x1d5: {  	[sflag:s11] =	ssyncset.done $0x0  }
0x1d6: {  	[sflag:s11] =	ssyncadd.s32 $0xFFFFFFB0  }
0x1d7: {  	_ =	swait.ge [sflag:s11], $0x50  }
0x1d8: {  	[sflag:s11] =	ssyncset.done $0x0  }
0x1d9: {  	[sflag:s11] =	ssyncadd.s32 $0xFFFFFFB0  }
0x1da: {  	_ =	swait.ge [sflag:s11], $0x50  }
0x1db: {  	[sflag:s11] =	ssyncset.done $0x0  }
0x1dc: {  	[sflag:s11] =	ssyncadd.s32 $0xFFFFFFB0  }
0x1dd: {  	_ =	swait.ge [sflag:s11], $0x50  }
0x1de: {  	[sflag:s11] =	ssyncset.done $0x0  }
0x1df: {  	[sflag:s11] =	ssyncadd.s32 $0xFFFFFFB0  }
0x1e0: {  	_ =	swait.ge [sflag:s11], $0x50  }
0x1e1: {  	[sflag:s11] =	ssyncset.done $0x0  }
0x1e2: {  	[sflag:s11] =	ssyncadd.s32 $0xFFFFFFB0  }
0x1e3: {  	_ =	swait.ge [sflag:s11], $0x50  }
0x1e4: {  	[sflag:s11] =	ssyncset.done $0x0  }
0x1e5: {  	[sflag:s11] =	ssyncadd.s32 $0xFFFFFFB0  }
0x1e6: {  	_ =	swait.ge [sflag:s11], $0x50  }
0x1e7: {  	[sflag:s11] =	ssyncset.done $0x0  }
0x1e8: {  	[sflag:s11] =	ssyncadd.s32 $0xFFFFFFB0  }
0x1e9: {  	_ =	swait.ge [sflag:s11], $0x50  }
0x1ea: {  	[sflag:s11] =	ssyncset.done $0x0  }
0x1eb: {  	[sflag:s11] =	ssyncadd.s32 $0xFFFFFFB0  }
0x1ec: {  	_ =	swait.ge [sflag:s11], $0x50  }
0x1ed: {  	[sflag:s11] =	ssyncset.done $0x0  }
0x1ee: {  	[sflag:s11] =	ssyncadd.s32 $0xFFFFFFB0  }
0x1ef: {  	_ =	swait.ge [sflag:s11], $0x50  }
0x1f0: {  	[sflag:s11] =	ssyncset.done $0x0  }
0x1f1: {  	[sflag:s11] =	ssyncadd.s32 $0xFFFFFFB0  }
0x1f2: {  	_ =	swait.ge [sflag:s11], $0x50  }
0x1f3: {  	[sflag:s11] =	ssyncset.done $0x0  }
0x1f4: {  	[sflag:s11] =	ssyncadd.s32 $0xFFFFFFB0  }
0x1f5: {  	_ =	swait.ge [sflag:s11], $0x50  }
0x1f6: {  	[sflag:s11] =	ssyncset.done $0x0  }
0x1f7: {  	[sflag:s11] =	ssyncadd.s32 $0xFFFFFFB0  }
0x1f8: {  	_ =	swait.ge [sflag:s11], $0x50  }
0x1f9: {  	[sflag:s11] =	ssyncset.done $0x0  }
0x1fa: {  	[sflag:s11] =	ssyncadd.s32 $0xFFFFFFB0  }
0x1fb: {  	_ =	swait.ge [sflag:s11], $0x50  }
0x1fc: {  	[sflag:s11] =	ssyncset.done $0x0  }
0x1fd: {  	[sflag:s11] =	ssyncadd.s32 $0xFFFFFFB0  }
0x1fe: {  	_ =	swait.ge [sflag:s11], $0x50  }
0x1ff: {  	[sflag:s11] =	ssyncset.done $0x0  }
0x200: {  	[sflag:s11] =	ssyncadd.s32 $0xFFFFFFB0  }
0x201: {  	_ =	swait.ge [sflag:s11], $0x50  }
0x202: {  	[sflag:s11] =	ssyncset.done $0x0  }
0x203: {  	[sflag:s11] =	ssyncadd.s32 $0xFFFFFFB0  }
0x204: {  	_ =	swait.ge [sflag:s11], $0x50  }
0x205: {  	[sflag:s11] =	ssyncset.done $0x0  }
0x206: {  	[sflag:s11] =	ssyncadd.s32 $0xFFFFFFB0  }
0x207: {  	_ =	swait.ge [sflag:s11], $0x50  }
0x208: {  	[sflag:s11] =	ssyncset.done $0x0  }
0x209: {  	[sflag:s11] =	ssyncadd.s32 $0xFFFFFFB0  }
0x20a: {  	_ =	swait.ge [sflag:s11], $0x50  }
0x20b: {  	[sflag:s11] =	ssyncset.done $0x0  }
0x20c: {  	[sflag:s11] =	ssyncadd.s32 $0xFFFFFFB0  }
0x20d: {  	_ =	swait.ge [sflag:s11], $0x50  }
0x20e: {  	[sflag:s11] =	ssyncset.done $0x0  }
0x20f: {  	[sflag:s11] =	ssyncadd.s32 $0xFFFFFFB0  }
0x210: {  	_ =	swait.ge [sflag:s11], $0x50  }
0x211: {  	[sflag:s11] =	ssyncset.done $0x0  }
0x212: {  	[sflag:s11] =	ssyncadd.s32 $0xFFFFFFB0  }
0x213: {  	_ =	swait.ge [sflag:s11], $0x50  }
0x214: {  	[sflag:s11] =	ssyncset.done $0x0  }
0x215: {  	[sflag:s11] =	ssyncadd.s32 $0xFFFFFFB0  }
0x216: {  	_ =	swait.ge [sflag:s11], $0x50  }
0x217: {  	[sflag:s11] =	ssyncset.done $0x0  }
0x218: {  	[sflag:s11] =	ssyncadd.s32 $0xFFFFFFB0  }
0x219: {  	_ =	swait.ge [sflag:s11], $0x50  }
0x21a: {  	[sflag:s11] =	ssyncset.done $0x0  }
0x21b: {  	[sflag:s11] =	ssyncadd.s32 $0xFFFFFFB0  }
0x21c: {  	_ =	swait.ge [sflag:s11], $0x50  }
0x21d: {  	[sflag:s11] =	ssyncset.done $0x0  }
0x21e: {  	[sflag:s11] =	ssyncadd.s32 $0xFFFFFFB0  }
0x21f: {  	_ =	swait.ge [sflag:s11], $0x50  }
0x220: {  	[sflag:s11] =	ssyncset.done $0x0  }
0x221: {  	[sflag:s11] =	ssyncadd.s32 $0xFFFFFFB0  }
0x222: {  	_ =	swait.ge [sflag:s11], $0x50  }
0x223: {  	[sflag:s11] =	ssyncset.done $0x0  }
0x224: {  	[sflag:s11] =	ssyncadd.s32 $0xFFFFFFB0  }
0x225: {  	_ =	swait.ge [sflag:s11], $0x50  }
0x226: {  	[sflag:s11] =	ssyncset.done $0x0  }
0x227: {  	[sflag:s11] =	ssyncadd.s32 $0xFFFFFFB0  }
0x228: {  	_ =	swait.ge [sflag:s11], $0x50  }
0x229: {  	[sflag:s11] =	ssyncset.done $0x0  }
0x22a: {  	[sflag:s11] =	ssyncadd.s32 $0xFFFFFFB0  }
0x22b: {  	_ =	swait.ge [sflag:s11], $0x50  }
0x22c: {  	[sflag:s11] =	ssyncset.done $0x0  }
0x22d: {  	[sflag:s11] =	ssyncadd.s32 $0xFFFFFFB0  }
0x22e: {  	_ =	swait.ge [sflag:s11], $0x50  }
0x22f: {  	[sflag:s11] =	ssyncset.done $0x0  }
0x230: {  	[sflag:s11] =	ssyncadd.s32 $0xFFFFFFB0  }
0x231: {  	_ =	swait.ge [sflag:s11], $0x50  }
0x232: {  	[sflag:s11] =	ssyncset.done $0x0  }
0x233: {  	[sflag:s11] =	ssyncadd.s32 $0xFFFFFFB0  }
0x234: {  	_ =	swait.ge [sflag:s11], $0x50  }
0x235: {  	[sflag:s11] =	ssyncset.done $0x0  }
0x236: {  	[sflag:s11] =	ssyncadd.s32 $0xFFFFFFB0  }
0x237: {  	_ =	swait.ge [sflag:s11], $0x50  }
0x238: {  	s20 =	sadd.s32 $0x1, s20;
	s25 =	sshll.u32 s2, $0x6;
	[sflag:s11] =	ssyncset.done $0x0  }
0x239: {  	p0 =	sne.s32 s20, s7;
	s21 =	sor.u32 $0x1C02, s25;
	[sflag:s11] =	ssyncadd.s32 $0xFFFFFFB0  }
.Ltmp1:
0x23a: {  	s22 =	sshrl.u32 s5, $0x3;
	[bflag:$0x0] =	sbarrier.arrive $0xFFFF;
	(pc) =	sbr.rel @p0 .LBB2_1-.Ltmp1, $4  }
0x23b: {  	[hbm:s6@s18], [sflag:s21] =	dma.strided [spmem:s22@s19], $0x50, s11, $0x10   }
0x23c: {  	_ =	swait.ge [sflag:s10], $0x50  }
0x23d: {  	[sflag:s10] =	ssyncset.done $0x0  }
0x23e: {  	[sflag:s10] =	ssyncadd.s32 $0xFFFFFFB0  }
0x23f: {  	_ =	sfence.sel $0x180000  }
0x240: {  	[bflag:$0x0] =	sbarrier.arrive $0xFFFF  }
0x241: {  	_ =	strace $0x90000047  }
0x242: {  	[bflag:$0x2] =	sbarrier.arrive $0xFFFF  }
0x243: {  	p0 =	sne.s32 s2, $0x0;
	s0 =	rddreg [dreg:$0x3]  }
0x244: {  	s0 =	sadd.s32 @!p0 $0x100000, s0  }
0x245: {  	[sflag:s0] =	ssyncadd.tile.s32 @!p0 $0x1;
	_ =	shalt  }
.Lfunc_end2:
_tile_overlayer_lowered:
.L_overlay_start_2:
0x246: {  	(tag) =	ssettag $0x2  }
0x247: {  	s0 =	rddreg [dreg:$0x0];
	s2 =	stileid.u32  }
0x248: {  	s1 =	rddreg [dreg:$0x1];
	p0 =	sne.s32 s2, $0x0  }
0x249: {  	s3 =	rddreg [dreg:$0x2];
	[bflag:$0x3] =	sbarrier.arrive $0xFFFF;
	s2 =	simm.s32 @!p0 $0x1C02  }
0x24a: {  	[timem:s3], [sflag:s2] =	dma.local @!p0 [hbm:s0], s1  }
0x24b: {  	s0 =	simm.s32 @!p0 $0x2  }
0x24c: {  	_ =	swait.ge @!p0 [sflag:s0], s1  }
0x24d: {  	s1 =	ssub.s32 @!p0 $0x0, s1;
	[sflag:s0] =	ssyncset.done @!p0 $0x0  }
0x24e: {  	[sflag:s0] =	ssyncadd.s32 @!p0 s1  }
0x24f: {  	[bflag:$0x3] =	sbarrier.arrive $0xFFFF  }
0x250: {  	_ =	shalt  }

// kernel: kernel.9.cloned.1.call-start
scs
__scs_entry_jumppad:
0x0: {  	(pc) =	sbr.rel $0x88, $3  }
0x1: {  	(tag) =	ssettag $0x0;
	lr =	simm.s32 $0x1  }
0x2: {  	[smem:$0x3F9B] =	sst lr;
	_ =	strace $0xD0000000  }
0x3: {  	_ = 	snop  }
0x4: {  	_ = 	snop  }
0x5: {  	_ = 	snop  }
0x6: {  	_ = 	snop  }
0x7: {  	_ = 	snop  }
__scs_overlays_trampoline_lowered:
0x8: {  	[smem:$0x3FAA] =	sst s0  }
0x9: {  	[smem:$0x3FAB] =	sst s1  }
0xa: {  	[smem:$0x3FAC] =	sst s2  }
0xb: {  	[smem:$0x3FAD] =	sst s3  }
0xc: {  	[smem:$0x3FAE] =	sst s4  }
0xd: {  	[smem:$0x3FAF] =	sst s5  }
0xe: {  	[smem:$0x3FB0] =	sst s6  }
0xf: {  	[smem:$0x3FB1] =	sst s7  }
0x10: {  	[smem:$0x3FB2] =	sst s8  }
0x11: {  	[smem:$0x3FB3] =	sst s9;
	s0 =	simm.s32 @!p0 $0x0  }
0x12: {  	s1 =	sld [smem:$0x3F99];
	s0 =	simm.s32 @p0 $0x1  }
0x13: {  	[smem:$0x3FB4] =	sst s0;
	s0 =	simm.s32 @!p1 $0x0  }
0x14: {  	s2 =	sld [smem:$0x3F98];
	s0 =	simm.s32 @p1 $0x1  }
0x15: {  	[smem:$0x3FB5] =	sst s0;
	s0 =	simm.s32 @!p2 $0x0  }
0x16: {  	s3 =	sld [smem:$0x3FDB];
	s0 =	simm.s32 @p2 $0x1  }
0x17: {  	s4 =	simm.s32 $0x1BF5;
	[smem:$0x3FB7] =	sst s0  }
0x18: {  	s0 =	sld [smem:$0x3F9A];
	_ =	swait.ge [sflag:s4], $0x0  }
0x19: {  	s7 =	sld [smem:$0x3F9B]  }
0x1a: {  	s8 =	sadd.s32 $0xFFFFE003, lr  }
0x1b: {  	s9 =	sadd.s32 $0xFFFFFEF7, lr;
	s5 =	simm.s32 $0xFFFFFFFF;
	p2 =	slt.u32 s8, $0xFFFFF086  }
0x1c: {  	p1 =	slt.u32 s9, $0xF7A;
	s5 =	simm.s32 @!p2 $0x0  }
0x1d: {  	s5 =	simm.s32 @p1 $0x1;
	p0 =	seq.s32 s7, s2  }
0x1e: {  	s7 =	smul.u32 @!p0 $0xF7A, s2;
	p2 =	seq.s32 @!p0 s5, $0x0  }
0x1f: {  	s9 =	smul.u32 $0xF7A, s1;
	s8 =	simm.s32 @!p0 $0x1BF5;
	p2 =	por !p2, p0  }
0x20: {  	[sflag:s8] =	ssyncset.s32 @!p0 $0xFFFFF086;
	s6 =	sadd.s32 @!p0 s3, s7;
	s7 =	simm.s32 @!p0 $0x108  }
0x21: {  	s3 =	sadd.s32 s3, s9;
	s6 =	sadd.s32 @!p0 $0x88, s6;
	s7 =	simm.s32 @p2 $0x1082  }
0x22: {  	[simem:s7], [sflag:s8] =	dma.local @!p0 [hbm:s6], $0xF7A  }
0x23: {  	s9 =	sor.u32 $0xD0000000, s2;
	s6 =	simm.s32 $0x108;
	_ =	swait.ge @!p0 [sflag:s8], $0x0  }
0x24: {  	s3 =	sadd.s32 $0x88, s3;
	s6 =	simm.s32 @!p1 $0x1082;
	[sflag:s4] =	ssyncset.s32 $0xFFFFF086  }
0x25: {  	[simem:s6], [sflag:s4] =	dma.local [hbm:s3], $0xF7A  }
0x26: {  	[smem:$0x3F9B] =	sst s1;
	(tag) =	ssettag s2;
	_ =	strace s9  }
0x27: {  	s1 =	sld [smem:$0x3FAB]  }
0x28: {  	s2 =	sld [smem:$0x3FAC]  }
0x29: {  	s4 =	sld [smem:$0x3FAE]  }
0x2a: {  	p0 =	seq.s32 s5, $0x0;
	s5 =	sld [smem:$0x3FAF]  }
0x2b: {  	s6 =	sld [smem:$0x3FB0]  }
0x2c: {  	s7 =	sld [smem:$0x3FB1]  }
0x2d: {  	s3 =	simm.s32 $0x108;
	s8 =	sld [smem:$0x3FB2]  }
0x2e: {  	s3 =	simm.s32 @!p0 $0x1082;
	s9 =	sld [smem:$0x3FB3]  }
0x2f: {  	lr =	sadd.s32 s0, s3;
	s0 =	sld [smem:$0x3FAA]  }
0x30: {  	s3 =	sld [smem:$0x3FAD]  }
0x31: {  	[smem:$0x3FB6] =	sst s10  }
0x32: {  	s10 =	sld [smem:$0x3FB4];
	_ =	sdelay $0x3  }
0x33: {  	p0 =	seq.s32 s10, $0x1;
	s10 =	sld [smem:$0x3FB6];
	_ =	sdelay $0x3  }
0x34: {  	[smem:$0x3FB6] =	sst s10  }
0x35: {  	s10 =	sld [smem:$0x3FB5];
	_ =	sdelay $0x3  }
0x36: {  	p1 =	seq.s32 s10, $0x1;
	s10 =	sld [smem:$0x3FB6];
	_ =	sdelay $0x3  }
0x37: {  	[smem:$0x3FB6] =	sst s10  }
0x38: {  	s10 =	sld [smem:$0x3FB7]  }
0x39: {  	_ = 	snop;
	(pc) =	sbr.ind lr, $3  }
0x3a: {  	_ = 	snop  }
0x3b: {  	_ = 	snop  }
0x3c: {  	p2 =	seq.s32 s10, $0x1;
	s10 =	sld [smem:$0x3FB6]  }
0x3d: {  	_ =	shalt  }
0x3e: {  	_ =	shalt  }
0x3f: {  	_ =	shalt  }
0x40: {  	_ =	shalt  }
0x41: {  	_ =	shalt  }
0x42: {  	_ =	shalt  }
0x43: {  	_ =	shalt  }
0x44: {  	_ =	shalt  }
0x45: {  	_ =	shalt  }
0x46: {  	_ =	shalt  }
0x47: {  	_ =	shalt  }
0x48: {  	_ =	shalt  }
0x49: {  	_ =	shalt  }
0x4a: {  	_ =	shalt  }
0x4b: {  	_ =	shalt  }
0x4c: {  	_ =	shalt  }
0x4d: {  	_ =	shalt  }
0x4e: {  	_ =	shalt  }
0x4f: {  	_ =	shalt  }
0x50: {  	_ =	shalt  }
0x51: {  	_ =	shalt  }
0x52: {  	_ =	shalt  }
0x53: {  	_ =	shalt  }
0x54: {  	_ =	shalt  }
0x55: {  	_ =	shalt  }
0x56: {  	_ =	shalt  }
0x57: {  	_ =	shalt  }
0x58: {  	_ =	shalt  }
0x59: {  	_ =	shalt  }
0x5a: {  	_ =	shalt  }
0x5b: {  	_ =	shalt  }
0x5c: {  	_ =	shalt  }
0x5d: {  	_ =	shalt  }
0x5e: {  	_ =	shalt  }
0x5f: {  	_ =	shalt  }
0x60: {  	_ =	shalt  }
0x61: {  	_ =	shalt  }
0x62: {  	_ =	shalt  }
0x63: {  	_ =	shalt  }
0x64: {  	_ =	shalt  }
0x65: {  	_ =	shalt  }
0x66: {  	_ =	shalt  }
0x67: {  	_ =	shalt  }
0x68: {  	_ =	shalt  }
0x69: {  	_ =	shalt  }
0x6a: {  	_ =	shalt  }
0x6b: {  	_ =	shalt  }
0x6c: {  	_ =	shalt  }
0x6d: {  	_ =	shalt  }
0x6e: {  	_ =	shalt  }
0x6f: {  	_ =	shalt  }
0x70: {  	_ =	shalt  }
0x71: {  	_ =	shalt  }
0x72: {  	_ =	shalt  }
0x73: {  	_ =	shalt  }
0x74: {  	_ =	shalt  }
0x75: {  	_ =	shalt  }
0x76: {  	_ =	shalt  }
0x77: {  	_ =	shalt  }
0x78: {  	_ =	shalt  }
0x79: {  	_ =	shalt  }
0x7a: {  	_ =	shalt  }
0x7b: {  	_ =	shalt  }
0x7c: {  	_ =	shalt  }
0x7d: {  	_ =	shalt  }
0x7e: {  	_ =	shalt  }
0x7f: {  	_ =	shalt  }
0x80: {  	_ =	shalt  }
0x81: {  	_ =	shalt  }
0x82: {  	_ =	shalt  }
0x83: {  	_ =	shalt  }
0x84: {  	_ =	shalt  }
0x85: {  	_ =	shalt  }
0x86: {  	_ =	shalt  }
0x87: {  	_ =	shalt  }
.Lfunc_end0:
.L_simem_size_0:
called_computation.1_lowered:
.L_overlay_start_0:
0x88: {  	s2 =	sld [smem:$0x3FD9]  }
0x89: {  	s3 =	sld [smem:$0x3FFE];
	_ =	sdelay $0x1  }
0x8a: {  	s1 =	srdreg.scid  }
0x8b: {  	s0 =	sand.u32 $0x1, s1  }
0x8c: {  	s14 =	sshll.u32 s0, $0xA;
	s2 =	sadd.s32 s3, s2  }
0x8d: {  	s2 =	sadd.s32 s2, s14  }
0x8e: {  	[smem:$0x3FC2] =	sst s2  }
0x8f: {  	_ = 	snop  }
0x90: {  	s2 =	sld [smem:$0x3FD0];
	_ =	sdelay $0x2  }
0x91: {  	s15 =	simm.s32 $0xA;
	s4 =	simm.s32 $0x10  }
0x92: {  	[smem:s4], [sflag:s15] =	dma.local [hbm:s2], $0x1  }
0x93: {  	_ =	swait.eq [sflag:s15], $0x1  }
0x94: {  	[sflag:s15] =	ssyncset.done $0x0  }
0x95: {  	s16 =	sld [smem:$0x10];
	[sflag:s15] =	ssyncadd.s32 $0xFFFFFFFF  }
0x96: {  	s17 =	sld [smem:$0x11];
	(tm) =	ssettm $0x1  }
0x97: {  	s18 =	sld [smem:$0x3FFB];
	_ =	sdelay $0x3  }
0x98: {  	_ =	strace s18  }
0x99: {  	s4 =	sld [smem:$0x3FFC];
	_ =	sdelay $0x3  }
0x9a: {  	_ =	strace s4  }
0x9b: {  	s4 =	sld [smem:$0x3FFD];
	_ =	sdelay $0x3  }
0x9c: {  	_ =	strace s4  }
0x9d: {  	_ =	strace $0x8FFFFFFF  }
0x9e: {  	s19 =	sld [smem:$0x3FDB];
	_ =	sdelay $0x1  }
0x9f: {  	s5 =	simm.s32 $_scs_section_size  }
0xa0: {  	s6 =	simm.s32 $_size__tile_overlayer_lowered;
	s7 =	simm.s32 $_tile_overlayer_lowered  }
0xa1: {  	s22 =	simm.s32 $0x1BFF;
	s21 =	sshll.u32 s7, $0x1;
	s4 =	sadd.s32 s5, s19  }
0xa2: {  	s8 =	simm.s32 $0x0;
	s20 =	sshll.u32 s6, $0x1;
	s6 =	sadd.s32 s21, s4  }
0xa3: {  	[timem:s8], [sflag:s22] =	dma.local [hbm:s6], s20  }
0xa4: {  	_ =	swait.ge [sflag:s22], s20  }
0xa5: {  	s5 =	ssub.s32 $0x0, s20;
	[sflag:s22] =	ssyncset.done $0x0  }
0xa6: {  	[sflag:s22] =	ssyncadd.s32 s5;
	_ =	sdelay $0x1  }
0xa7: {  	s23 =	simm.s32 $0x1B8B  }
0xa8: {  	_ =	swait.ge [sflag:s23], $0x1  }
0xa9: {  	[sflag:s23] =	ssyncset.done $0x0  }
0xaa: {  	s25 =	simm.s32 $0x1B8E;
	s24 =	sld [smem:$0x3FFE];
	[sflag:s23] =	ssyncadd.s32 $0xFFFFFFFF  }
0xab: {  	s26 =	simm.s32 $execute0_lowered;
	[smem:$0x3FD2] =	sst s25  }
0xac: {  	s6 =	sshll.u32 s26, $0x1;
	_ =	strace $0x80000049;
	[dreg:$0x1] =	wrdreg $0xFFFFFFFF  }
0xad: {  	s28 =	simm.s32 $_size_execute0_lowered;
	s4 =	sadd.s32 s4, s6;
	[dreg:$0x0] =	wrdreg $0x0  }
0xae: {  	s6 =	sshll.u32 s28, $0x1;
	[dreg:$0x2] =	wrdreg s4  }
0xaf: {  	[dreg:$0x3] =	wrdreg s6  }
0xb0: {  	[dreg:$0x4] =	wrdreg $0xC0  }
0xb1: {  	_ =	task [dreg:s8], $0x5FFFF  }
0xb2: {  	[dreg:$0x1] =	wrdreg $0xFFFFFFFF  }
0xb3: {  	[dreg:$0x0] =	wrdreg $0x60  }
0xb4: {  	[dreg:$0x2] =	wrdreg s17  }
0xb5: {  	[dreg:$0x3] =	wrdreg s24  }
0xb6: {  	[dreg:$0x4] =	wrdreg s16  }
0xb7: {  	[dreg:$0x5] =	wrdreg $0x0  }
0xb8: {  	[dreg:$0x6] =	wrdreg $0x9  }
0xb9: {  	_ =	task.clear_ibuf [dreg:s8], $0x7FFFF;
	_ =	strace $0x90000049  }
0xba: {  	s29 =	simm.s32 $0x9;
	_ =	strace $0x8000004B  }
0xbb: {  	_ =	swait.ge [sflag:s29], $0x1  }
0xbc: {  	[sflag:s29] =	ssyncadd.s32 $0xFFFFFFFF  }
0xbd: {  	_ =	strace $0x9000004B  }
0xbe: {  	_ =	sfence  }
0xbf: {  	s30 =	sld [smem:$0x0];
	_ =	sdelay $0x2  }
0xc0: {  	s31 =	sshll.u32 s1, $0xD;
	s1 =	sshrl.u32 s1, $0x2  }
0xc1: {  	s3 =	sand.u32 $0x4000, s31;
	s1 =	sadd.s32 s1, s30  }
0xc2: {  	s0 =	sor.u32 s3, s0;
	s1 =	sshll.u32 s1, $0x11  }
0xc3: {  	s0 =	sor.u32 s1, s0  }
0xc4: {  	s0 =	sadd.s32 $0x8F2B, s0  }
0xc5: {  	[sflag:s0] =	ssyncadd.remote.s32 $0x1  }
0xc6: {  	_ =	sfence.sel $0xFFFF  }
0xc7: {  	[dreg:$0x0] =	wrdreg $0xFFFFFFFF;
	(pc) =	sbr.abs _section_cstart, $3  }
0xc8: {  	[dreg:$0x1] =	wrdreg $0xFFFFFFFF  }
0xc9: {  	_ =	task.clear_ibuf [dreg:s8], $0x2FFFF;
	_ =	strace $0x9FFFFFFF  }
0xca: {  	(tm) =	ssettm $0x7FFFFFFF  }
0xcb: {  	_ =	shalt  }
tec
execute0_lowered:
.L_overlay_start_1:
0x0: {  	(tag) =	ssettag $0x1  }
0x1: {  	s1 =	rddreg [dreg:$0x0]  }
0x2: {  	s2 =	rddreg [dreg:$0x1]  }
0x3: {  	s6 =	rddreg [dreg:$0x2]  }
0x4: {  	s3 =	srdreg.scid;
	s0 =	stileid.u32;
	s24 =	simm.s32 $0x0  }
0x5: {  	s17 =	simm.s32 $0x80;
	s18 =	simm.s32 $0x400;
	s19 =	simm.s32 $0x14000  }
0x6: {  	s20 =	simm.s32 $0x16780;
	s21 =	simm.s32 $0x1A780;
	s22 =	simm.s32 $0x3  }
0x7: {  	s23 =	simm.s32 $0x1;
	s28 =	simm.s32 $0x1A580;
	s29 =	simm.s32 $0x0  }
0x8: {  	s5 =	sand.u32 $0x1, s3;
	s4 =	sshll.u32 s0, $0x1;
	s11 =	smul.u32 $0x14000, s0  }
0x9: {  	s7 =	sshrl.u32 s0, $0x2;
	s3 =	rddreg [dreg:$0x3];
	s26 =	smul.u32 $0x50000, s0  }
0xa: {  	[smem:$0x7FF] =	sst s24;
	s24 =	simm.s32 $0x2;
	s7 =	smul.u32 $0x13C00, s7  }
0xb: {  	s8 =	sor.u32 s5, s4;
	s10 =	smul.u32 $0x140000, s5;
	s5 =	ssub.s32 $0x2, s5  }
0xc: {  	_ =	strace $0x8000004A;
	s9 =	sshll.u32 s8, $0x7;
	s30 =	sshrl.u32 s5, $0x1  }
0xd: {  	s8 =	sshll.u32 s8, $0xB;
	s31 =	sshrl.u32 s26, $0x2;
	s9 =	sand.u32 $0x380, s9  }
0xe: {  	s26 =	simm.s32 $0x1CF80;
	s25 =	sadd.s32 s11, s10;
	s7 =	sor.u32 s7, s9  }
0xf: {  	s16 =	ssub.s32 s5, s30;
	s6 =	sadd.s32 s6, s8;
	s7 =	sshrl.u32 s7, $0x3  }
0x10: {  	s9 =	sshrl.u32 s25, $0x3;
	s16 =	smax.u32 s16, $0x1;
	s7 =	sadd.s32 s7, s2  }
0x11: {  	s2 =	sadd.s32 s9, s2;
	s5 =	sadd.s32 $0x2000, s7;
	s7 =	sadd.s32 s31, s3  }
0x12: {  	s25 =	simm.s32 $0x50;
	s15 =	sadd.s32 $0xBE00, s2;
	s8 =	sadd.s32 $0x2800, s7  }
0x13: {  	s9 =	sadd.s32 $0x5000, s7;
	s10 =	sadd.s32 $0x7800, s7;
	s11 =	sadd.s32 $0xA000, s7  }
0x14: {  	v0 =	vimm.f32 $0.0e+00;
	s12 =	sadd.s32 $0xC800, s7;
	s13 =	sadd.s32 $0xF000, s7;
	s14 =	sadd.s32 $0x11800, s7  }
.LBB2_1:
0x15: {  	[tilespmem:s19], [sflag:$0x1] =	stream.strided.gather [hbm4b:s5+s17], $0x2780, s18, s17, $0x38;
	[tilespmem:$0x1F780] =	vst v63  }
0x16: {  	s0 =	simm.s32 $0x0;
	s2 =	simm.s32 $0x0;
	s30 =	simm.s32 $0x200  }
0x17: {  	[tilespmem:s20], [sflag:$0x2] =	stream.linear.gather [hbm4b:s6+s0], $0x3E80, $0x38;
	[tilespmem:$0x1F780] =	vst v63  }
.LBB2_2:
0x18: {  	p0 =	sne.s32 s30, $0x9E00;
	[tilespmem:s2+$0x1A7F0] =	vst v0  }
0x19: {  	[tilespmem:s2+$0x1A780] =	vst v0  }
0x1a: {  	[tilespmem:s2+$0x1A790] =	vst v0  }
.Ltmp0:
0x1b: {  	[tilespmem:s2+$0x1A7A0] =	vst v0;
	(pc) =	sbr.rel @p0 .LBB2_2-.Ltmp0, $4  }
0x1c: {  	[tilespmem:s2+$0x1A7B0] =	vst v0  }
0x1d: {  	[tilespmem:s2+$0x1A7C0] =	vst v0  }
0x1e: {  	[tilespmem:s2+$0x1A7D0] =	vst v0  }
0x1f: {  	[tilespmem:s2+$0x1A7E0] =	vst v0;
	s2 =	sshra.s32 s30, $0x2;
	s30 =	sadd.s32 $0x200, s30  }
0x20: {  	[tilespmem:s2+$0x1A7F0] =	vst v0  }
0x21: {  	[tilespmem:s2+$0x1A780] =	vst v0  }
0x22: {  	[tilespmem:s2+$0x1A790] =	vst v0  }
0x23: {  	[tilespmem:s2+$0x1A7A0] =	vst v0  }
0x24: {  	[tilespmem:s2+$0x1A7B0] =	vst v0  }
0x25: {  	[tilespmem:s2+$0x1A7C0] =	vst v0  }
0x26: {  	[tilespmem:s2+$0x1A7D0] =	vst v0  }
0x27: {  	[tilespmem:s2+$0x1A7E0] =	vst v0  }
0x28: {  	[spmem:s7] =	stream.linear.scatter [tilespmem:s21], [sflag:$0x3], $0x2800, $0x38;
	[tilespmem:$0x1F780] =	vst v63  }
0x29: {  	_ =	swait.ge [sflag:s22], $0x2800  }
0x2a: {  	[sflag:s22] =	ssyncset.done $0x0  }
0x2b: {  	[sflag:s22] =	ssyncadd.s32 $0xFFFFD800  }
0x2c: {  	[spmem:s8] =	stream.linear.scatter [tilespmem:s21], [sflag:$0x3], $0x2800, $0x38;
	[tilespmem:$0x1F780] =	vst v63  }
0x2d: {  	_ =	swait.ge [sflag:s22], $0x2800  }
0x2e: {  	[sflag:s22] =	ssyncset.done $0x0  }
0x2f: {  	[sflag:s22] =	ssyncadd.s32 $0xFFFFD800  }
0x30: {  	[spmem:s9] =	stream.linear.scatter [tilespmem:s21], [sflag:$0x3], $0x2800, $0x38;
	[tilespmem:$0x1F780] =	vst v63  }
0x31: {  	_ =	swait.ge [sflag:s22], $0x2800  }
0x32: {  	[sflag:s22] =	ssyncset.done $0x0  }
0x33: {  	[sflag:s22] =	ssyncadd.s32 $0xFFFFD800  }
0x34: {  	[spmem:s10] =	stream.linear.scatter [tilespmem:s21], [sflag:$0x3], $0x2800, $0x38;
	[tilespmem:$0x1F780] =	vst v63  }
0x35: {  	_ =	swait.ge [sflag:s22], $0x2800  }
0x36: {  	[sflag:s22] =	ssyncset.done $0x0  }
0x37: {  	[sflag:s22] =	ssyncadd.s32 $0xFFFFD800  }
0x38: {  	[spmem:s11] =	stream.linear.scatter [tilespmem:s21], [sflag:$0x3], $0x2800, $0x38;
	[tilespmem:$0x1F780] =	vst v63  }
0x39: {  	_ =	swait.ge [sflag:s22], $0x2800  }
0x3a: {  	[sflag:s22] =	ssyncset.done $0x0  }
0x3b: {  	[sflag:s22] =	ssyncadd.s32 $0xFFFFD800  }
0x3c: {  	[spmem:s12] =	stream.linear.scatter [tilespmem:s21], [sflag:$0x3], $0x2800, $0x38;
	[tilespmem:$0x1F780] =	vst v63  }
0x3d: {  	_ =	swait.ge [sflag:s22], $0x2800  }
0x3e: {  	[sflag:s22] =	ssyncset.done $0x0  }
0x3f: {  	[sflag:s22] =	ssyncadd.s32 $0xFFFFD800  }
0x40: {  	[spmem:s13] =	stream.linear.scatter [tilespmem:s21], [sflag:$0x3], $0x2800, $0x38;
	[tilespmem:$0x1F780] =	vst v63  }
0x41: {  	_ =	swait.ge [sflag:s22], $0x2800  }
0x42: {  	[sflag:s22] =	ssyncset.done $0x0  }
0x43: {  	[sflag:s22] =	ssyncadd.s32 $0xFFFFD800  }
0x44: {  	[spmem:s14] =	stream.linear.scatter [tilespmem:s21], [sflag:$0x3], $0x2800, $0x38;
	[tilespmem:$0x1F780] =	vst v63  }
0x45: {  	_ =	swait.ge [sflag:s22], $0x2800  }
0x46: {  	[sflag:s22] =	ssyncset.done $0x0  }
0x47: {  	[sflag:s22] =	ssyncadd.s32 $0xFFFFD800  }
0x48: {  	_ =	swait.ge [sflag:s23], $0x2780  }
0x49: {  	[sflag:s23] =	ssyncset.done $0x0  }
0x4a: {  	[sflag:s23] =	ssyncadd.s32 $0xFFFFD880  }
0x4b: {  	_ =	swait.ge [sflag:s24], $0x3E80  }
0x4c: {  	[sflag:s24] =	ssyncset.done $0x0  }
0x4d: {  	[sflag:s24] =	ssyncadd.s32 $0xFFFFC180  }
0x4e: {  	[bflag:$0x0] =	sbarrier.arrive $0xFFFF  }
0x4f: {  	[tilespmem:s21], [sflag:$0x1] =	stream.indirect.gather [hbm4b:s1+s25], $0x80, s19, s25, $0xb8;
	[tilespmem:$0x1F780] =	vst v63  }
0x50: {  	s0 =	simm.s32 $0x14050  }
0x51: {  	[tilespmem:s26], [sflag:$0x2] =	stream.indirect.gather [hbm4b:s1+s25], $0x80, s0, s25, $0xb8;
	[tilespmem:$0x1F780] =	vst v63  }
0x52: {  	_ =	swait.ge [sflag:s23], $0x2800  }
0x53: {  	[sflag:s23] =	ssyncset.done $0x0  }
0x54: {  	s4 =	simm.s32 $0x16780;
	[sflag:s23] =	ssyncadd.s32 $0xFFFFD800  }
0x55: {  	[spmem:s3] =	stream.indirect.scatter.add.f32 [tilespmem:s21], [sflag:$0x3], $0x80, s4, s25, $0xb8;
	[tilespmem:$0x1F780] =	vst v63  }
0x56: {  	_ =	swait.ge [sflag:s22], $0x2800  }
0x57: {  	[sflag:s22] =	ssyncset.done $0x0  }
0x58: {  	s0 =	simm.s32 $0x140A0;
	[sflag:s22] =	ssyncadd.s32 $0xFFFFD800  }
0x59: {  	[tilespmem:s21], [sflag:$0x1] =	stream.indirect.gather [hbm4b:s1+s25], $0x80, s0, s25, $0xb8;
	[tilespmem:$0x1F780] =	vst v63  }
0x5a: {  	_ =	swait.ge [sflag:s24], $0x2800  }
0x5b: {  	[sflag:s24] =	ssyncset.done $0x0  }
0x5c: {  	s4 =	simm.s32 $0x16800;
	[sflag:s24] =	ssyncadd.s32 $0xFFFFD800  }
0x5d: {  	[spmem:s3] =	stream.indirect.scatter.add.f32 [tilespmem:s26], [sflag:$0x3], $0x80, s4, s25, $0xb8;
	[tilespmem:$0x1F780] =	vst v63  }
0x5e: {  	s31 =	simm.s32 $0x400;
	_ =	swait.ge [sflag:s22], $0x2800  }
0x5f: {  	s2 =	simm.s32 $0x800;
	s30 =	simm.s32 $0x14140;
	[sflag:s22] =	ssyncset.done $0x0  }
.LBB2_4:
0x60: {  	p0 =	sne.s32 s2, $0xF400;
	s4 =	sadd.s32 $0xFFFFFFB0, s30;
	[sflag:s22] =	ssyncadd.s32 $0xFFFFD800  }
0x61: {  	[tilespmem:s26], [sflag:$0x2] =	stream.indirect.gather [hbm4b:s1+s25], $0x80, s4, s25, $0xb8;
	[tilespmem:$0x1F780] =	vst v63  }
0x62: {  	s4 =	smov.u32 s2;
	s2 =	sadd.s32 $0x400, s2;
	_ =	swait.ge [sflag:s23], $0x2800  }
0x63: {  	s0 =	sshra.s32 s31, $0x2;
	s31 =	smov.u32 s4;
	[sflag:s23] =	ssyncset.done $0x0  }
0x64: {  	s4 =	sadd.s32 $0x16780, s0;
	[sflag:s23] =	ssyncadd.s32 $0xFFFFD800  }
0x65: {  	[spmem:s3] =	stream.indirect.scatter.add.f32 [tilespmem:s21], [sflag:$0x3], $0x80, s4, s25, $0xb8;
	[tilespmem:$0x1F780] =	vst v63  }
0x66: {  	_ =	swait.ge [sflag:s22], $0x2800  }
0x67: {  	[sflag:s22] =	ssyncset.done $0x0  }
0x68: {  	[sflag:s22] =	ssyncadd.s32 $0xFFFFD800  }
0x69: {  	[tilespmem:s21], [sflag:$0x1] =	stream.indirect.gather [hbm4b:s1+s25], $0x80, s30, s25, $0xb8;
	[tilespmem:$0x1F780] =	vst v63  }
0x6a: {  	_ =	swait.ge [sflag:s24], $0x2800  }
.Ltmp1:
0x6b: {  	[sflag:s24] =	ssyncset.done $0x0;
	(pc) =	sbr.rel @p0 .LBB2_4-.Ltmp1, $4  }
0x6c: {  	s0 =	sadd.s32 $0x16800, s0;
	[sflag:s24] =	ssyncadd.s32 $0xFFFFD800  }
0x6d: {  	[spmem:s3] =	stream.indirect.scatter.add.f32 [tilespmem:s26], [sflag:$0x3], $0x80, s0, s25, $0xb8;
	[tilespmem:$0x1F780] =	vst v63  }
0x6e: {  	_ =	swait.ge [sflag:s22], $0x2800  }
0x6f: {  	s30 =	sadd.s32 $0xA0, s30;
	[sflag:s22] =	ssyncset.done $0x0  }
0x70: {  	s0 =	sadd.s32 $0xFFFFFFB0, s30;
	[sflag:s22] =	ssyncadd.s32 $0xFFFFD800  }
0x71: {  	[tilespmem:s26], [sflag:$0x2] =	stream.indirect.gather [hbm4b:s1+s25], $0x80, s0, s25, $0xb8;
	[tilespmem:$0x1F780] =	vst v63  }
0x72: {  	_ =	swait.ge [sflag:s23], $0x2800  }
0x73: {  	s4 =	sshra.s32 s31, $0x2;
	[sflag:s23] =	ssyncset.done $0x0  }
0x74: {  	s2 =	sadd.s32 $0x16780, s4;
	[sflag:s23] =	ssyncadd.s32 $0xFFFFD800  }
0x75: {  	[spmem:s3] =	stream.indirect.scatter.add.f32 [tilespmem:s21], [sflag:$0x3], $0x80, s2, s25, $0xb8;
	[tilespmem:$0x1F780] =	vst v63  }
0x76: {  	_ =	swait.ge [sflag:s22], $0x2800  }
0x77: {  	[sflag:s22] =	ssyncset.done $0x0  }
0x78: {  	[sflag:s22] =	ssyncadd.s32 $0xFFFFD800  }
0x79: {  	[tilespmem:s21], [sflag:$0x1] =	stream.indirect.gather [hbm4b:s1+s25], $0x80, s30, s25, $0xb8;
	[tilespmem:$0x1F780] =	vst v63  }
0x7a: {  	_ =	swait.ge [sflag:s24], $0x2800  }
0x7b: {  	[sflag:s24] =	ssyncset.done $0x0  }
0x7c: {  	s0 =	sadd.s32 $0x16800, s4;
	[sflag:s24] =	ssyncadd.s32 $0xFFFFD800  }
0x7d: {  	[spmem:s3] =	stream.indirect.scatter.add.f32 [tilespmem:s26], [sflag:$0x3], $0x80, s0, s25, $0xb8;
	[tilespmem:$0x1F780] =	vst v63  }
0x7e: {  	_ =	swait.ge [sflag:s22], $0x2800  }
0x7f: {  	[sflag:s22] =	ssyncset.done $0x0  }
0x80: {  	[sflag:s22] =	ssyncadd.s32 $0xFFFFD800  }
0x81: {  	_ =	swait.ge [sflag:s23], $0x2800  }
0x82: {  	[sflag:s23] =	ssyncset.done $0x0  }
0x83: {  	[sflag:s23] =	ssyncadd.s32 $0xFFFFD800  }
0x84: {  	[spmem:s3] =	stream.indirect.scatter.add.f32 [tilespmem:s21], [sflag:$0x3], $0x80, s28, s25, $0xb8;
	[tilespmem:$0x1F780] =	vst v63  }
0x85: {  	s31 =	sshrl.u32 s7, $0x3;
	_ =	swait.ge [sflag:s22], $0x2800  }
0x86: {  	s29 =	sadd.s32 $0x1, s29;
	s30 =	stileid.u32;
	[sflag:s22] =	ssyncset.done $0x0  }
0x87: {  	p0 =	sne.s32 s29, s16;
	s0 =	sshll.u32 s30, $0x6;
	[sflag:s22] =	ssyncadd.s32 $0xFFFFD800  }
.Ltmp2:
0x88: {  	s0 =	sor.u32 $0x1C03, s0;
	[bflag:$0x0] =	sbarrier.arrive $0xFFFF;
	(pc) =	sbr.rel @p0 .LBB2_1-.Ltmp2, $4  }
0x89: {  	[hbm:s15], [sflag:s0] =	dma.local [spmem:s31], $0x2800  }
0x8a: {  	_ =	swait.ge [sflag:s22], $0x2800  }
0x8b: {  	[sflag:s22] =	ssyncset.done $0x0  }
0x8c: {  	[sflag:s22] =	ssyncadd.s32 $0xFFFFD800  }
0x8d: {  	_ =	sfence.sel $0x180000  }
0x8e: {  	[bflag:$0x0] =	sbarrier.arrive $0xFFFF  }
0x8f: {  	_ =	strace $0x9000004A  }
0x90: {  	s0 =	stileid.u32;
	[bflag:$0x2] =	sbarrier.arrive $0xFFFF  }
0x91: {  	p0 =	sne.s32 s0, $0x0;
	s0 =	rddreg [dreg:$0x4]  }
0x92: {  	s0 =	sadd.s32 @!p0 $0x100000, s0  }
0x93: {  	[sflag:s0] =	ssyncadd.tile.s32 @!p0 $0x1;
	_ =	shalt  }
.Lfunc_end2:
_tile_overlayer_lowered:
.L_overlay_start_2:
0x94: {  	(tag) =	ssettag $0x2  }
0x95: {  	s0 =	rddreg [dreg:$0x0];
	s2 =	stileid.u32  }
0x96: {  	s1 =	rddreg [dreg:$0x1];
	p0 =	sne.s32 s2, $0x0  }
0x97: {  	s3 =	rddreg [dreg:$0x2];
	[bflag:$0x3] =	sbarrier.arrive $0xFFFF;
	s2 =	simm.s32 @!p0 $0x1C03  }
0x98: {  	[timem:s3], [sflag:s2] =	dma.local @!p0 [hbm:s0], s1  }
0x99: {  	s0 =	simm.s32 @!p0 $0x3  }
0x9a: {  	_ =	swait.ge @!p0 [sflag:s0], s1  }
0x9b: {  	s1 =	ssub.s32 @!p0 $0x0, s1;
	[sflag:s0] =	ssyncset.done @!p0 $0x0  }
0x9c: {  	[sflag:s0] =	ssyncadd.s32 @!p0 s1  }
0x9d: {  	[bflag:$0x3] =	sbarrier.arrive $0xFFFF  }
0x9e: {  	_ =	shalt  }

</sc_bundles>
